<compile_context>
chip_gen: v7x
topology: tpu7x:2x2x1
jax: 0.10.2.dev20260603
libtpu: 0.0.44.dev20260713+nightly
codegen_flags: <defaults>
</compile_context>

<pallas_src>
import numpy as np
import jax
import jax.numpy as jnp
from jax import lax
from jax.experimental import pallas as pl
from jax.experimental.pallas import tpu as pltpu
from jax.experimental.pallas import tpu_sc as plsc

B = 16
S = 64
K = 3
F = 384
EDIM = 32
PDIM = 32
TAGS = 7
OUTW = 2 * F + EDIM + PDIM
TAIL0 = 2 * F

_base = np.arange(1, S + 1)
_emo = np.repeat(_base, S)
_cau = np.tile(_base, S)
_rel = _cau - _emo
_msk = np.abs(_rel) <= K
I_P = (_emo[_msk] - 1).astype(np.int32)
J_P = (_cau[_msk] - 1).astype(np.int32)
R_P = (_rel[_msk] + K).astype(np.int32)
NPAIR = int(I_P.shape[0])
EMO_CAU = np.stack([_emo[_msk], _cau[_msk]], axis=1).astype(np.int32)

_u = np.arange(2 * K + 1)
_counts = (S - np.abs(_u - K)).astype(np.float64)
COEFF = (np.exp(-((_u[:, None] - _u[None, :]) ** 2).astype(np.float64))
         * _counts[None, :])

SEL_E = np.zeros((NPAIR, S), np.float32)
SEL_E[np.arange(NPAIR), I_P] = 1.0
_selr = np.zeros((NPAIR, TAGS), np.float64)
_selr[np.arange(NPAIR), R_P] = 1.0
SELR_COEFF = (_selr @ COEFF).astype(np.float32)

NW = 32
PPW = 14
USLOT = 4
CSLOT = 10


def _isent(p):
    lo = jnp.where(p < 4, 0, jnp.where(p < 9, 1, 2))
    hi = jnp.where(p < 427, 61, jnp.where(p < 432, 62, 63))
    return jnp.where(p < 15, lo, jnp.where(p < 421, (p - 15) // 7 + 3, hi))


def _gstart(i):
    lo = jnp.where(i == 0, 0, jnp.where(i == 1, 4, 9))
    hi = jnp.where(i == 62, 427, 432)
    return jnp.where(i < 3, lo, jnp.where(i < 62, 15 + 7 * (i - 3), hi))


def _jsent(p, i):
    return jnp.maximum(0, i - K) + (p - _gstart(i))


def _sc_body(he, hc, out, gidxuv, cidxv, ubuf, cbuf, semu, semc):
    cid = lax.axis_index("c")
    sid = lax.axis_index("s")
    wid = sid * 2 + cid
    s0 = jnp.minimum(wid * PPW, NPAIR - PPW)
    i0 = _isent(s0)
    jmin = jnp.maximum(0, i0 - K)

    bvec = jnp.arange(16, dtype=jnp.int32) * S
    for m in range(USLOT):
        gidxuv[pl.ds(m * B, B)] = bvec + jnp.minimum(i0 + m, S - 1)
    for m in range(CSLOT):
        cidxv[m // 5, pl.ds((m % 5) * B, B)] = bvec + jnp.minimum(
            jmin + m, S - 1)

    gu = pltpu.async_copy(he.at[gidxuv], ubuf, semu)
    gc0 = pltpu.async_copy(hc.at[cidxv.at[0]], cbuf.at[pl.ds(0, 5 * B)], semc)
    gc1 = pltpu.async_copy(hc.at[cidxv.at[1]], cbuf.at[pl.ds(5 * B, 5 * B)],
                           semc)

    ms, mcs = [], []
    for k in range(PPW):
        i = _isent(s0 + k)
        ms.append(i - i0)
        mcs.append(_jsent(s0 + k, i) - jmin)

    gu.wait()
    hw = []
    for k in range(PPW):
        hw.append(pltpu.async_copy(
            ubuf.at[pl.ds(ms[k] * B, B)],
            out.at[s0 + k, :, pl.ds(0, F)], semu))
    gc0.wait()
    gc1.wait()
    for k in range(PPW):
        hw.append(pltpu.async_copy(
            cbuf.at[pl.ds(mcs[k] * B, B)],
            out.at[s0 + k, :, pl.ds(F, F)], semc))
    for d in hw:
        d.wait()


def _tc_tail_body(pe_ref, pos_ref, etab_ref, sele_ref, selrc_ref, big_ref,
                  out_ref):
    pe = pe_ref[...]
    am = jnp.argmax(pe, axis=-1)
    onehot = (lax.broadcasted_iota(jnp.int32, (B, S, TAGS), 2)
              == am[:, :, None]).astype(jnp.float32)
    emo_all = lax.dot_general(onehot, etab_ref[...], (((2,), (0,)), ((), ())),
                              precision=lax.Precision.HIGHEST)
    emo_pairs = lax.dot_general(sele_ref[...], emo_all,
                                (((1,), (1,)), ((), ())),
                                precision=lax.Precision.HIGHEST)
    rel = lax.dot_general(selrc_ref[...], pos_ref[...],
                          (((1,), (0,)), ((), ())),
                          precision=lax.Precision.HIGHEST)
    rel_pairs = jnp.broadcast_to(rel[:, None, :], (NPAIR, B, PDIM))
    out_ref[:, :, 0:EDIM] = emo_pairs
    out_ref[:, :, EDIM:EDIM + PDIM] = rel_pairs


def kernel(doc_sents_he, doc_sents_hc, pred_emo, pos_emb_weight,
           emo_emb_weight):
    he2 = doc_sents_he.reshape(B * S, F)
    hc2 = doc_sents_hc.reshape(B * S, F)

    mesh = plsc.VectorSubcoreMesh(core_axis_name="c", subcore_axis_name="s")
    scfn = pl.kernel(
        _sc_body,
        out_type=jax.ShapeDtypeStruct((NPAIR, B, OUTW), jnp.float32),
        mesh=mesh,
        scratch_types=[
            pltpu.VMEM((USLOT * B,), jnp.int32),
            pltpu.VMEM((2, 5 * B), jnp.int32),
            pltpu.VMEM((USLOT * B, F), jnp.float32),
            pltpu.VMEM((CSLOT * B, F), jnp.float32),
            pltpu.SemaphoreType.DMA,
            pltpu.SemaphoreType.DMA,
        ],
        compiler_params=pltpu.CompilerParams(needs_layout_passes=False),
    )
    big = scfn(he2, hc2)

    big = pl.pallas_call(
        _tc_tail_body,
        grid=(1,),
        in_specs=[
            pl.BlockSpec((B, S, TAGS), lambda i: (0, 0, 0)),
            pl.BlockSpec((TAGS, PDIM), lambda i: (0, 0)),
            pl.BlockSpec((TAGS, EDIM), lambda i: (0, 0)),
            pl.BlockSpec((NPAIR, S), lambda i: (0, 0)),
            pl.BlockSpec((NPAIR, TAGS), lambda i: (0, 0)),
            pl.BlockSpec(memory_space=pl.ANY),
        ],
        out_specs=pl.BlockSpec((NPAIR, B, 128), lambda i: (0, 0, TAIL0 // 128)),
        out_shape=jax.ShapeDtypeStruct((NPAIR, B, OUTW), jnp.float32),
        input_output_aliases={5: 0},
    )(pred_emo, pos_emb_weight, emo_emb_weight, jnp.asarray(SEL_E),
      jnp.asarray(SELR_COEFF), big)

    couples = jnp.transpose(big, (1, 0, 2))
    return (couples, jnp.asarray(EMO_CAU))

# --- scband reference (transcript-rebuilt; emitter-appended) ---
"""Pipeline reference for scband-pair-generate-68006512165078 (READ-ONLY COPY).

The authoritative reference and input builder live on the scoring server;
editing this copy changes nothing except your own understanding.
"""

import jax, jax.numpy as jnp
import numpy as np

B = 16
S = 64
K = 3
F = 384
EDIM = 32
PDIM = 32
TAGS = 7


def _pair_index(S, K):
    base = np.arange(1, S + 1)
    emo_pos = np.repeat(base, S)
    cau_pos = np.tile(base, S)
    rel = cau_pos - emo_pos
    m = np.abs(rel) <= K
    idx = np.nonzero(m)[0]
    return idx, rel[idx], emo_pos[idx], cau_pos[idx]


def setup_inputs(seed: int = 0):
    key = jax.random.key(seed)
    k1, k2, k3, k4, k5 = jax.random.split(key, 5)
    return {
        "doc_sents_he": jax.random.normal(k1, (B, S, F), dtype=jnp.float32),
        "doc_sents_hc": jax.random.normal(k2, (B, S, F), dtype=jnp.float32),
        "pred_emo": jax.random.normal(k3, (B, S, TAGS), dtype=jnp.float32),
        "pos_emb_weight": jax.random.uniform(k4, (2 * K + 1, PDIM), dtype=jnp.float32, minval=-0.5, maxval=0.5),
        "emo_emb_weight": jax.random.uniform(k5, (TAGS, EDIM), dtype=jnp.float32, minval=-0.5, maxval=0.5),
    }


def reference(doc_sents_he, doc_sents_hc, pred_emo, pos_emb_weight, emo_emb_weight):
    # argmax over emotion logits -> predicted emotion label per sentence
    pe = pred_emo.reshape(-1, TAGS)
    pred = jnp.argmax(pe, axis=1).reshape(B, -1)
    emo_lab = jnp.take(emo_emb_weight, pred, axis=0)  # [B, S, EDIM]

    idx_np, rel_sel_np, emo_pos_np, cau_pos_np = _pair_index(S, K)
    idx = jnp.asarray(idx_np)

    # couple_generator: P_left = repeat-interleave He along seq; P_right = tile Hc
    P_left = jnp.repeat(doc_sents_he, S, axis=1)          # [B, S*S, F]
    emo_rep = jnp.repeat(emo_lab, S, axis=1)              # [B, S*S, EDIM]
    P_right = jnp.tile(doc_sents_hc, (1, S, 1))           # [B, S*S, F]
    P = jnp.concatenate([P_left, P_right, emo_rep], axis=2)  # [B, S*S, 2F+EDIM]

    # masked_select over relative-position window |rel| <= K (seq_len > K+1)
    P = jnp.take(P, idx, axis=1)                          # [B, Nc, 2F+EDIM]

    rel_pos = jnp.asarray(rel_sel_np) + K                 # [Nc]
    rel_pos_emb = jnp.take(pos_emb_weight, rel_pos, axis=0)  # [Nc, PDIM]

    # kernel_generator: exp(-(r_i - r_j)^2)
    rf = rel_pos.astype(jnp.float32)
    diff = rf[:, None] - rf[None, :]
    kernel = jnp.exp(-jnp.power(diff, 2))                 # [Nc, Nc]

    rel_pos_emb = kernel @ rel_pos_emb                    # [Nc, PDIM] (same kernel for every batch elem)
    rel_pos_emb_b = jnp.broadcast_to(rel_pos_emb[None], (B,) + rel_pos_emb.shape)

    couples_pos_emo = jnp.concatenate([P, rel_pos_emb_b], axis=2)  # [B, Nc, 2F+EDIM+PDIM]
    emo_cau_pos = jnp.stack([jnp.asarray(emo_pos_np), jnp.asarray(cau_pos_np)], axis=1)
    return (couples_pos_emo, emo_cau_pos)

if __name__ == "__main__":
    import jax
    _d = setup_inputs()
    print(jax.jit(kernel)(*tuple(_d.values())))

</pallas_src>

<mosaic_0001>
#map = affine_map<(d0, d1) -> (0, 0)>
#map1 = affine_map<(d0, d1) -> (0, 0, 0)>
module attributes {stable_mosaic.version = 14 : i64} {
  func.func @_sc_body(%arg0: i32, %arg1: i32, %arg2: memref<1024x384xf32, #tpu.memory_space<hbm>>, %arg3: memref<1024x384xf32, #tpu.memory_space<hbm>>, %arg4: memref<436x16x832xf32, #tpu.memory_space<hbm>>, %arg5: memref<64xi32, #tpu.memory_space<vmem>>, %arg6: memref<2x80xi32, #tpu.memory_space<vmem>>, %arg7: memref<64x384xf32, #tpu.memory_space<vmem>>, %arg8: memref<160x384xf32, #tpu.memory_space<vmem>>, %arg9: memref<!tpu.dma_semaphore, #tpu.memory_space<semaphore_mem>>, %arg10: memref<!tpu.dma_semaphore, #tpu.memory_space<semaphore_mem>>) attributes {dimension_semantics = [#tpu.dimension_semantics<core_parallel>, #tpu.dimension_semantics<subcore_parallel>], iteration_bounds = array<i64: 2, 16>, scalar_prefetch = 0 : i64, scratch_operands = 6 : i64, tpu.core_type = #tpu.core_type<sc_vector_subcore>, window_params = [{transform_indices = #map}, {transform_indices = #map}, {transform_indices = #map1}]} {
    %mul3A = arith.constant 2 : i32
    %mul3A_0 = arith.muli %arg1, %mul3A : i32
    %add3A = arith.addi %mul3A_0, %arg0 : i32
    %mul3A_1 = arith.constant 14 : i32
    %mul3A_2 = arith.muli %add3A, %mul3A_1 : i32
    %min3A = arith.constant 422 : i32
    %min3A_3 = arith.minsi %mul3A_2, %min3A : i32
    %lt3A = arith.constant 4 : i32
    %lt3A_4 = arith.cmpi slt, %min3A_3, %lt3A : i32
    %lt3A_5 = arith.constant 9 : i32
    %lt3A_6 = arith.cmpi slt, %min3A_3, %lt3A_5 : i32
    %jit3A = arith.constant 1 : i32
    %jit3A_7 = arith.constant 2 : i32
    %select_n3A = arith.select %lt3A_6, %jit3A, %jit3A_7 : i32
    %jit3A_8 = arith.constant 0 : i32
    %select_n3A_9 = arith.select %lt3A_4, %jit3A_8, %select_n3A : i32
    %lt3A_10 = arith.constant 427 : i32
    %lt3A_11 = arith.cmpi slt, %min3A_3, %lt3A_10 : i32
    %lt3A_12 = arith.constant 432 : i32
    %lt3A_13 = arith.cmpi slt, %min3A_3, %lt3A_12 : i32
    %jit3A_14 = arith.constant 62 : i32
    %jit3A_15 = arith.constant 63 : i32
    %select_n3A_16 = arith.select %lt3A_13, %jit3A_14, %jit3A_15 : i32
    %jit3A_17 = arith.constant 61 : i32
    %select_n3A_18 = arith.select %lt3A_11, %jit3A_17, %select_n3A_16 : i32
    %lt3A_19 = arith.constant 15 : i32
    %lt3A_20 = arith.cmpi slt, %min3A_3, %lt3A_19 : i32
    %lt3A_21 = arith.constant 421 : i32
    %lt3A_22 = arith.cmpi slt, %min3A_3, %lt3A_21 : i32
    %sub3A = arith.constant 15 : i32
    %sub3A_23 = arith.subi %min3A_3, %sub3A : i32
    %jit3A_24 = arith.constant 7 : i32
    %div3A = arith.divsi %sub3A_23, %jit3A_24 : i32
    %sign3A = arith.constant 0 : i32
    %sign3A_25 = arith.cmpi sgt, %sub3A_23, %sign3A : i32
    %sign3A_26 = arith.extui %sign3A_25 : i1 to i32
    %sign3A_27 = arith.constant 0 : i32
    %sign3A_28 = arith.cmpi slt, %sub3A_23, %sign3A_27 : i32
    %sign3A_29 = arith.extui %sign3A_28 : i1 to i32
    %sign3A_30 = arith.subi %sign3A_26, %sign3A_29 : i32
    %sign3A_31 = arith.constant 0 : i32
    %sign3A_32 = arith.cmpi sgt, %jit3A_24, %sign3A_31 : i32
    %sign3A_33 = arith.extui %sign3A_32 : i1 to i32
    %sign3A_34 = arith.constant 0 : i32
    %sign3A_35 = arith.cmpi slt, %jit3A_24, %sign3A_34 : i32
    %sign3A_36 = arith.extui %sign3A_35 : i1 to i32
    %sign3A_37 = arith.subi %sign3A_33, %sign3A_36 : i32
    %ne3A = arith.cmpi ne, %sign3A_30, %sign3A_37 : i32
    %rem3A = arith.remsi %sub3A_23, %jit3A_24 : i32
    %ne3A_38 = arith.constant 0 : i32
    %ne3A_39 = arith.cmpi ne, %rem3A, %ne3A_38 : i32
    %and3A = arith.andi %ne3A, %ne3A_39 : i1
    %sub3A_40 = arith.constant 1 : i32
    %sub3A_41 = arith.subi %div3A, %sub3A_40 : i32
    %select_n3A_42 = arith.select %and3A, %sub3A_41, %div3A : i32
    %add3A_43 = arith.constant 3 : i32
    %add3A_44 = arith.addi %select_n3A_42, %add3A_43 : i32
    %select_n3A_45 = arith.select %lt3A_22, %add3A_44, %select_n3A_18 : i32
    %select_n3A_46 = arith.select %lt3A_20, %select_n3A_9, %select_n3A_45 : i32
    %sub3A_47 = arith.constant 3 : i32
    %sub3A_48 = arith.subi %select_n3A_46, %sub3A_47 : i32
    %max3A = arith.constant 0 : i32
    %max3A_49 = arith.maxsi %max3A, %sub3A_48 : i32
    %iota3A = tpu.iota {dimensions = array<i32: 0>} : vector<16xi32>
    %mul3A_50 = arith.constant 64 : i32
    %mul3A_51 = vector.broadcast %mul3A_50 : i32 to vector<16xi32>
    %mul3A_52 = arith.muli %iota3A, %mul3A_51 : vector<16xi32>
    %add3A_53 = arith.constant 0 : i32
    %add3A_54 = arith.addi %select_n3A_46, %add3A_53 : i32
    %min3A_55 = arith.constant 63 : i32
    %min3A_56 = arith.minsi %add3A_54, %min3A_55 : i32
    %add3A_57 = vector.broadcast %min3A_56 : i32 to vector<16xi32>
    %add3A_58 = arith.addi %mul3A_52, %add3A_57 : vector<16xi32>
    %swap3A = arith.constant 0 : index
    %swap3A_59 = tpu.vector_load %arg5[%swap3A] {strides = array<i32>} : memref<64xi32, #tpu.memory_space<vmem>>, vector<16xi32>,
    tpu.vector_store %arg5[%swap3A], %add3A_58 {strides = array<i32>} : memref<64xi32, #tpu.memory_space<vmem>>, vector<16xi32>,
    %add3A_60 = arith.constant 1 : i32
    %add3A_61 = arith.addi %select_n3A_46, %add3A_60 : i32
    %min3A_62 = arith.constant 63 : i32
    %min3A_63 = arith.minsi %add3A_61, %min3A_62 : i32
    %add3A_64 = vector.broadcast %min3A_63 : i32 to vector<16xi32>
    %add3A_65 = arith.addi %mul3A_52, %add3A_64 : vector<16xi32>
    %swap3A_66 = arith.constant 16 : index
    %swap3A_67 = tpu.vector_load %arg5[%swap3A_66] {strides = array<i32>} : memref<64xi32, #tpu.memory_space<vmem>>, vector<16xi32>,
    tpu.vector_store %arg5[%swap3A_66], %add3A_65 {strides = array<i32>} : memref<64xi32, #tpu.memory_space<vmem>>, vector<16xi32>,
    %add3A_68 = arith.constant 2 : i32
    %add3A_69 = arith.addi %select_n3A_46, %add3A_68 : i32
    %min3A_70 = arith.constant 63 : i32
    %min3A_71 = arith.minsi %add3A_69, %min3A_70 : i32
    %add3A_72 = vector.broadcast %min3A_71 : i32 to vector<16xi32>
    %add3A_73 = arith.addi %mul3A_52, %add3A_72 : vector<16xi32>
    %swap3A_74 = arith.constant 32 : index
    %swap3A_75 = tpu.vector_load %arg5[%swap3A_74] {strides = array<i32>} : memref<64xi32, #tpu.memory_space<vmem>>, vector<16xi32>,
    tpu.vector_store %arg5[%swap3A_74], %add3A_73 {strides = array<i32>} : memref<64xi32, #tpu.memory_space<vmem>>, vector<16xi32>,
    %add3A_76 = arith.constant 3 : i32
    %add3A_77 = arith.addi %select_n3A_46, %add3A_76 : i32
    %min3A_78 = arith.constant 63 : i32
    %min3A_79 = arith.minsi %add3A_77, %min3A_78 : i32
    %add3A_80 = vector.broadcast %min3A_79 : i32 to vector<16xi32>
    %add3A_81 = arith.addi %mul3A_52, %add3A_80 : vector<16xi32>
    %swap3A_82 = arith.constant 48 : index
    %swap3A_83 = tpu.vector_load %arg5[%swap3A_82] {strides = array<i32>} : memref<64xi32, #tpu.memory_space<vmem>>, vector<16xi32>,
    tpu.vector_store %arg5[%swap3A_82], %add3A_81 {strides = array<i32>} : memref<64xi32, #tpu.memory_space<vmem>>, vector<16xi32>,
    %add3A_84 = arith.constant 0 : i32
    %add3A_85 = arith.addi %max3A_49, %add3A_84 : i32
    %min3A_86 = arith.constant 63 : i32
    %min3A_87 = arith.minsi %add3A_85, %min3A_86 : i32
    %add3A_88 = vector.broadcast %min3A_87 : i32 to vector<16xi32>
    %add3A_89 = arith.addi %mul3A_52, %add3A_88 : vector<16xi32>
    %swap3A_90 = arith.constant 0 : i32
    %swap3A_91 = arith.index_cast %swap3A_90 : i32 to index
    %swap3A_92 = arith.constant 0 : index
    %swap3A_93 = tpu.vector_load %arg6[%swap3A_91, %swap3A_92] {strides = array<i32>} : memref<2x80xi32, #tpu.memory_space<vmem>>, vector<16xi32>,
    tpu.vector_store %arg6[%swap3A_91, %swap3A_92], %add3A_89 {strides = array<i32>} : memref<2x80xi32, #tpu.memory_space<vmem>>, vector<16xi32>,
    %add3A_94 = arith.constant 1 : i32
    %add3A_95 = arith.addi %max3A_49, %add3A_94 : i32
    %min3A_96 = arith.constant 63 : i32
    %min3A_97 = arith.minsi %add3A_95, %min3A_96 : i32
    %add3A_98 = vector.broadcast %min3A_97 : i32 to vector<16xi32>
    %add3A_99 = arith.addi %mul3A_52, %add3A_98 : vector<16xi32>
    %swap3A_100 = arith.constant 0 : i32
    %swap3A_101 = arith.index_cast %swap3A_100 : i32 to index
    %swap3A_102 = arith.constant 16 : index
    %swap3A_103 = tpu.vector_load %arg6[%swap3A_101, %swap3A_102] {strides = array<i32>} : memref<2x80xi32, #tpu.memory_space<vmem>>, vector<16xi32>,
    tpu.vector_store %arg6[%swap3A_101, %swap3A_102], %add3A_99 {strides = array<i32>} : memref<2x80xi32, #tpu.memory_space<vmem>>, vector<16xi32>,
    %add3A_104 = arith.constant 2 : i32
    %add3A_105 = arith.addi %max3A_49, %add3A_104 : i32
    %min3A_106 = arith.constant 63 : i32
    %min3A_107 = arith.minsi %add3A_105, %min3A_106 : i32
    %add3A_108 = vector.broadcast %min3A_107 : i32 to vector<16xi32>
    %add3A_109 = arith.addi %mul3A_52, %add3A_108 : vector<16xi32>
    %swap3A_110 = arith.constant 0 : i32
    %swap3A_111 = arith.index_cast %swap3A_110 : i32 to index
    %swap3A_112 = arith.constant 32 : index
    %swap3A_113 = tpu.vector_load %arg6[%swap3A_111, %swap3A_112] {strides = array<i32>} : memref<2x80xi32, #tpu.memory_space<vmem>>, vector<16xi32>,
    tpu.vector_store %arg6[%swap3A_111, %swap3A_112], %add3A_109 {strides = array<i32>} : memref<2x80xi32, #tpu.memory_space<vmem>>, vector<16xi32>,
    %add3A_114 = arith.constant 3 : i32
    %add3A_115 = arith.addi %max3A_49, %add3A_114 : i32
    %min3A_116 = arith.constant 63 : i32
    %min3A_117 = arith.minsi %add3A_115, %min3A_116 : i32
    %add3A_118 = vector.broadcast %min3A_117 : i32 to vector<16xi32>
    %add3A_119 = arith.addi %mul3A_52, %add3A_118 : vector<16xi32>
    %swap3A_120 = arith.constant 0 : i32
    %swap3A_121 = arith.index_cast %swap3A_120 : i32 to index
    %swap3A_122 = arith.constant 48 : index
    %swap3A_123 = tpu.vector_load %arg6[%swap3A_121, %swap3A_122] {strides = array<i32>} : memref<2x80xi32, #tpu.memory_space<vmem>>, vector<16xi32>,
    tpu.vector_store %arg6[%swap3A_121, %swap3A_122], %add3A_119 {strides = array<i32>} : memref<2x80xi32, #tpu.memory_space<vmem>>, vector<16xi32>,
    %add3A_124 = arith.constant 4 : i32
    %add3A_125 = arith.addi %max3A_49, %add3A_124 : i32
    %min3A_126 = arith.constant 63 : i32
    %min3A_127 = arith.minsi %add3A_125, %min3A_126 : i32
    %add3A_128 = vector.broadcast %min3A_127 : i32 to vector<16xi32>
    %add3A_129 = arith.addi %mul3A_52, %add3A_128 : vector<16xi32>
    %swap3A_130 = arith.constant 0 : i32
    %swap3A_131 = arith.index_cast %swap3A_130 : i32 to index
    %swap3A_132 = arith.constant 64 : index
    %swap3A_133 = tpu.vector_load %arg6[%swap3A_131, %swap3A_132] {strides = array<i32>} : memref<2x80xi32, #tpu.memory_space<vmem>>, vector<16xi32>,
    tpu.vector_store %arg6[%swap3A_131, %swap3A_132], %add3A_129 {strides = array<i32>} : memref<2x80xi32, #tpu.memory_space<vmem>>, vector<16xi32>,
    %add3A_134 = arith.constant 5 : i32
    %add3A_135 = arith.addi %max3A_49, %add3A_134 : i32
    %min3A_136 = arith.constant 63 : i32
    %min3A_137 = arith.minsi %add3A_135, %min3A_136 : i32
    %add3A_138 = vector.broadcast %min3A_137 : i32 to vector<16xi32>
    %add3A_139 = arith.addi %mul3A_52, %add3A_138 : vector<16xi32>
    %swap3A_140 = arith.constant 1 : i32
    %swap3A_141 = arith.index_cast %swap3A_140 : i32 to index
    %swap3A_142 = arith.constant 0 : index
    %swap3A_143 = tpu.vector_load %arg6[%swap3A_141, %swap3A_142] {strides = array<i32>} : memref<2x80xi32, #tpu.memory_space<vmem>>, vector<16xi32>,
    tpu.vector_store %arg6[%swap3A_141, %swap3A_142], %add3A_139 {strides = array<i32>} : memref<2x80xi32, #tpu.memory_space<vmem>>, vector<16xi32>,
    %add3A_144 = arith.constant 6 : i32
    %add3A_145 = arith.addi %max3A_49, %add3A_144 : i32
    %min3A_146 = arith.constant 63 : i32
    %min3A_147 = arith.minsi %add3A_145, %min3A_146 : i32
    %add3A_148 = vector.broadcast %min3A_147 : i32 to vector<16xi32>
    %add3A_149 = arith.addi %mul3A_52, %add3A_148 : vector<16xi32>
    %swap3A_150 = arith.constant 1 : i32
    %swap3A_151 = arith.index_cast %swap3A_150 : i32 to index
    %swap3A_152 = arith.constant 16 : index
    %swap3A_153 = tpu.vector_load %arg6[%swap3A_151, %swap3A_152] {strides = array<i32>} : memref<2x80xi32, #tpu.memory_space<vmem>>, vector<16xi32>,
    tpu.vector_store %arg6[%swap3A_151, %swap3A_152], %add3A_149 {strides = array<i32>} : memref<2x80xi32, #tpu.memory_space<vmem>>, vector<16xi32>,
    %add3A_154 = arith.constant 7 : i32
    %add3A_155 = arith.addi %max3A_49, %add3A_154 : i32
    %min3A_156 = arith.constant 63 : i32
    %min3A_157 = arith.minsi %add3A_155, %min3A_156 : i32
    %add3A_158 = vector.broadcast %min3A_157 : i32 to vector<16xi32>
    %add3A_159 = arith.addi %mul3A_52, %add3A_158 : vector<16xi32>
    %swap3A_160 = arith.constant 1 : i32
    %swap3A_161 = arith.index_cast %swap3A_160 : i32 to index
    %swap3A_162 = arith.constant 32 : index
    %swap3A_163 = tpu.vector_load %arg6[%swap3A_161, %swap3A_162] {strides = array<i32>} : memref<2x80xi32, #tpu.memory_space<vmem>>, vector<16xi32>,
    tpu.vector_store %arg6[%swap3A_161, %swap3A_162], %add3A_159 {strides = array<i32>} : memref<2x80xi32, #tpu.memory_space<vmem>>, vector<16xi32>,
    %add3A_164 = arith.constant 8 : i32
    %add3A_165 = arith.addi %max3A_49, %add3A_164 : i32
    %min3A_166 = arith.constant 63 : i32
    %min3A_167 = arith.minsi %add3A_165, %min3A_166 : i32
    %add3A_168 = vector.broadcast %min3A_167 : i32 to vector<16xi32>
    %add3A_169 = arith.addi %mul3A_52, %add3A_168 : vector<16xi32>
    %swap3A_170 = arith.constant 1 : i32
    %swap3A_171 = arith.index_cast %swap3A_170 : i32 to index
    %swap3A_172 = arith.constant 48 : index
    %swap3A_173 = tpu.vector_load %arg6[%swap3A_171, %swap3A_172] {strides = array<i32>} : memref<2x80xi32, #tpu.memory_space<vmem>>, vector<16xi32>,
    tpu.vector_store %arg6[%swap3A_171, %swap3A_172], %add3A_169 {strides = array<i32>} : memref<2x80xi32, #tpu.memory_space<vmem>>, vector<16xi32>,
    %add3A_174 = arith.constant 9 : i32
    %add3A_175 = arith.addi %max3A_49, %add3A_174 : i32
    %min3A_176 = arith.constant 63 : i32
    %min3A_177 = arith.minsi %add3A_175, %min3A_176 : i32
    %add3A_178 = vector.broadcast %min3A_177 : i32 to vector<16xi32>
    %add3A_179 = arith.addi %mul3A_52, %add3A_178 : vector<16xi32>
    %swap3A_180 = arith.constant 1 : i32
    %swap3A_181 = arith.index_cast %swap3A_180 : i32 to index
    %swap3A_182 = arith.constant 64 : index
    %swap3A_183 = tpu.vector_load %arg6[%swap3A_181, %swap3A_182] {strides = array<i32>} : memref<2x80xi32, #tpu.memory_space<vmem>>, vector<16xi32>,
    tpu.vector_store %arg6[%swap3A_181, %swap3A_182], %add3A_179 {strides = array<i32>} : memref<2x80xi32, #tpu.memory_space<vmem>>, vector<16xi32>,
    %dma_start3A = arith.constant 0 : i32
    %dma_start3A_184 = arith.constant 0 : i32
    %dma_start3A_185 = tpu.memref_slice %arg2[%dma_start3A, %dma_start3A_184] : memref<1024x384xf32, #tpu.memory_space<hbm>> -> memref<1024x384xf32, #tpu.memory_space<hbm>>
    tpu.enqueue_indirect_dma source(%dma_start3A_185 : memref<1024x384xf32, #tpu.memory_space<hbm>>) target(%arg7 : memref<64x384xf32, #tpu.memory_space<vmem>>) offsets(%arg5 : memref<64xi32, #tpu.memory_space<vmem>>) semaphore(%arg9 : memref<!tpu.dma_semaphore, #tpu.memory_space<semaphore_mem>>)
    %dma_start3A_186 = arith.constant 0 : i32
    %dma_start3A_187 = arith.constant 0 : i32
    %dma_start3A_188 = arith.constant 0 : i32
    %dma_start3A_189 = tpu.memref_slice %arg8[%dma_start3A_187, %dma_start3A_188] : memref<160x384xf32, #tpu.memory_space<vmem>> -> memref<80x384xf32, #tpu.memory_space<vmem>>
    %dma_start3A_190 = arith.constant 0 : i32
    %dma_start3A_191 = tpu.memref_slice %arg6[%dma_start3A_186, %dma_start3A_190] : memref<2x80xi32, #tpu.memory_space<vmem>> -> memref<1x80xi32, #tpu.memory_space<vmem>>
    %dma_start3A_192 = tpu.memref_squeeze %dma_start3A_191 : memref<1x80xi32, #tpu.memory_space<vmem>> -> memref<80xi32, #tpu.memory_space<vmem>>
    %dma_start3A_193 = arith.constant 0 : i32
    %dma_start3A_194 = arith.constant 0 : i32
    %dma_start3A_195 = tpu.memref_slice %arg3[%dma_start3A_193, %dma_start3A_194] : memref<1024x384xf32, #tpu.memory_space<hbm>> -> memref<1024x384xf32, #tpu.memory_space<hbm>>
    tpu.enqueue_indirect_dma source(%dma_start3A_195 : memref<1024x384xf32, #tpu.memory_space<hbm>>) target(%dma_start3A_189 : memref<80x384xf32, #tpu.memory_space<vmem>>) offsets(%dma_start3A_192 : memref<80xi32, #tpu.memory_space<vmem>>) semaphore(%arg10 : memref<!tpu.dma_semaphore, #tpu.memory_space<semaphore_mem>>)
    %dma_start3A_196 = arith.constant 1 : i32
    %dma_start3A_197 = arith.constant 80 : i32
    %dma_start3A_198 = arith.constant 0 : i32
    %dma_start3A_199 = tpu.memref_slice %arg8[%dma_start3A_197, %dma_start3A_198] : memref<160x384xf32, #tpu.memory_space<vmem>> -> memref<80x384xf32, #tpu.memory_space<vmem>>
    %dma_start3A_200 = arith.constant 0 : i32
    %dma_start3A_201 = tpu.memref_slice %arg6[%dma_start3A_196, %dma_start3A_200] : memref<2x80xi32, #tpu.memory_space<vmem>> -> memref<1x80xi32, #tpu.memory_space<vmem>>
    %dma_start3A_202 = tpu.memref_squeeze %dma_start3A_201 : memref<1x80xi32, #tpu.memory_space<vmem>> -> memref<80xi32, #tpu.memory_space<vmem>>
    %dma_start3A_203 = arith.constant 0 : i32
    %dma_start3A_204 = arith.constant 0 : i32
    %dma_start3A_205 = tpu.memref_slice %arg3[%dma_start3A_203, %dma_start3A_204] : memref<1024x384xf32, #tpu.memory_space<hbm>> -> memref<1024x384xf32, #tpu.memory_space<hbm>>
    tpu.enqueue_indirect_dma source(%dma_start3A_205 : memref<1024x384xf32, #tpu.memory_space<hbm>>) target(%dma_start3A_199 : memref<80x384xf32, #tpu.memory_space<vmem>>) offsets(%dma_start3A_202 : memref<80xi32, #tpu.memory_space<vmem>>) semaphore(%arg10 : memref<!tpu.dma_semaphore, #tpu.memory_space<semaphore_mem>>)
    %add3A_206 = arith.constant 0 : i32
    %add3A_207 = arith.addi %min3A_3, %add3A_206 : i32
    %lt3A_208 = arith.constant 4 : i32
    %lt3A_209 = arith.cmpi slt, %add3A_207, %lt3A_208 : i32
    %lt3A_210 = arith.constant 9 : i32
    %lt3A_211 = arith.cmpi slt, %add3A_207, %lt3A_210 : i32
    %jit3A_212 = arith.constant 1 : i32
    %jit3A_213 = arith.constant 2 : i32
    %select_n3A_214 = arith.select %lt3A_211, %jit3A_212, %jit3A_213 : i32
    %jit3A_215 = arith.constant 0 : i32
    %select_n3A_216 = arith.select %lt3A_209, %jit3A_215, %select_n3A_214 : i32
    %lt3A_217 = arith.constant 427 : i32
    %lt3A_218 = arith.cmpi slt, %add3A_207, %lt3A_217 : i32
    %lt3A_219 = arith.constant 432 : i32
    %lt3A_220 = arith.cmpi slt, %add3A_207, %lt3A_219 : i32
    %jit3A_221 = arith.constant 62 : i32
    %jit3A_222 = arith.constant 63 : i32
    %select_n3A_223 = arith.select %lt3A_220, %jit3A_221, %jit3A_222 : i32
    %jit3A_224 = arith.constant 61 : i32
    %select_n3A_225 = arith.select %lt3A_218, %jit3A_224, %select_n3A_223 : i32
    %lt3A_226 = arith.constant 15 : i32
    %lt3A_227 = arith.cmpi slt, %add3A_207, %lt3A_226 : i32
    %lt3A_228 = arith.constant 421 : i32
    %lt3A_229 = arith.cmpi slt, %add3A_207, %lt3A_228 : i32
    %sub3A_230 = arith.constant 15 : i32
    %sub3A_231 = arith.subi %add3A_207, %sub3A_230 : i32
    %jit3A_232 = arith.constant 7 : i32
    %div3A_233 = arith.divsi %sub3A_231, %jit3A_232 : i32
    %sign3A_234 = arith.constant 0 : i32
    %sign3A_235 = arith.cmpi sgt, %sub3A_231, %sign3A_234 : i32
    %sign3A_236 = arith.extui %sign3A_235 : i1 to i32
    %sign3A_237 = arith.constant 0 : i32
    %sign3A_238 = arith.cmpi slt, %sub3A_231, %sign3A_237 : i32
    %sign3A_239 = arith.extui %sign3A_238 : i1 to i32
    %sign3A_240 = arith.subi %sign3A_236, %sign3A_239 : i32
    %sign3A_241 = arith.constant 0 : i32
    %sign3A_242 = arith.cmpi sgt, %jit3A_232, %sign3A_241 : i32
    %sign3A_243 = arith.extui %sign3A_242 : i1 to i32
    %sign3A_244 = arith.constant 0 : i32
    %sign3A_245 = arith.cmpi slt, %jit3A_232, %sign3A_244 : i32
    %sign3A_246 = arith.extui %sign3A_245 : i1 to i32
    %sign3A_247 = arith.subi %sign3A_243, %sign3A_246 : i32
    %ne3A_248 = arith.cmpi ne, %sign3A_240, %sign3A_247 : i32
    %rem3A_249 = arith.remsi %sub3A_231, %jit3A_232 : i32
    %ne3A_250 = arith.constant 0 : i32
    %ne3A_251 = arith.cmpi ne, %rem3A_249, %ne3A_250 : i32
    %and3A_252 = arith.andi %ne3A_248, %ne3A_251 : i1
    %sub3A_253 = arith.constant 1 : i32
    %sub3A_254 = arith.subi %div3A_233, %sub3A_253 : i32
    %select_n3A_255 = arith.select %and3A_252, %sub3A_254, %div3A_233 : i32
    %add3A_256 = arith.constant 3 : i32
    %add3A_257 = arith.addi %select_n3A_255, %add3A_256 : i32
    %select_n3A_258 = arith.select %lt3A_229, %add3A_257, %select_n3A_225 : i32
    %select_n3A_259 = arith.select %lt3A_227, %select_n3A_216, %select_n3A_258 : i32
    %sub3A_260 = arith.subi %select_n3A_259, %select_n3A_46 : i32
    %add3A_261 = arith.constant 0 : i32
    %add3A_262 = arith.addi %min3A_3, %add3A_261 : i32
    %sub3A_263 = arith.constant 3 : i32
    %sub3A_264 = arith.subi %select_n3A_259, %sub3A_263 : i32
    %max3A_265 = arith.constant 0 : i32
    %max3A_266 = arith.maxsi %max3A_265, %sub3A_264 : i32
    %eq3A = arith.constant 0 : i32
    %eq3A_267 = arith.cmpi eq, %select_n3A_259, %eq3A : i32
    %eq3A_268 = arith.constant 1 : i32
    %eq3A_269 = arith.cmpi eq, %select_n3A_259, %eq3A_268 : i32
    %jit3A_270 = arith.constant 4 : i32
    %jit3A_271 = arith.constant 9 : i32
    %select_n3A_272 = arith.select %eq3A_269, %jit3A_270, %jit3A_271 : i32
    %jit3A_273 = arith.constant 0 : i32
    %select_n3A_274 = arith.select %eq3A_267, %jit3A_273, %select_n3A_272 : i32
    %eq3A_275 = arith.constant 62 : i32
    %eq3A_276 = arith.cmpi eq, %select_n3A_259, %eq3A_275 : i32
    %jit3A_277 = arith.constant 427 : i32
    %jit3A_278 = arith.constant 432 : i32
    %select_n3A_279 = arith.select %eq3A_276, %jit3A_277, %jit3A_278 : i32
    %lt3A_280 = arith.constant 3 : i32
    %lt3A_281 = arith.cmpi slt, %select_n3A_259, %lt3A_280 : i32
    %lt3A_282 = arith.constant 62 : i32
    %lt3A_283 = arith.cmpi slt, %select_n3A_259, %lt3A_282 : i32
    %sub3A_284 = arith.constant 3 : i32
    %sub3A_285 = arith.subi %select_n3A_259, %sub3A_284 : i32
    %mul3A_286 = arith.constant 7 : i32
    %mul3A_287 = arith.muli %mul3A_286, %sub3A_285 : i32
    %add3A_288 = arith.constant 15 : i32
    %add3A_289 = arith.addi %add3A_288, %mul3A_287 : i32
    %select_n3A_290 = arith.select %lt3A_283, %add3A_289, %select_n3A_279 : i32
    %select_n3A_291 = arith.select %lt3A_281, %select_n3A_274, %select_n3A_290 : i32
    %sub3A_292 = arith.subi %add3A_262, %select_n3A_291 : i32
    %add3A_293 = arith.addi %max3A_266, %sub3A_292 : i32
    %sub3A_294 = arith.subi %add3A_293, %max3A_49 : i32
    %add3A_295 = arith.constant 1 : i32
    %add3A_296 = arith.addi %min3A_3, %add3A_295 : i32
    %lt3A_297 = arith.constant 4 : i32
    %lt3A_298 = arith.cmpi slt, %add3A_296, %lt3A_297 : i32
    %lt3A_299 = arith.constant 9 : i32
    %lt3A_300 = arith.cmpi slt, %add3A_296, %lt3A_299 : i32
    %jit3A_301 = arith.constant 1 : i32
    %jit3A_302 = arith.constant 2 : i32
    %select_n3A_303 = arith.select %lt3A_300, %jit3A_301, %jit3A_302 : i32
    %jit3A_304 = arith.constant 0 : i32
    %select_n3A_305 = arith.select %lt3A_298, %jit3A_304, %select_n3A_303 : i32
    %lt3A_306 = arith.constant 427 : i32
    %lt3A_307 = arith.cmpi slt, %add3A_296, %lt3A_306 : i32
    %lt3A_308 = arith.constant 432 : i32
    %lt3A_309 = arith.cmpi slt, %add3A_296, %lt3A_308 : i32
    %jit3A_310 = arith.constant 62 : i32
    %jit3A_311 = arith.constant 63 : i32
    %select_n3A_312 = arith.select %lt3A_309, %jit3A_310, %jit3A_311 : i32
    %jit3A_313 = arith.constant 61 : i32
    %select_n3A_314 = arith.select %lt3A_307, %jit3A_313, %select_n3A_312 : i32
    %lt3A_315 = arith.constant 15 : i32
    %lt3A_316 = arith.cmpi slt, %add3A_296, %lt3A_315 : i32
    %lt3A_317 = arith.constant 421 : i32
    %lt3A_318 = arith.cmpi slt, %add3A_296, %lt3A_317 : i32
    %sub3A_319 = arith.constant 15 : i32
    %sub3A_320 = arith.subi %add3A_296, %sub3A_319 : i32
    %jit3A_321 = arith.constant 7 : i32
    %div3A_322 = arith.divsi %sub3A_320, %jit3A_321 : i32
    %sign3A_323 = arith.constant 0 : i32
    %sign3A_324 = arith.cmpi sgt, %sub3A_320, %sign3A_323 : i32
    %sign3A_325 = arith.extui %sign3A_324 : i1 to i32
    %sign3A_326 = arith.constant 0 : i32
    %sign3A_327 = arith.cmpi slt, %sub3A_320, %sign3A_326 : i32
    %sign3A_328 = arith.extui %sign3A_327 : i1 to i32
    %sign3A_329 = arith.subi %sign3A_325, %sign3A_328 : i32
    %sign3A_330 = arith.constant 0 : i32
    %sign3A_331 = arith.cmpi sgt, %jit3A_321, %sign3A_330 : i32
    %sign3A_332 = arith.extui %sign3A_331 : i1 to i32
    %sign3A_333 = arith.constant 0 : i32
    %sign3A_334 = arith.cmpi slt, %jit3A_321, %sign3A_333 : i32
    %sign3A_335 = arith.extui %sign3A_334 : i1 to i32
    %sign3A_336 = arith.subi %sign3A_332, %sign3A_335 : i32
    %ne3A_337 = arith.cmpi ne, %sign3A_329, %sign3A_336 : i32
    %rem3A_338 = arith.remsi %sub3A_320, %jit3A_321 : i32
    %ne3A_339 = arith.constant 0 : i32
    %ne3A_340 = arith.cmpi ne, %rem3A_338, %ne3A_339 : i32
    %and3A_341 = arith.andi %ne3A_337, %ne3A_340 : i1
    %sub3A_342 = arith.constant 1 : i32
    %sub3A_343 = arith.subi %div3A_322, %sub3A_342 : i32
    %select_n3A_344 = arith.select %and3A_341, %sub3A_343, %div3A_322 : i32
    %add3A_345 = arith.constant 3 : i32
    %add3A_346 = arith.addi %select_n3A_344, %add3A_345 : i32
    %select_n3A_347 = arith.select %lt3A_318, %add3A_346, %select_n3A_314 : i32
    %select_n3A_348 = arith.select %lt3A_316, %select_n3A_305, %select_n3A_347 : i32
    %sub3A_349 = arith.subi %select_n3A_348, %select_n3A_46 : i32
    %add3A_350 = arith.constant 1 : i32
    %add3A_351 = arith.addi %min3A_3, %add3A_350 : i32
    %sub3A_352 = arith.constant 3 : i32
    %sub3A_353 = arith.subi %select_n3A_348, %sub3A_352 : i32
    %max3A_354 = arith.constant 0 : i32
    %max3A_355 = arith.maxsi %max3A_354, %sub3A_353 : i32
    %eq3A_356 = arith.constant 0 : i32
    %eq3A_357 = arith.cmpi eq, %select_n3A_348, %eq3A_356 : i32
    %eq3A_358 = arith.constant 1 : i32
    %eq3A_359 = arith.cmpi eq, %select_n3A_348, %eq3A_358 : i32
    %jit3A_360 = arith.constant 4 : i32
    %jit3A_361 = arith.constant 9 : i32
    %select_n3A_362 = arith.select %eq3A_359, %jit3A_360, %jit3A_361 : i32
    %jit3A_363 = arith.constant 0 : i32
    %select_n3A_364 = arith.select %eq3A_357, %jit3A_363, %select_n3A_362 : i32
    %eq3A_365 = arith.constant 62 : i32
    %eq3A_366 = arith.cmpi eq, %select_n3A_348, %eq3A_365 : i32
    %jit3A_367 = arith.constant 427 : i32
    %jit3A_368 = arith.constant 432 : i32
    %select_n3A_369 = arith.select %eq3A_366, %jit3A_367, %jit3A_368 : i32
    %lt3A_370 = arith.constant 3 : i32
    %lt3A_371 = arith.cmpi slt, %select_n3A_348, %lt3A_370 : i32
    %lt3A_372 = arith.constant 62 : i32
    %lt3A_373 = arith.cmpi slt, %select_n3A_348, %lt3A_372 : i32
    %sub3A_374 = arith.constant 3 : i32
    %sub3A_375 = arith.subi %select_n3A_348, %sub3A_374 : i32
    %mul3A_376 = arith.constant 7 : i32
    %mul3A_377 = arith.muli %mul3A_376, %sub3A_375 : i32
    %add3A_378 = arith.constant 15 : i32
    %add3A_379 = arith.addi %add3A_378, %mul3A_377 : i32
    %select_n3A_380 = arith.select %lt3A_373, %add3A_379, %select_n3A_369 : i32
    %select_n3A_381 = arith.select %lt3A_371, %select_n3A_364, %select_n3A_380 : i32
    %sub3A_382 = arith.subi %add3A_351, %select_n3A_381 : i32
    %add3A_383 = arith.addi %max3A_355, %sub3A_382 : i32
    %sub3A_384 = arith.subi %add3A_383, %max3A_49 : i32
    %add3A_385 = arith.constant 2 : i32
    %add3A_386 = arith.addi %min3A_3, %add3A_385 : i32
    %lt3A_387 = arith.constant 4 : i32
    %lt3A_388 = arith.cmpi slt, %add3A_386, %lt3A_387 : i32
    %lt3A_389 = arith.constant 9 : i32
    %lt3A_390 = arith.cmpi slt, %add3A_386, %lt3A_389 : i32
    %jit3A_391 = arith.constant 1 : i32
    %jit3A_392 = arith.constant 2 : i32
    %select_n3A_393 = arith.select %lt3A_390, %jit3A_391, %jit3A_392 : i32
    %jit3A_394 = arith.constant 0 : i32
    %select_n3A_395 = arith.select %lt3A_388, %jit3A_394, %select_n3A_393 : i32
    %lt3A_396 = arith.constant 427 : i32
    %lt3A_397 = arith.cmpi slt, %add3A_386, %lt3A_396 : i32
    %lt3A_398 = arith.constant 432 : i32
    %lt3A_399 = arith.cmpi slt, %add3A_386, %lt3A_398 : i32
    %jit3A_400 = arith.constant 62 : i32
    %jit3A_401 = arith.constant 63 : i32
    %select_n3A_402 = arith.select %lt3A_399, %jit3A_400, %jit3A_401 : i32
    %jit3A_403 = arith.constant 61 : i32
    %select_n3A_404 = arith.select %lt3A_397, %jit3A_403, %select_n3A_402 : i32
    %lt3A_405 = arith.constant 15 : i32
    %lt3A_406 = arith.cmpi slt, %add3A_386, %lt3A_405 : i32
    %lt3A_407 = arith.constant 421 : i32
    %lt3A_408 = arith.cmpi slt, %add3A_386, %lt3A_407 : i32
    %sub3A_409 = arith.constant 15 : i32
    %sub3A_410 = arith.subi %add3A_386, %sub3A_409 : i32
    %jit3A_411 = arith.constant 7 : i32
    %div3A_412 = arith.divsi %sub3A_410, %jit3A_411 : i32
    %sign3A_413 = arith.constant 0 : i32
    %sign3A_414 = arith.cmpi sgt, %sub3A_410, %sign3A_413 : i32
    %sign3A_415 = arith.extui %sign3A_414 : i1 to i32
    %sign3A_416 = arith.constant 0 : i32
    %sign3A_417 = arith.cmpi slt, %sub3A_410, %sign3A_416 : i32
    %sign3A_418 = arith.extui %sign3A_417 : i1 to i32
    %sign3A_419 = arith.subi %sign3A_415, %sign3A_418 : i32
    %sign3A_420 = arith.constant 0 : i32
    %sign3A_421 = arith.cmpi sgt, %jit3A_411, %sign3A_420 : i32
    %sign3A_422 = arith.extui %sign3A_421 : i1 to i32
    %sign3A_423 = arith.constant 0 : i32
    %sign3A_424 = arith.cmpi slt, %jit3A_411, %sign3A_423 : i32
    %sign3A_425 = arith.extui %sign3A_424 : i1 to i32
    %sign3A_426 = arith.subi %sign3A_422, %sign3A_425 : i32
    %ne3A_427 = arith.cmpi ne, %sign3A_419, %sign3A_426 : i32
    %rem3A_428 = arith.remsi %sub3A_410, %jit3A_411 : i32
    %ne3A_429 = arith.constant 0 : i32
    %ne3A_430 = arith.cmpi ne, %rem3A_428, %ne3A_429 : i32
    %and3A_431 = arith.andi %ne3A_427, %ne3A_430 : i1
    %sub3A_432 = arith.constant 1 : i32
    %sub3A_433 = arith.subi %div3A_412, %sub3A_432 : i32
    %select_n3A_434 = arith.select %and3A_431, %sub3A_433, %div3A_412 : i32
    %add3A_435 = arith.constant 3 : i32
    %add3A_436 = arith.addi %select_n3A_434, %add3A_435 : i32
    %select_n3A_437 = arith.select %lt3A_408, %add3A_436, %select_n3A_404 : i32
    %select_n3A_438 = arith.select %lt3A_406, %select_n3A_395, %select_n3A_437 : i32
    %sub3A_439 = arith.subi %select_n3A_438, %select_n3A_46 : i32
    %add3A_440 = arith.constant 2 : i32
    %add3A_441 = arith.addi %min3A_3, %add3A_440 : i32
    %sub3A_442 = arith.constant 3 : i32
    %sub3A_443 = arith.subi %select_n3A_438, %sub3A_442 : i32
    %max3A_444 = arith.constant 0 : i32
    %max3A_445 = arith.maxsi %max3A_444, %sub3A_443 : i32
    %eq3A_446 = arith.constant 0 : i32
    %eq3A_447 = arith.cmpi eq, %select_n3A_438, %eq3A_446 : i32
    %eq3A_448 = arith.constant 1 : i32
    %eq3A_449 = arith.cmpi eq, %select_n3A_438, %eq3A_448 : i32
    %jit3A_450 = arith.constant 4 : i32
    %jit3A_451 = arith.constant 9 : i32
    %select_n3A_452 = arith.select %eq3A_449, %jit3A_450, %jit3A_451 : i32
    %jit3A_453 = arith.constant 0 : i32
    %select_n3A_454 = arith.select %eq3A_447, %jit3A_453, %select_n3A_452 : i32
    %eq3A_455 = arith.constant 62 : i32
    %eq3A_456 = arith.cmpi eq, %select_n3A_438, %eq3A_455 : i32
    %jit3A_457 = arith.constant 427 : i32
    %jit3A_458 = arith.constant 432 : i32
    %select_n3A_459 = arith.select %eq3A_456, %jit3A_457, %jit3A_458 : i32
    %lt3A_460 = arith.constant 3 : i32
    %lt3A_461 = arith.cmpi slt, %select_n3A_438, %lt3A_460 : i32
    %lt3A_462 = arith.constant 62 : i32
    %lt3A_463 = arith.cmpi slt, %select_n3A_438, %lt3A_462 : i32
    %sub3A_464 = arith.constant 3 : i32
    %sub3A_465 = arith.subi %select_n3A_438, %sub3A_464 : i32
    %mul3A_466 = arith.constant 7 : i32
    %mul3A_467 = arith.muli %mul3A_466, %sub3A_465 : i32
    %add3A_468 = arith.constant 15 : i32
    %add3A_469 = arith.addi %add3A_468, %mul3A_467 : i32
    %select_n3A_470 = arith.select %lt3A_463, %add3A_469, %select_n3A_459 : i32
    %select_n3A_471 = arith.select %lt3A_461, %select_n3A_454, %select_n3A_470 : i32
    %sub3A_472 = arith.subi %add3A_441, %select_n3A_471 : i32
    %add3A_473 = arith.addi %max3A_445, %sub3A_472 : i32
    %sub3A_474 = arith.subi %add3A_473, %max3A_49 : i32
    %add3A_475 = arith.constant 3 : i32
    %add3A_476 = arith.addi %min3A_3, %add3A_475 : i32
    %lt3A_477 = arith.constant 4 : i32
    %lt3A_478 = arith.cmpi slt, %add3A_476, %lt3A_477 : i32
    %lt3A_479 = arith.constant 9 : i32
    %lt3A_480 = arith.cmpi slt, %add3A_476, %lt3A_479 : i32
    %jit3A_481 = arith.constant 1 : i32
    %jit3A_482 = arith.constant 2 : i32
    %select_n3A_483 = arith.select %lt3A_480, %jit3A_481, %jit3A_482 : i32
    %jit3A_484 = arith.constant 0 : i32
    %select_n3A_485 = arith.select %lt3A_478, %jit3A_484, %select_n3A_483 : i32
    %lt3A_486 = arith.constant 427 : i32
    %lt3A_487 = arith.cmpi slt, %add3A_476, %lt3A_486 : i32
    %lt3A_488 = arith.constant 432 : i32
    %lt3A_489 = arith.cmpi slt, %add3A_476, %lt3A_488 : i32
    %jit3A_490 = arith.constant 62 : i32
    %jit3A_491 = arith.constant 63 : i32
    %select_n3A_492 = arith.select %lt3A_489, %jit3A_490, %jit3A_491 : i32
    %jit3A_493 = arith.constant 61 : i32
    %select_n3A_494 = arith.select %lt3A_487, %jit3A_493, %select_n3A_492 : i32
    %lt3A_495 = arith.constant 15 : i32
    %lt3A_496 = arith.cmpi slt, %add3A_476, %lt3A_495 : i32
    %lt3A_497 = arith.constant 421 : i32
    %lt3A_498 = arith.cmpi slt, %add3A_476, %lt3A_497 : i32
    %sub3A_499 = arith.constant 15 : i32
    %sub3A_500 = arith.subi %add3A_476, %sub3A_499 : i32
    %jit3A_501 = arith.constant 7 : i32
    %div3A_502 = arith.divsi %sub3A_500, %jit3A_501 : i32
    %sign3A_503 = arith.constant 0 : i32
    %sign3A_504 = arith.cmpi sgt, %sub3A_500, %sign3A_503 : i32
    %sign3A_505 = arith.extui %sign3A_504 : i1 to i32
    %sign3A_506 = arith.constant 0 : i32
    %sign3A_507 = arith.cmpi slt, %sub3A_500, %sign3A_506 : i32
    %sign3A_508 = arith.extui %sign3A_507 : i1 to i32
    %sign3A_509 = arith.subi %sign3A_505, %sign3A_508 : i32
    %sign3A_510 = arith.constant 0 : i32
    %sign3A_511 = arith.cmpi sgt, %jit3A_501, %sign3A_510 : i32
    %sign3A_512 = arith.extui %sign3A_511 : i1 to i32
    %sign3A_513 = arith.constant 0 : i32
    %sign3A_514 = arith.cmpi slt, %jit3A_501, %sign3A_513 : i32
    %sign3A_515 = arith.extui %sign3A_514 : i1 to i32
    %sign3A_516 = arith.subi %sign3A_512, %sign3A_515 : i32
    %ne3A_517 = arith.cmpi ne, %sign3A_509, %sign3A_516 : i32
    %rem3A_518 = arith.remsi %sub3A_500, %jit3A_501 : i32
    %ne3A_519 = arith.constant 0 : i32
    %ne3A_520 = arith.cmpi ne, %rem3A_518, %ne3A_519 : i32
    %and3A_521 = arith.andi %ne3A_517, %ne3A_520 : i1
    %sub3A_522 = arith.constant 1 : i32
    %sub3A_523 = arith.subi %div3A_502, %sub3A_522 : i32
    %select_n3A_524 = arith.select %and3A_521, %sub3A_523, %div3A_502 : i32
    %add3A_525 = arith.constant 3 : i32
    %add3A_526 = arith.addi %select_n3A_524, %add3A_525 : i32
    %select_n3A_527 = arith.select %lt3A_498, %add3A_526, %select_n3A_494 : i32
    %select_n3A_528 = arith.select %lt3A_496, %select_n3A_485, %select_n3A_527 : i32
    %sub3A_529 = arith.subi %select_n3A_528, %select_n3A_46 : i32
    %add3A_530 = arith.constant 3 : i32
    %add3A_531 = arith.addi %min3A_3, %add3A_530 : i32
    %sub3A_532 = arith.constant 3 : i32
    %sub3A_533 = arith.subi %select_n3A_528, %sub3A_532 : i32
    %max3A_534 = arith.constant 0 : i32
    %max3A_535 = arith.maxsi %max3A_534, %sub3A_533 : i32
    %eq3A_536 = arith.constant 0 : i32
    %eq3A_537 = arith.cmpi eq, %select_n3A_528, %eq3A_536 : i32
    %eq3A_538 = arith.constant 1 : i32
    %eq3A_539 = arith.cmpi eq, %select_n3A_528, %eq3A_538 : i32
    %jit3A_540 = arith.constant 4 : i32
    %jit3A_541 = arith.constant 9 : i32
    %select_n3A_542 = arith.select %eq3A_539, %jit3A_540, %jit3A_541 : i32
    %jit3A_543 = arith.constant 0 : i32
    %select_n3A_544 = arith.select %eq3A_537, %jit3A_543, %select_n3A_542 : i32
    %eq3A_545 = arith.constant 62 : i32
    %eq3A_546 = arith.cmpi eq, %select_n3A_528, %eq3A_545 : i32
    %jit3A_547 = arith.constant 427 : i32
    %jit3A_548 = arith.constant 432 : i32
    %select_n3A_549 = arith.select %eq3A_546, %jit3A_547, %jit3A_548 : i32
    %lt3A_550 = arith.constant 3 : i32
    %lt3A_551 = arith.cmpi slt, %select_n3A_528, %lt3A_550 : i32
    %lt3A_552 = arith.constant 62 : i32
    %lt3A_553 = arith.cmpi slt, %select_n3A_528, %lt3A_552 : i32
    %sub3A_554 = arith.constant 3 : i32
    %sub3A_555 = arith.subi %select_n3A_528, %sub3A_554 : i32
    %mul3A_556 = arith.constant 7 : i32
    %mul3A_557 = arith.muli %mul3A_556, %sub3A_555 : i32
    %add3A_558 = arith.constant 15 : i32
    %add3A_559 = arith.addi %add3A_558, %mul3A_557 : i32
    %select_n3A_560 = arith.select %lt3A_553, %add3A_559, %select_n3A_549 : i32
    %select_n3A_561 = arith.select %lt3A_551, %select_n3A_544, %select_n3A_560 : i32
    %sub3A_562 = arith.subi %add3A_531, %select_n3A_561 : i32
    %add3A_563 = arith.addi %max3A_535, %sub3A_562 : i32
    %sub3A_564 = arith.subi %add3A_563, %max3A_49 : i32
    %add3A_565 = arith.constant 4 : i32
    %add3A_566 = arith.addi %min3A_3, %add3A_565 : i32
    %lt3A_567 = arith.constant 4 : i32
    %lt3A_568 = arith.cmpi slt, %add3A_566, %lt3A_567 : i32
    %lt3A_569 = arith.constant 9 : i32
    %lt3A_570 = arith.cmpi slt, %add3A_566, %lt3A_569 : i32
    %jit3A_571 = arith.constant 1 : i32
    %jit3A_572 = arith.constant 2 : i32
    %select_n3A_573 = arith.select %lt3A_570, %jit3A_571, %jit3A_572 : i32
    %jit3A_574 = arith.constant 0 : i32
    %select_n3A_575 = arith.select %lt3A_568, %jit3A_574, %select_n3A_573 : i32
    %lt3A_576 = arith.constant 427 : i32
    %lt3A_577 = arith.cmpi slt, %add3A_566, %lt3A_576 : i32
    %lt3A_578 = arith.constant 432 : i32
    %lt3A_579 = arith.cmpi slt, %add3A_566, %lt3A_578 : i32
    %jit3A_580 = arith.constant 62 : i32
    %jit3A_581 = arith.constant 63 : i32
    %select_n3A_582 = arith.select %lt3A_579, %jit3A_580, %jit3A_581 : i32
    %jit3A_583 = arith.constant 61 : i32
    %select_n3A_584 = arith.select %lt3A_577, %jit3A_583, %select_n3A_582 : i32
    %lt3A_585 = arith.constant 15 : i32
    %lt3A_586 = arith.cmpi slt, %add3A_566, %lt3A_585 : i32
    %lt3A_587 = arith.constant 421 : i32
    %lt3A_588 = arith.cmpi slt, %add3A_566, %lt3A_587 : i32
    %sub3A_589 = arith.constant 15 : i32
    %sub3A_590 = arith.subi %add3A_566, %sub3A_589 : i32
    %jit3A_591 = arith.constant 7 : i32
    %div3A_592 = arith.divsi %sub3A_590, %jit3A_591 : i32
    %sign3A_593 = arith.constant 0 : i32
    %sign3A_594 = arith.cmpi sgt, %sub3A_590, %sign3A_593 : i32
    %sign3A_595 = arith.extui %sign3A_594 : i1 to i32
    %sign3A_596 = arith.constant 0 : i32
    %sign3A_597 = arith.cmpi slt, %sub3A_590, %sign3A_596 : i32
    %sign3A_598 = arith.extui %sign3A_597 : i1 to i32
    %sign3A_599 = arith.subi %sign3A_595, %sign3A_598 : i32
    %sign3A_600 = arith.constant 0 : i32
    %sign3A_601 = arith.cmpi sgt, %jit3A_591, %sign3A_600 : i32
    %sign3A_602 = arith.extui %sign3A_601 : i1 to i32
    %sign3A_603 = arith.constant 0 : i32
    %sign3A_604 = arith.cmpi slt, %jit3A_591, %sign3A_603 : i32
    %sign3A_605 = arith.extui %sign3A_604 : i1 to i32
    %sign3A_606 = arith.subi %sign3A_602, %sign3A_605 : i32
    %ne3A_607 = arith.cmpi ne, %sign3A_599, %sign3A_606 : i32
    %rem3A_608 = arith.remsi %sub3A_590, %jit3A_591 : i32
    %ne3A_609 = arith.constant 0 : i32
    %ne3A_610 = arith.cmpi ne, %rem3A_608, %ne3A_609 : i32
    %and3A_611 = arith.andi %ne3A_607, %ne3A_610 : i1
    %sub3A_612 = arith.constant 1 : i32
    %sub3A_613 = arith.subi %div3A_592, %sub3A_612 : i32
    %select_n3A_614 = arith.select %and3A_611, %sub3A_613, %div3A_592 : i32
    %add3A_615 = arith.constant 3 : i32
    %add3A_616 = arith.addi %select_n3A_614, %add3A_615 : i32
    %select_n3A_617 = arith.select %lt3A_588, %add3A_616, %select_n3A_584 : i32
    %select_n3A_618 = arith.select %lt3A_586, %select_n3A_575, %select_n3A_617 : i32
    %sub3A_619 = arith.subi %select_n3A_618, %select_n3A_46 : i32
    %add3A_620 = arith.constant 4 : i32
    %add3A_621 = arith.addi %min3A_3, %add3A_620 : i32
    %sub3A_622 = arith.constant 3 : i32
    %sub3A_623 = arith.subi %select_n3A_618, %sub3A_622 : i32
    %max3A_624 = arith.constant 0 : i32
    %max3A_625 = arith.maxsi %max3A_624, %sub3A_623 : i32
    %eq3A_626 = arith.constant 0 : i32
    %eq3A_627 = arith.cmpi eq, %select_n3A_618, %eq3A_626 : i32
    %eq3A_628 = arith.constant 1 : i32
    %eq3A_629 = arith.cmpi eq, %select_n3A_618, %eq3A_628 : i32
    %jit3A_630 = arith.constant 4 : i32
    %jit3A_631 = arith.constant 9 : i32
    %select_n3A_632 = arith.select %eq3A_629, %jit3A_630, %jit3A_631 : i32
    %jit3A_633 = arith.constant 0 : i32
    %select_n3A_634 = arith.select %eq3A_627, %jit3A_633, %select_n3A_632 : i32
    %eq3A_635 = arith.constant 62 : i32
    %eq3A_636 = arith.cmpi eq, %select_n3A_618, %eq3A_635 : i32
    %jit3A_637 = arith.constant 427 : i32
    %jit3A_638 = arith.constant 432 : i32
    %select_n3A_639 = arith.select %eq3A_636, %jit3A_637, %jit3A_638 : i32
    %lt3A_640 = arith.constant 3 : i32
    %lt3A_641 = arith.cmpi slt, %select_n3A_618, %lt3A_640 : i32
    %lt3A_642 = arith.constant 62 : i32
    %lt3A_643 = arith.cmpi slt, %select_n3A_618, %lt3A_642 : i32
    %sub3A_644 = arith.constant 3 : i32
    %sub3A_645 = arith.subi %select_n3A_618, %sub3A_644 : i32
    %mul3A_646 = arith.constant 7 : i32
    %mul3A_647 = arith.muli %mul3A_646, %sub3A_645 : i32
    %add3A_648 = arith.constant 15 : i32
    %add3A_649 = arith.addi %add3A_648, %mul3A_647 : i32
    %select_n3A_650 = arith.select %lt3A_643, %add3A_649, %select_n3A_639 : i32
    %select_n3A_651 = arith.select %lt3A_641, %select_n3A_634, %select_n3A_650 : i32
    %sub3A_652 = arith.subi %add3A_621, %select_n3A_651 : i32
    %add3A_653 = arith.addi %max3A_625, %sub3A_652 : i32
    %sub3A_654 = arith.subi %add3A_653, %max3A_49 : i32
    %add3A_655 = arith.constant 5 : i32
    %add3A_656 = arith.addi %min3A_3, %add3A_655 : i32
    %lt3A_657 = arith.constant 4 : i32
    %lt3A_658 = arith.cmpi slt, %add3A_656, %lt3A_657 : i32
    %lt3A_659 = arith.constant 9 : i32
    %lt3A_660 = arith.cmpi slt, %add3A_656, %lt3A_659 : i32
    %jit3A_661 = arith.constant 1 : i32
    %jit3A_662 = arith.constant 2 : i32
    %select_n3A_663 = arith.select %lt3A_660, %jit3A_661, %jit3A_662 : i32
    %jit3A_664 = arith.constant 0 : i32
    %select_n3A_665 = arith.select %lt3A_658, %jit3A_664, %select_n3A_663 : i32
    %lt3A_666 = arith.constant 427 : i32
    %lt3A_667 = arith.cmpi slt, %add3A_656, %lt3A_666 : i32
    %lt3A_668 = arith.constant 432 : i32
    %lt3A_669 = arith.cmpi slt, %add3A_656, %lt3A_668 : i32
    %jit3A_670 = arith.constant 62 : i32
    %jit3A_671 = arith.constant 63 : i32
    %select_n3A_672 = arith.select %lt3A_669, %jit3A_670, %jit3A_671 : i32
    %jit3A_673 = arith.constant 61 : i32
    %select_n3A_674 = arith.select %lt3A_667, %jit3A_673, %select_n3A_672 : i32
    %lt3A_675 = arith.constant 15 : i32
    %lt3A_676 = arith.cmpi slt, %add3A_656, %lt3A_675 : i32
    %lt3A_677 = arith.constant 421 : i32
    %lt3A_678 = arith.cmpi slt, %add3A_656, %lt3A_677 : i32
    %sub3A_679 = arith.constant 15 : i32
    %sub3A_680 = arith.subi %add3A_656, %sub3A_679 : i32
    %jit3A_681 = arith.constant 7 : i32
    %div3A_682 = arith.divsi %sub3A_680, %jit3A_681 : i32
    %sign3A_683 = arith.constant 0 : i32
    %sign3A_684 = arith.cmpi sgt, %sub3A_680, %sign3A_683 : i32
    %sign3A_685 = arith.extui %sign3A_684 : i1 to i32
    %sign3A_686 = arith.constant 0 : i32
    %sign3A_687 = arith.cmpi slt, %sub3A_680, %sign3A_686 : i32
    %sign3A_688 = arith.extui %sign3A_687 : i1 to i32
    %sign3A_689 = arith.subi %sign3A_685, %sign3A_688 : i32
    %sign3A_690 = arith.constant 0 : i32
    %sign3A_691 = arith.cmpi sgt, %jit3A_681, %sign3A_690 : i32
    %sign3A_692 = arith.extui %sign3A_691 : i1 to i32
    %sign3A_693 = arith.constant 0 : i32
    %sign3A_694 = arith.cmpi slt, %jit3A_681, %sign3A_693 : i32
    %sign3A_695 = arith.extui %sign3A_694 : i1 to i32
    %sign3A_696 = arith.subi %sign3A_692, %sign3A_695 : i32
    %ne3A_697 = arith.cmpi ne, %sign3A_689, %sign3A_696 : i32
    %rem3A_698 = arith.remsi %sub3A_680, %jit3A_681 : i32
    %ne3A_699 = arith.constant 0 : i32
    %ne3A_700 = arith.cmpi ne, %rem3A_698, %ne3A_699 : i32
    %and3A_701 = arith.andi %ne3A_697, %ne3A_700 : i1
    %sub3A_702 = arith.constant 1 : i32
    %sub3A_703 = arith.subi %div3A_682, %sub3A_702 : i32
    %select_n3A_704 = arith.select %and3A_701, %sub3A_703, %div3A_682 : i32
    %add3A_705 = arith.constant 3 : i32
    %add3A_706 = arith.addi %select_n3A_704, %add3A_705 : i32
    %select_n3A_707 = arith.select %lt3A_678, %add3A_706, %select_n3A_674 : i32
    %select_n3A_708 = arith.select %lt3A_676, %select_n3A_665, %select_n3A_707 : i32
    %sub3A_709 = arith.subi %select_n3A_708, %select_n3A_46 : i32
    %add3A_710 = arith.constant 5 : i32
    %add3A_711 = arith.addi %min3A_3, %add3A_710 : i32
    %sub3A_712 = arith.constant 3 : i32
    %sub3A_713 = arith.subi %select_n3A_708, %sub3A_712 : i32
    %max3A_714 = arith.constant 0 : i32
    %max3A_715 = arith.maxsi %max3A_714, %sub3A_713 : i32
    %eq3A_716 = arith.constant 0 : i32
    %eq3A_717 = arith.cmpi eq, %select_n3A_708, %eq3A_716 : i32
    %eq3A_718 = arith.constant 1 : i32
    %eq3A_719 = arith.cmpi eq, %select_n3A_708, %eq3A_718 : i32
    %jit3A_720 = arith.constant 4 : i32
    %jit3A_721 = arith.constant 9 : i32
    %select_n3A_722 = arith.select %eq3A_719, %jit3A_720, %jit3A_721 : i32
    %jit3A_723 = arith.constant 0 : i32
    %select_n3A_724 = arith.select %eq3A_717, %jit3A_723, %select_n3A_722 : i32
    %eq3A_725 = arith.constant 62 : i32
    %eq3A_726 = arith.cmpi eq, %select_n3A_708, %eq3A_725 : i32
    %jit3A_727 = arith.constant 427 : i32
    %jit3A_728 = arith.constant 432 : i32
    %select_n3A_729 = arith.select %eq3A_726, %jit3A_727, %jit3A_728 : i32
    %lt3A_730 = arith.constant 3 : i32
    %lt3A_731 = arith.cmpi slt, %select_n3A_708, %lt3A_730 : i32
    %lt3A_732 = arith.constant 62 : i32
    %lt3A_733 = arith.cmpi slt, %select_n3A_708, %lt3A_732 : i32
    %sub3A_734 = arith.constant 3 : i32
    %sub3A_735 = arith.subi %select_n3A_708, %sub3A_734 : i32
    %mul3A_736 = arith.constant 7 : i32
    %mul3A_737 = arith.muli %mul3A_736, %sub3A_735 : i32
    %add3A_738 = arith.constant 15 : i32
    %add3A_739 = arith.addi %add3A_738, %mul3A_737 : i32
    %select_n3A_740 = arith.select %lt3A_733, %add3A_739, %select_n3A_729 : i32
    %select_n3A_741 = arith.select %lt3A_731, %select_n3A_724, %select_n3A_740 : i32
    %sub3A_742 = arith.subi %add3A_711, %select_n3A_741 : i32
    %add3A_743 = arith.addi %max3A_715, %sub3A_742 : i32
    %sub3A_744 = arith.subi %add3A_743, %max3A_49 : i32
    %add3A_745 = arith.constant 6 : i32
    %add3A_746 = arith.addi %min3A_3, %add3A_745 : i32
    %lt3A_747 = arith.constant 4 : i32
    %lt3A_748 = arith.cmpi slt, %add3A_746, %lt3A_747 : i32
    %lt3A_749 = arith.constant 9 : i32
    %lt3A_750 = arith.cmpi slt, %add3A_746, %lt3A_749 : i32
    %jit3A_751 = arith.constant 1 : i32
    %jit3A_752 = arith.constant 2 : i32
    %select_n3A_753 = arith.select %lt3A_750, %jit3A_751, %jit3A_752 : i32
    %jit3A_754 = arith.constant 0 : i32
    %select_n3A_755 = arith.select %lt3A_748, %jit3A_754, %select_n3A_753 : i32
    %lt3A_756 = arith.constant 427 : i32
    %lt3A_757 = arith.cmpi slt, %add3A_746, %lt3A_756 : i32
    %lt3A_758 = arith.constant 432 : i32
    %lt3A_759 = arith.cmpi slt, %add3A_746, %lt3A_758 : i32
    %jit3A_760 = arith.constant 62 : i32
    %jit3A_761 = arith.constant 63 : i32
    %select_n3A_762 = arith.select %lt3A_759, %jit3A_760, %jit3A_761 : i32
    %jit3A_763 = arith.constant 61 : i32
    %select_n3A_764 = arith.select %lt3A_757, %jit3A_763, %select_n3A_762 : i32
    %lt3A_765 = arith.constant 15 : i32
    %lt3A_766 = arith.cmpi slt, %add3A_746, %lt3A_765 : i32
    %lt3A_767 = arith.constant 421 : i32
    %lt3A_768 = arith.cmpi slt, %add3A_746, %lt3A_767 : i32
    %sub3A_769 = arith.constant 15 : i32
    %sub3A_770 = arith.subi %add3A_746, %sub3A_769 : i32
    %jit3A_771 = arith.constant 7 : i32
    %div3A_772 = arith.divsi %sub3A_770, %jit3A_771 : i32
    %sign3A_773 = arith.constant 0 : i32
    %sign3A_774 = arith.cmpi sgt, %sub3A_770, %sign3A_773 : i32
    %sign3A_775 = arith.extui %sign3A_774 : i1 to i32
    %sign3A_776 = arith.constant 0 : i32
    %sign3A_777 = arith.cmpi slt, %sub3A_770, %sign3A_776 : i32
    %sign3A_778 = arith.extui %sign3A_777 : i1 to i32
    %sign3A_779 = arith.subi %sign3A_775, %sign3A_778 : i32
    %sign3A_780 = arith.constant 0 : i32
    %sign3A_781 = arith.cmpi sgt, %jit3A_771, %sign3A_780 : i32
    %sign3A_782 = arith.extui %sign3A_781 : i1 to i32
    %sign3A_783 = arith.constant 0 : i32
    %sign3A_784 = arith.cmpi slt, %jit3A_771, %sign3A_783 : i32
    %sign3A_785 = arith.extui %sign3A_784 : i1 to i32
    %sign3A_786 = arith.subi %sign3A_782, %sign3A_785 : i32
    %ne3A_787 = arith.cmpi ne, %sign3A_779, %sign3A_786 : i32
    %rem3A_788 = arith.remsi %sub3A_770, %jit3A_771 : i32
    %ne3A_789 = arith.constant 0 : i32
    %ne3A_790 = arith.cmpi ne, %rem3A_788, %ne3A_789 : i32
    %and3A_791 = arith.andi %ne3A_787, %ne3A_790 : i1
    %sub3A_792 = arith.constant 1 : i32
    %sub3A_793 = arith.subi %div3A_772, %sub3A_792 : i32
    %select_n3A_794 = arith.select %and3A_791, %sub3A_793, %div3A_772 : i32
    %add3A_795 = arith.constant 3 : i32
    %add3A_796 = arith.addi %select_n3A_794, %add3A_795 : i32
    %select_n3A_797 = arith.select %lt3A_768, %add3A_796, %select_n3A_764 : i32
    %select_n3A_798 = arith.select %lt3A_766, %select_n3A_755, %select_n3A_797 : i32
    %sub3A_799 = arith.subi %select_n3A_798, %select_n3A_46 : i32
    %add3A_800 = arith.constant 6 : i32
    %add3A_801 = arith.addi %min3A_3, %add3A_800 : i32
    %sub3A_802 = arith.constant 3 : i32
    %sub3A_803 = arith.subi %select_n3A_798, %sub3A_802 : i32
    %max3A_804 = arith.constant 0 : i32
    %max3A_805 = arith.maxsi %max3A_804, %sub3A_803 : i32
    %eq3A_806 = arith.constant 0 : i32
    %eq3A_807 = arith.cmpi eq, %select_n3A_798, %eq3A_806 : i32
    %eq3A_808 = arith.constant 1 : i32
    %eq3A_809 = arith.cmpi eq, %select_n3A_798, %eq3A_808 : i32
    %jit3A_810 = arith.constant 4 : i32
    %jit3A_811 = arith.constant 9 : i32
    %select_n3A_812 = arith.select %eq3A_809, %jit3A_810, %jit3A_811 : i32
    %jit3A_813 = arith.constant 0 : i32
    %select_n3A_814 = arith.select %eq3A_807, %jit3A_813, %select_n3A_812 : i32
    %eq3A_815 = arith.constant 62 : i32
    %eq3A_816 = arith.cmpi eq, %select_n3A_798, %eq3A_815 : i32
    %jit3A_817 = arith.constant 427 : i32
    %jit3A_818 = arith.constant 432 : i32
    %select_n3A_819 = arith.select %eq3A_816, %jit3A_817, %jit3A_818 : i32
    %lt3A_820 = arith.constant 3 : i32
    %lt3A_821 = arith.cmpi slt, %select_n3A_798, %lt3A_820 : i32
    %lt3A_822 = arith.constant 62 : i32
    %lt3A_823 = arith.cmpi slt, %select_n3A_798, %lt3A_822 : i32
    %sub3A_824 = arith.constant 3 : i32
    %sub3A_825 = arith.subi %select_n3A_798, %sub3A_824 : i32
    %mul3A_826 = arith.constant 7 : i32
    %mul3A_827 = arith.muli %mul3A_826, %sub3A_825 : i32
    %add3A_828 = arith.constant 15 : i32
    %add3A_829 = arith.addi %add3A_828, %mul3A_827 : i32
    %select_n3A_830 = arith.select %lt3A_823, %add3A_829, %select_n3A_819 : i32
    %select_n3A_831 = arith.select %lt3A_821, %select_n3A_814, %select_n3A_830 : i32
    %sub3A_832 = arith.subi %add3A_801, %select_n3A_831 : i32
    %add3A_833 = arith.addi %max3A_805, %sub3A_832 : i32
    %sub3A_834 = arith.subi %add3A_833, %max3A_49 : i32
    %add3A_835 = arith.constant 7 : i32
    %add3A_836 = arith.addi %min3A_3, %add3A_835 : i32
    %lt3A_837 = arith.constant 4 : i32
    %lt3A_838 = arith.cmpi slt, %add3A_836, %lt3A_837 : i32
    %lt3A_839 = arith.constant 9 : i32
    %lt3A_840 = arith.cmpi slt, %add3A_836, %lt3A_839 : i32
    %jit3A_841 = arith.constant 1 : i32
    %jit3A_842 = arith.constant 2 : i32
    %select_n3A_843 = arith.select %lt3A_840, %jit3A_841, %jit3A_842 : i32
    %jit3A_844 = arith.constant 0 : i32
    %select_n3A_845 = arith.select %lt3A_838, %jit3A_844, %select_n3A_843 : i32
    %lt3A_846 = arith.constant 427 : i32
    %lt3A_847 = arith.cmpi slt, %add3A_836, %lt3A_846 : i32
    %lt3A_848 = arith.constant 432 : i32
    %lt3A_849 = arith.cmpi slt, %add3A_836, %lt3A_848 : i32
    %jit3A_850 = arith.constant 62 : i32
    %jit3A_851 = arith.constant 63 : i32
    %select_n3A_852 = arith.select %lt3A_849, %jit3A_850, %jit3A_851 : i32
    %jit3A_853 = arith.constant 61 : i32
    %select_n3A_854 = arith.select %lt3A_847, %jit3A_853, %select_n3A_852 : i32
    %lt3A_855 = arith.constant 15 : i32
    %lt3A_856 = arith.cmpi slt, %add3A_836, %lt3A_855 : i32
    %lt3A_857 = arith.constant 421 : i32
    %lt3A_858 = arith.cmpi slt, %add3A_836, %lt3A_857 : i32
    %sub3A_859 = arith.constant 15 : i32
    %sub3A_860 = arith.subi %add3A_836, %sub3A_859 : i32
    %jit3A_861 = arith.constant 7 : i32
    %div3A_862 = arith.divsi %sub3A_860, %jit3A_861 : i32
    %sign3A_863 = arith.constant 0 : i32
    %sign3A_864 = arith.cmpi sgt, %sub3A_860, %sign3A_863 : i32
    %sign3A_865 = arith.extui %sign3A_864 : i1 to i32
    %sign3A_866 = arith.constant 0 : i32
    %sign3A_867 = arith.cmpi slt, %sub3A_860, %sign3A_866 : i32
    %sign3A_868 = arith.extui %sign3A_867 : i1 to i32
    %sign3A_869 = arith.subi %sign3A_865, %sign3A_868 : i32
    %sign3A_870 = arith.constant 0 : i32
    %sign3A_871 = arith.cmpi sgt, %jit3A_861, %sign3A_870 : i32
    %sign3A_872 = arith.extui %sign3A_871 : i1 to i32
    %sign3A_873 = arith.constant 0 : i32
    %sign3A_874 = arith.cmpi slt, %jit3A_861, %sign3A_873 : i32
    %sign3A_875 = arith.extui %sign3A_874 : i1 to i32
    %sign3A_876 = arith.subi %sign3A_872, %sign3A_875 : i32
    %ne3A_877 = arith.cmpi ne, %sign3A_869, %sign3A_876 : i32
    %rem3A_878 = arith.remsi %sub3A_860, %jit3A_861 : i32
    %ne3A_879 = arith.constant 0 : i32
    %ne3A_880 = arith.cmpi ne, %rem3A_878, %ne3A_879 : i32
    %and3A_881 = arith.andi %ne3A_877, %ne3A_880 : i1
    %sub3A_882 = arith.constant 1 : i32
    %sub3A_883 = arith.subi %div3A_862, %sub3A_882 : i32
    %select_n3A_884 = arith.select %and3A_881, %sub3A_883, %div3A_862 : i32
    %add3A_885 = arith.constant 3 : i32
    %add3A_886 = arith.addi %select_n3A_884, %add3A_885 : i32
    %select_n3A_887 = arith.select %lt3A_858, %add3A_886, %select_n3A_854 : i32
    %select_n3A_888 = arith.select %lt3A_856, %select_n3A_845, %select_n3A_887 : i32
    %sub3A_889 = arith.subi %select_n3A_888, %select_n3A_46 : i32
    %add3A_890 = arith.constant 7 : i32
    %add3A_891 = arith.addi %min3A_3, %add3A_890 : i32
    %sub3A_892 = arith.constant 3 : i32
    %sub3A_893 = arith.subi %select_n3A_888, %sub3A_892 : i32
    %max3A_894 = arith.constant 0 : i32
    %max3A_895 = arith.maxsi %max3A_894, %sub3A_893 : i32
    %eq3A_896 = arith.constant 0 : i32
    %eq3A_897 = arith.cmpi eq, %select_n3A_888, %eq3A_896 : i32
    %eq3A_898 = arith.constant 1 : i32
    %eq3A_899 = arith.cmpi eq, %select_n3A_888, %eq3A_898 : i32
    %jit3A_900 = arith.constant 4 : i32
    %jit3A_901 = arith.constant 9 : i32
    %select_n3A_902 = arith.select %eq3A_899, %jit3A_900, %jit3A_901 : i32
    %jit3A_903 = arith.constant 0 : i32
    %select_n3A_904 = arith.select %eq3A_897, %jit3A_903, %select_n3A_902 : i32
    %eq3A_905 = arith.constant 62 : i32
    %eq3A_906 = arith.cmpi eq, %select_n3A_888, %eq3A_905 : i32
    %jit3A_907 = arith.constant 427 : i32
    %jit3A_908 = arith.constant 432 : i32
    %select_n3A_909 = arith.select %eq3A_906, %jit3A_907, %jit3A_908 : i32
    %lt3A_910 = arith.constant 3 : i32
    %lt3A_911 = arith.cmpi slt, %select_n3A_888, %lt3A_910 : i32
    %lt3A_912 = arith.constant 62 : i32
    %lt3A_913 = arith.cmpi slt, %select_n3A_888, %lt3A_912 : i32
    %sub3A_914 = arith.constant 3 : i32
    %sub3A_915 = arith.subi %select_n3A_888, %sub3A_914 : i32
    %mul3A_916 = arith.constant 7 : i32
    %mul3A_917 = arith.muli %mul3A_916, %sub3A_915 : i32
    %add3A_918 = arith.constant 15 : i32
    %add3A_919 = arith.addi %add3A_918, %mul3A_917 : i32
    %select_n3A_920 = arith.select %lt3A_913, %add3A_919, %select_n3A_909 : i32
    %select_n3A_921 = arith.select %lt3A_911, %select_n3A_904, %select_n3A_920 : i32
    %sub3A_922 = arith.subi %add3A_891, %select_n3A_921 : i32
    %add3A_923 = arith.addi %max3A_895, %sub3A_922 : i32
    %sub3A_924 = arith.subi %add3A_923, %max3A_49 : i32
    %add3A_925 = arith.constant 8 : i32
    %add3A_926 = arith.addi %min3A_3, %add3A_925 : i32
    %lt3A_927 = arith.constant 4 : i32
    %lt3A_928 = arith.cmpi slt, %add3A_926, %lt3A_927 : i32
    %lt3A_929 = arith.constant 9 : i32
    %lt3A_930 = arith.cmpi slt, %add3A_926, %lt3A_929 : i32
    %jit3A_931 = arith.constant 1 : i32
    %jit3A_932 = arith.constant 2 : i32
    %select_n3A_933 = arith.select %lt3A_930, %jit3A_931, %jit3A_932 : i32
    %jit3A_934 = arith.constant 0 : i32
    %select_n3A_935 = arith.select %lt3A_928, %jit3A_934, %select_n3A_933 : i32
    %lt3A_936 = arith.constant 427 : i32
    %lt3A_937 = arith.cmpi slt, %add3A_926, %lt3A_936 : i32
    %lt3A_938 = arith.constant 432 : i32
    %lt3A_939 = arith.cmpi slt, %add3A_926, %lt3A_938 : i32
    %jit3A_940 = arith.constant 62 : i32
    %jit3A_941 = arith.constant 63 : i32
    %select_n3A_942 = arith.select %lt3A_939, %jit3A_940, %jit3A_941 : i32
    %jit3A_943 = arith.constant 61 : i32
    %select_n3A_944 = arith.select %lt3A_937, %jit3A_943, %select_n3A_942 : i32
    %lt3A_945 = arith.constant 15 : i32
    %lt3A_946 = arith.cmpi slt, %add3A_926, %lt3A_945 : i32
    %lt3A_947 = arith.constant 421 : i32
    %lt3A_948 = arith.cmpi slt, %add3A_926, %lt3A_947 : i32
    %sub3A_949 = arith.constant 15 : i32
    %sub3A_950 = arith.subi %add3A_926, %sub3A_949 : i32
    %jit3A_951 = arith.constant 7 : i32
    %div3A_952 = arith.divsi %sub3A_950, %jit3A_951 : i32
    %sign3A_953 = arith.constant 0 : i32
    %sign3A_954 = arith.cmpi sgt, %sub3A_950, %sign3A_953 : i32
    %sign3A_955 = arith.extui %sign3A_954 : i1 to i32
    %sign3A_956 = arith.constant 0 : i32
    %sign3A_957 = arith.cmpi slt, %sub3A_950, %sign3A_956 : i32
    %sign3A_958 = arith.extui %sign3A_957 : i1 to i32
    %sign3A_959 = arith.subi %sign3A_955, %sign3A_958 : i32
    %sign3A_960 = arith.constant 0 : i32
    %sign3A_961 = arith.cmpi sgt, %jit3A_951, %sign3A_960 : i32
    %sign3A_962 = arith.extui %sign3A_961 : i1 to i32
    %sign3A_963 = arith.constant 0 : i32
    %sign3A_964 = arith.cmpi slt, %jit3A_951, %sign3A_963 : i32
    %sign3A_965 = arith.extui %sign3A_964 : i1 to i32
    %sign3A_966 = arith.subi %sign3A_962, %sign3A_965 : i32
    %ne3A_967 = arith.cmpi ne, %sign3A_959, %sign3A_966 : i32
    %rem3A_968 = arith.remsi %sub3A_950, %jit3A_951 : i32
    %ne3A_969 = arith.constant 0 : i32
    %ne3A_970 = arith.cmpi ne, %rem3A_968, %ne3A_969 : i32
    %and3A_971 = arith.andi %ne3A_967, %ne3A_970 : i1
    %sub3A_972 = arith.constant 1 : i32
    %sub3A_973 = arith.subi %div3A_952, %sub3A_972 : i32
    %select_n3A_974 = arith.select %and3A_971, %sub3A_973, %div3A_952 : i32
    %add3A_975 = arith.constant 3 : i32
    %add3A_976 = arith.addi %select_n3A_974, %add3A_975 : i32
    %select_n3A_977 = arith.select %lt3A_948, %add3A_976, %select_n3A_944 : i32
    %select_n3A_978 = arith.select %lt3A_946, %select_n3A_935, %select_n3A_977 : i32
    %sub3A_979 = arith.subi %select_n3A_978, %select_n3A_46 : i32
    %add3A_980 = arith.constant 8 : i32
    %add3A_981 = arith.addi %min3A_3, %add3A_980 : i32
    %sub3A_982 = arith.constant 3 : i32
    %sub3A_983 = arith.subi %select_n3A_978, %sub3A_982 : i32
    %max3A_984 = arith.constant 0 : i32
    %max3A_985 = arith.maxsi %max3A_984, %sub3A_983 : i32
    %eq3A_986 = arith.constant 0 : i32
    %eq3A_987 = arith.cmpi eq, %select_n3A_978, %eq3A_986 : i32
    %eq3A_988 = arith.constant 1 : i32
    %eq3A_989 = arith.cmpi eq, %select_n3A_978, %eq3A_988 : i32
    %jit3A_990 = arith.constant 4 : i32
    %jit3A_991 = arith.constant 9 : i32
    %select_n3A_992 = arith.select %eq3A_989, %jit3A_990, %jit3A_991 : i32
    %jit3A_993 = arith.constant 0 : i32
    %select_n3A_994 = arith.select %eq3A_987, %jit3A_993, %select_n3A_992 : i32
    %eq3A_995 = arith.constant 62 : i32
    %eq3A_996 = arith.cmpi eq, %select_n3A_978, %eq3A_995 : i32
    %jit3A_997 = arith.constant 427 : i32
    %jit3A_998 = arith.constant 432 : i32
    %select_n3A_999 = arith.select %eq3A_996, %jit3A_997, %jit3A_998 : i32
    %lt3A_1000 = arith.constant 3 : i32
    %lt3A_1001 = arith.cmpi slt, %select_n3A_978, %lt3A_1000 : i32
    %lt3A_1002 = arith.constant 62 : i32
    %lt3A_1003 = arith.cmpi slt, %select_n3A_978, %lt3A_1002 : i32
    %sub3A_1004 = arith.constant 3 : i32
    %sub3A_1005 = arith.subi %select_n3A_978, %sub3A_1004 : i32
    %mul3A_1006 = arith.constant 7 : i32
    %mul3A_1007 = arith.muli %mul3A_1006, %sub3A_1005 : i32
    %add3A_1008 = arith.constant 15 : i32
    %add3A_1009 = arith.addi %add3A_1008, %mul3A_1007 : i32
    %select_n3A_1010 = arith.select %lt3A_1003, %add3A_1009, %select_n3A_999 : i32
    %select_n3A_1011 = arith.select %lt3A_1001, %select_n3A_994, %select_n3A_1010 : i32
    %sub3A_1012 = arith.subi %add3A_981, %select_n3A_1011 : i32
    %add3A_1013 = arith.addi %max3A_985, %sub3A_1012 : i32
    %sub3A_1014 = arith.subi %add3A_1013, %max3A_49 : i32
    %add3A_1015 = arith.constant 9 : i32
    %add3A_1016 = arith.addi %min3A_3, %add3A_1015 : i32
    %lt3A_1017 = arith.constant 4 : i32
    %lt3A_1018 = arith.cmpi slt, %add3A_1016, %lt3A_1017 : i32
    %lt3A_1019 = arith.constant 9 : i32
    %lt3A_1020 = arith.cmpi slt, %add3A_1016, %lt3A_1019 : i32
    %jit3A_1021 = arith.constant 1 : i32
    %jit3A_1022 = arith.constant 2 : i32
    %select_n3A_1023 = arith.select %lt3A_1020, %jit3A_1021, %jit3A_1022 : i32
    %jit3A_1024 = arith.constant 0 : i32
    %select_n3A_1025 = arith.select %lt3A_1018, %jit3A_1024, %select_n3A_1023 : i32
    %lt3A_1026 = arith.constant 427 : i32
    %lt3A_1027 = arith.cmpi slt, %add3A_1016, %lt3A_1026 : i32
    %lt3A_1028 = arith.constant 432 : i32
    %lt3A_1029 = arith.cmpi slt, %add3A_1016, %lt3A_1028 : i32
    %jit3A_1030 = arith.constant 62 : i32
    %jit3A_1031 = arith.constant 63 : i32
    %select_n3A_1032 = arith.select %lt3A_1029, %jit3A_1030, %jit3A_1031 : i32
    %jit3A_1033 = arith.constant 61 : i32
    %select_n3A_1034 = arith.select %lt3A_1027, %jit3A_1033, %select_n3A_1032 : i32
    %lt3A_1035 = arith.constant 15 : i32
    %lt3A_1036 = arith.cmpi slt, %add3A_1016, %lt3A_1035 : i32
    %lt3A_1037 = arith.constant 421 : i32
    %lt3A_1038 = arith.cmpi slt, %add3A_1016, %lt3A_1037 : i32
    %sub3A_1039 = arith.constant 15 : i32
    %sub3A_1040 = arith.subi %add3A_1016, %sub3A_1039 : i32
    %jit3A_1041 = arith.constant 7 : i32
    %div3A_1042 = arith.divsi %sub3A_1040, %jit3A_1041 : i32
    %sign3A_1043 = arith.constant 0 : i32
    %sign3A_1044 = arith.cmpi sgt, %sub3A_1040, %sign3A_1043 : i32
    %sign3A_1045 = arith.extui %sign3A_1044 : i1 to i32
    %sign3A_1046 = arith.constant 0 : i32
    %sign3A_1047 = arith.cmpi slt, %sub3A_1040, %sign3A_1046 : i32
    %sign3A_1048 = arith.extui %sign3A_1047 : i1 to i32
    %sign3A_1049 = arith.subi %sign3A_1045, %sign3A_1048 : i32
    %sign3A_1050 = arith.constant 0 : i32
    %sign3A_1051 = arith.cmpi sgt, %jit3A_1041, %sign3A_1050 : i32
    %sign3A_1052 = arith.extui %sign3A_1051 : i1 to i32
    %sign3A_1053 = arith.constant 0 : i32
    %sign3A_1054 = arith.cmpi slt, %jit3A_1041, %sign3A_1053 : i32
    %sign3A_1055 = arith.extui %sign3A_1054 : i1 to i32
    %sign3A_1056 = arith.subi %sign3A_1052, %sign3A_1055 : i32
    %ne3A_1057 = arith.cmpi ne, %sign3A_1049, %sign3A_1056 : i32
    %rem3A_1058 = arith.remsi %sub3A_1040, %jit3A_1041 : i32
    %ne3A_1059 = arith.constant 0 : i32
    %ne3A_1060 = arith.cmpi ne, %rem3A_1058, %ne3A_1059 : i32
    %and3A_1061 = arith.andi %ne3A_1057, %ne3A_1060 : i1
    %sub3A_1062 = arith.constant 1 : i32
    %sub3A_1063 = arith.subi %div3A_1042, %sub3A_1062 : i32
    %select_n3A_1064 = arith.select %and3A_1061, %sub3A_1063, %div3A_1042 : i32
    %add3A_1065 = arith.constant 3 : i32
    %add3A_1066 = arith.addi %select_n3A_1064, %add3A_1065 : i32
    %select_n3A_1067 = arith.select %lt3A_1038, %add3A_1066, %select_n3A_1034 : i32
    %select_n3A_1068 = arith.select %lt3A_1036, %select_n3A_1025, %select_n3A_1067 : i32
    %sub3A_1069 = arith.subi %select_n3A_1068, %select_n3A_46 : i32
    %add3A_1070 = arith.constant 9 : i32
    %add3A_1071 = arith.addi %min3A_3, %add3A_1070 : i32
    %sub3A_1072 = arith.constant 3 : i32
    %sub3A_1073 = arith.subi %select_n3A_1068, %sub3A_1072 : i32
    %max3A_1074 = arith.constant 0 : i32
    %max3A_1075 = arith.maxsi %max3A_1074, %sub3A_1073 : i32
    %eq3A_1076 = arith.constant 0 : i32
    %eq3A_1077 = arith.cmpi eq, %select_n3A_1068, %eq3A_1076 : i32
    %eq3A_1078 = arith.constant 1 : i32
    %eq3A_1079 = arith.cmpi eq, %select_n3A_1068, %eq3A_1078 : i32
    %jit3A_1080 = arith.constant 4 : i32
    %jit3A_1081 = arith.constant 9 : i32
    %select_n3A_1082 = arith.select %eq3A_1079, %jit3A_1080, %jit3A_1081 : i32
    %jit3A_1083 = arith.constant 0 : i32
    %select_n3A_1084 = arith.select %eq3A_1077, %jit3A_1083, %select_n3A_1082 : i32
    %eq3A_1085 = arith.constant 62 : i32
    %eq3A_1086 = arith.cmpi eq, %select_n3A_1068, %eq3A_1085 : i32
    %jit3A_1087 = arith.constant 427 : i32
    %jit3A_1088 = arith.constant 432 : i32
    %select_n3A_1089 = arith.select %eq3A_1086, %jit3A_1087, %jit3A_1088 : i32
    %lt3A_1090 = arith.constant 3 : i32
    %lt3A_1091 = arith.cmpi slt, %select_n3A_1068, %lt3A_1090 : i32
    %lt3A_1092 = arith.constant 62 : i32
    %lt3A_1093 = arith.cmpi slt, %select_n3A_1068, %lt3A_1092 : i32
    %sub3A_1094 = arith.constant 3 : i32
    %sub3A_1095 = arith.subi %select_n3A_1068, %sub3A_1094 : i32
    %mul3A_1096 = arith.constant 7 : i32
    %mul3A_1097 = arith.muli %mul3A_1096, %sub3A_1095 : i32
    %add3A_1098 = arith.constant 15 : i32
    %add3A_1099 = arith.addi %add3A_1098, %mul3A_1097 : i32
    %select_n3A_1100 = arith.select %lt3A_1093, %add3A_1099, %select_n3A_1089 : i32
    %select_n3A_1101 = arith.select %lt3A_1091, %select_n3A_1084, %select_n3A_1100 : i32
    %sub3A_1102 = arith.subi %add3A_1071, %select_n3A_1101 : i32
    %add3A_1103 = arith.addi %max3A_1075, %sub3A_1102 : i32
    %sub3A_1104 = arith.subi %add3A_1103, %max3A_49 : i32
    %add3A_1105 = arith.constant 10 : i32
    %add3A_1106 = arith.addi %min3A_3, %add3A_1105 : i32
    %lt3A_1107 = arith.constant 4 : i32
    %lt3A_1108 = arith.cmpi slt, %add3A_1106, %lt3A_1107 : i32
    %lt3A_1109 = arith.constant 9 : i32
    %lt3A_1110 = arith.cmpi slt, %add3A_1106, %lt3A_1109 : i32
    %jit3A_1111 = arith.constant 1 : i32
    %jit3A_1112 = arith.constant 2 : i32
    %select_n3A_1113 = arith.select %lt3A_1110, %jit3A_1111, %jit3A_1112 : i32
    %jit3A_1114 = arith.constant 0 : i32
    %select_n3A_1115 = arith.select %lt3A_1108, %jit3A_1114, %select_n3A_1113 : i32
    %lt3A_1116 = arith.constant 427 : i32
    %lt3A_1117 = arith.cmpi slt, %add3A_1106, %lt3A_1116 : i32
    %lt3A_1118 = arith.constant 432 : i32
    %lt3A_1119 = arith.cmpi slt, %add3A_1106, %lt3A_1118 : i32
    %jit3A_1120 = arith.constant 62 : i32
    %jit3A_1121 = arith.constant 63 : i32
    %select_n3A_1122 = arith.select %lt3A_1119, %jit3A_1120, %jit3A_1121 : i32
    %jit3A_1123 = arith.constant 61 : i32
    %select_n3A_1124 = arith.select %lt3A_1117, %jit3A_1123, %select_n3A_1122 : i32
    %lt3A_1125 = arith.constant 15 : i32
    %lt3A_1126 = arith.cmpi slt, %add3A_1106, %lt3A_1125 : i32
    %lt3A_1127 = arith.constant 421 : i32
    %lt3A_1128 = arith.cmpi slt, %add3A_1106, %lt3A_1127 : i32
    %sub3A_1129 = arith.constant 15 : i32
    %sub3A_1130 = arith.subi %add3A_1106, %sub3A_1129 : i32
    %jit3A_1131 = arith.constant 7 : i32
    %div3A_1132 = arith.divsi %sub3A_1130, %jit3A_1131 : i32
    %sign3A_1133 = arith.constant 0 : i32
    %sign3A_1134 = arith.cmpi sgt, %sub3A_1130, %sign3A_1133 : i32
    %sign3A_1135 = arith.extui %sign3A_1134 : i1 to i32
    %sign3A_1136 = arith.constant 0 : i32
    %sign3A_1137 = arith.cmpi slt, %sub3A_1130, %sign3A_1136 : i32
    %sign3A_1138 = arith.extui %sign3A_1137 : i1 to i32
    %sign3A_1139 = arith.subi %sign3A_1135, %sign3A_1138 : i32
    %sign3A_1140 = arith.constant 0 : i32
    %sign3A_1141 = arith.cmpi sgt, %jit3A_1131, %sign3A_1140 : i32
    %sign3A_1142 = arith.extui %sign3A_1141 : i1 to i32
    %sign3A_1143 = arith.constant 0 : i32
    %sign3A_1144 = arith.cmpi slt, %jit3A_1131, %sign3A_1143 : i32
    %sign3A_1145 = arith.extui %sign3A_1144 : i1 to i32
    %sign3A_1146 = arith.subi %sign3A_1142, %sign3A_1145 : i32
    %ne3A_1147 = arith.cmpi ne, %sign3A_1139, %sign3A_1146 : i32
    %rem3A_1148 = arith.remsi %sub3A_1130, %jit3A_1131 : i32
    %ne3A_1149 = arith.constant 0 : i32
    %ne3A_1150 = arith.cmpi ne, %rem3A_1148, %ne3A_1149 : i32
    %and3A_1151 = arith.andi %ne3A_1147, %ne3A_1150 : i1
    %sub3A_1152 = arith.constant 1 : i32
    %sub3A_1153 = arith.subi %div3A_1132, %sub3A_1152 : i32
    %select_n3A_1154 = arith.select %and3A_1151, %sub3A_1153, %div3A_1132 : i32
    %add3A_1155 = arith.constant 3 : i32
    %add3A_1156 = arith.addi %select_n3A_1154, %add3A_1155 : i32
    %select_n3A_1157 = arith.select %lt3A_1128, %add3A_1156, %select_n3A_1124 : i32
    %select_n3A_1158 = arith.select %lt3A_1126, %select_n3A_1115, %select_n3A_1157 : i32
    %sub3A_1159 = arith.subi %select_n3A_1158, %select_n3A_46 : i32
    %add3A_1160 = arith.constant 10 : i32
    %add3A_1161 = arith.addi %min3A_3, %add3A_1160 : i32
    %sub3A_1162 = arith.constant 3 : i32
    %sub3A_1163 = arith.subi %select_n3A_1158, %sub3A_1162 : i32
    %max3A_1164 = arith.constant 0 : i32
    %max3A_1165 = arith.maxsi %max3A_1164, %sub3A_1163 : i32
    %eq3A_1166 = arith.constant 0 : i32
    %eq3A_1167 = arith.cmpi eq, %select_n3A_1158, %eq3A_1166 : i32
    %eq3A_1168 = arith.constant 1 : i32
    %eq3A_1169 = arith.cmpi eq, %select_n3A_1158, %eq3A_1168 : i32
    %jit3A_1170 = arith.constant 4 : i32
    %jit3A_1171 = arith.constant 9 : i32
    %select_n3A_1172 = arith.select %eq3A_1169, %jit3A_1170, %jit3A_1171 : i32
    %jit3A_1173 = arith.constant 0 : i32
    %select_n3A_1174 = arith.select %eq3A_1167, %jit3A_1173, %select_n3A_1172 : i32
    %eq3A_1175 = arith.constant 62 : i32
    %eq3A_1176 = arith.cmpi eq, %select_n3A_1158, %eq3A_1175 : i32
    %jit3A_1177 = arith.constant 427 : i32
    %jit3A_1178 = arith.constant 432 : i32
    %select_n3A_1179 = arith.select %eq3A_1176, %jit3A_1177, %jit3A_1178 : i32
    %lt3A_1180 = arith.constant 3 : i32
    %lt3A_1181 = arith.cmpi slt, %select_n3A_1158, %lt3A_1180 : i32
    %lt3A_1182 = arith.constant 62 : i32
    %lt3A_1183 = arith.cmpi slt, %select_n3A_1158, %lt3A_1182 : i32
    %sub3A_1184 = arith.constant 3 : i32
    %sub3A_1185 = arith.subi %select_n3A_1158, %sub3A_1184 : i32
    %mul3A_1186 = arith.constant 7 : i32
    %mul3A_1187 = arith.muli %mul3A_1186, %sub3A_1185 : i32
    %add3A_1188 = arith.constant 15 : i32
    %add3A_1189 = arith.addi %add3A_1188, %mul3A_1187 : i32
    %select_n3A_1190 = arith.select %lt3A_1183, %add3A_1189, %select_n3A_1179 : i32
    %select_n3A_1191 = arith.select %lt3A_1181, %select_n3A_1174, %select_n3A_1190 : i32
    %sub3A_1192 = arith.subi %add3A_1161, %select_n3A_1191 : i32
    %add3A_1193 = arith.addi %max3A_1165, %sub3A_1192 : i32
    %sub3A_1194 = arith.subi %add3A_1193, %max3A_49 : i32
    %add3A_1195 = arith.constant 11 : i32
    %add3A_1196 = arith.addi %min3A_3, %add3A_1195 : i32
    %lt3A_1197 = arith.constant 4 : i32
    %lt3A_1198 = arith.cmpi slt, %add3A_1196, %lt3A_1197 : i32
    %lt3A_1199 = arith.constant 9 : i32
    %lt3A_1200 = arith.cmpi slt, %add3A_1196, %lt3A_1199 : i32
    %jit3A_1201 = arith.constant 1 : i32
    %jit3A_1202 = arith.constant 2 : i32
    %select_n3A_1203 = arith.select %lt3A_1200, %jit3A_1201, %jit3A_1202 : i32
    %jit3A_1204 = arith.constant 0 : i32
    %select_n3A_1205 = arith.select %lt3A_1198, %jit3A_1204, %select_n3A_1203 : i32
    %lt3A_1206 = arith.constant 427 : i32
    %lt3A_1207 = arith.cmpi slt, %add3A_1196, %lt3A_1206 : i32
    %lt3A_1208 = arith.constant 432 : i32
    %lt3A_1209 = arith.cmpi slt, %add3A_1196, %lt3A_1208 : i32
    %jit3A_1210 = arith.constant 62 : i32
    %jit3A_1211 = arith.constant 63 : i32
    %select_n3A_1212 = arith.select %lt3A_1209, %jit3A_1210, %jit3A_1211 : i32
    %jit3A_1213 = arith.constant 61 : i32
    %select_n3A_1214 = arith.select %lt3A_1207, %jit3A_1213, %select_n3A_1212 : i32
    %lt3A_1215 = arith.constant 15 : i32
    %lt3A_1216 = arith.cmpi slt, %add3A_1196, %lt3A_1215 : i32
    %lt3A_1217 = arith.constant 421 : i32
    %lt3A_1218 = arith.cmpi slt, %add3A_1196, %lt3A_1217 : i32
    %sub3A_1219 = arith.constant 15 : i32
    %sub3A_1220 = arith.subi %add3A_1196, %sub3A_1219 : i32
    %jit3A_1221 = arith.constant 7 : i32
    %div3A_1222 = arith.divsi %sub3A_1220, %jit3A_1221 : i32
    %sign3A_1223 = arith.constant 0 : i32
    %sign3A_1224 = arith.cmpi sgt, %sub3A_1220, %sign3A_1223 : i32
    %sign3A_1225 = arith.extui %sign3A_1224 : i1 to i32
    %sign3A_1226 = arith.constant 0 : i32
    %sign3A_1227 = arith.cmpi slt, %sub3A_1220, %sign3A_1226 : i32
    %sign3A_1228 = arith.extui %sign3A_1227 : i1 to i32
    %sign3A_1229 = arith.subi %sign3A_1225, %sign3A_1228 : i32
    %sign3A_1230 = arith.constant 0 : i32
    %sign3A_1231 = arith.cmpi sgt, %jit3A_1221, %sign3A_1230 : i32
    %sign3A_1232 = arith.extui %sign3A_1231 : i1 to i32
    %sign3A_1233 = arith.constant 0 : i32
    %sign3A_1234 = arith.cmpi slt, %jit3A_1221, %sign3A_1233 : i32
    %sign3A_1235 = arith.extui %sign3A_1234 : i1 to i32
    %sign3A_1236 = arith.subi %sign3A_1232, %sign3A_1235 : i32
    %ne3A_1237 = arith.cmpi ne, %sign3A_1229, %sign3A_1236 : i32
    %rem3A_1238 = arith.remsi %sub3A_1220, %jit3A_1221 : i32
    %ne3A_1239 = arith.constant 0 : i32
    %ne3A_1240 = arith.cmpi ne, %rem3A_1238, %ne3A_1239 : i32
    %and3A_1241 = arith.andi %ne3A_1237, %ne3A_1240 : i1
    %sub3A_1242 = arith.constant 1 : i32
    %sub3A_1243 = arith.subi %div3A_1222, %sub3A_1242 : i32
    %select_n3A_1244 = arith.select %and3A_1241, %sub3A_1243, %div3A_1222 : i32
    %add3A_1245 = arith.constant 3 : i32
    %add3A_1246 = arith.addi %select_n3A_1244, %add3A_1245 : i32
    %select_n3A_1247 = arith.select %lt3A_1218, %add3A_1246, %select_n3A_1214 : i32
    %select_n3A_1248 = arith.select %lt3A_1216, %select_n3A_1205, %select_n3A_1247 : i32
    %sub3A_1249 = arith.subi %select_n3A_1248, %select_n3A_46 : i32
    %add3A_1250 = arith.constant 11 : i32
    %add3A_1251 = arith.addi %min3A_3, %add3A_1250 : i32
    %sub3A_1252 = arith.constant 3 : i32
    %sub3A_1253 = arith.subi %select_n3A_1248, %sub3A_1252 : i32
    %max3A_1254 = arith.constant 0 : i32
    %max3A_1255 = arith.maxsi %max3A_1254, %sub3A_1253 : i32
    %eq3A_1256 = arith.constant 0 : i32
    %eq3A_1257 = arith.cmpi eq, %select_n3A_1248, %eq3A_1256 : i32
    %eq3A_1258 = arith.constant 1 : i32
    %eq3A_1259 = arith.cmpi eq, %select_n3A_1248, %eq3A_1258 : i32
    %jit3A_1260 = arith.constant 4 : i32
    %jit3A_1261 = arith.constant 9 : i32
    %select_n3A_1262 = arith.select %eq3A_1259, %jit3A_1260, %jit3A_1261 : i32
    %jit3A_1263 = arith.constant 0 : i32
    %select_n3A_1264 = arith.select %eq3A_1257, %jit3A_1263, %select_n3A_1262 : i32
    %eq3A_1265 = arith.constant 62 : i32
    %eq3A_1266 = arith.cmpi eq, %select_n3A_1248, %eq3A_1265 : i32
    %jit3A_1267 = arith.constant 427 : i32
    %jit3A_1268 = arith.constant 432 : i32
    %select_n3A_1269 = arith.select %eq3A_1266, %jit3A_1267, %jit3A_1268 : i32
    %lt3A_1270 = arith.constant 3 : i32
    %lt3A_1271 = arith.cmpi slt, %select_n3A_1248, %lt3A_1270 : i32
    %lt3A_1272 = arith.constant 62 : i32
    %lt3A_1273 = arith.cmpi slt, %select_n3A_1248, %lt3A_1272 : i32
    %sub3A_1274 = arith.constant 3 : i32
    %sub3A_1275 = arith.subi %select_n3A_1248, %sub3A_1274 : i32
    %mul3A_1276 = arith.constant 7 : i32
    %mul3A_1277 = arith.muli %mul3A_1276, %sub3A_1275 : i32
    %add3A_1278 = arith.constant 15 : i32
    %add3A_1279 = arith.addi %add3A_1278, %mul3A_1277 : i32
    %select_n3A_1280 = arith.select %lt3A_1273, %add3A_1279, %select_n3A_1269 : i32
    %select_n3A_1281 = arith.select %lt3A_1271, %select_n3A_1264, %select_n3A_1280 : i32
    %sub3A_1282 = arith.subi %add3A_1251, %select_n3A_1281 : i32
    %add3A_1283 = arith.addi %max3A_1255, %sub3A_1282 : i32
    %sub3A_1284 = arith.subi %add3A_1283, %max3A_49 : i32
    %add3A_1285 = arith.constant 12 : i32
    %add3A_1286 = arith.addi %min3A_3, %add3A_1285 : i32
    %lt3A_1287 = arith.constant 4 : i32
    %lt3A_1288 = arith.cmpi slt, %add3A_1286, %lt3A_1287 : i32
    %lt3A_1289 = arith.constant 9 : i32
    %lt3A_1290 = arith.cmpi slt, %add3A_1286, %lt3A_1289 : i32
    %jit3A_1291 = arith.constant 1 : i32
    %jit3A_1292 = arith.constant 2 : i32
    %select_n3A_1293 = arith.select %lt3A_1290, %jit3A_1291, %jit3A_1292 : i32
    %jit3A_1294 = arith.constant 0 : i32
    %select_n3A_1295 = arith.select %lt3A_1288, %jit3A_1294, %select_n3A_1293 : i32
    %lt3A_1296 = arith.constant 427 : i32
    %lt3A_1297 = arith.cmpi slt, %add3A_1286, %lt3A_1296 : i32
    %lt3A_1298 = arith.constant 432 : i32
    %lt3A_1299 = arith.cmpi slt, %add3A_1286, %lt3A_1298 : i32
    %jit3A_1300 = arith.constant 62 : i32
    %jit3A_1301 = arith.constant 63 : i32
    %select_n3A_1302 = arith.select %lt3A_1299, %jit3A_1300, %jit3A_1301 : i32
    %jit3A_1303 = arith.constant 61 : i32
    %select_n3A_1304 = arith.select %lt3A_1297, %jit3A_1303, %select_n3A_1302 : i32
    %lt3A_1305 = arith.constant 15 : i32
    %lt3A_1306 = arith.cmpi slt, %add3A_1286, %lt3A_1305 : i32
    %lt3A_1307 = arith.constant 421 : i32
    %lt3A_1308 = arith.cmpi slt, %add3A_1286, %lt3A_1307 : i32
    %sub3A_1309 = arith.constant 15 : i32
    %sub3A_1310 = arith.subi %add3A_1286, %sub3A_1309 : i32
    %jit3A_1311 = arith.constant 7 : i32
    %div3A_1312 = arith.divsi %sub3A_1310, %jit3A_1311 : i32
    %sign3A_1313 = arith.constant 0 : i32
    %sign3A_1314 = arith.cmpi sgt, %sub3A_1310, %sign3A_1313 : i32
    %sign3A_1315 = arith.extui %sign3A_1314 : i1 to i32
    %sign3A_1316 = arith.constant 0 : i32
    %sign3A_1317 = arith.cmpi slt, %sub3A_1310, %sign3A_1316 : i32
    %sign3A_1318 = arith.extui %sign3A_1317 : i1 to i32
    %sign3A_1319 = arith.subi %sign3A_1315, %sign3A_1318 : i32
    %sign3A_1320 = arith.constant 0 : i32
    %sign3A_1321 = arith.cmpi sgt, %jit3A_1311, %sign3A_1320 : i32
    %sign3A_1322 = arith.extui %sign3A_1321 : i1 to i32
    %sign3A_1323 = arith.constant 0 : i32
    %sign3A_1324 = arith.cmpi slt, %jit3A_1311, %sign3A_1323 : i32
    %sign3A_1325 = arith.extui %sign3A_1324 : i1 to i32
    %sign3A_1326 = arith.subi %sign3A_1322, %sign3A_1325 : i32
    %ne3A_1327 = arith.cmpi ne, %sign3A_1319, %sign3A_1326 : i32
    %rem3A_1328 = arith.remsi %sub3A_1310, %jit3A_1311 : i32
    %ne3A_1329 = arith.constant 0 : i32
    %ne3A_1330 = arith.cmpi ne, %rem3A_1328, %ne3A_1329 : i32
    %and3A_1331 = arith.andi %ne3A_1327, %ne3A_1330 : i1
    %sub3A_1332 = arith.constant 1 : i32
    %sub3A_1333 = arith.subi %div3A_1312, %sub3A_1332 : i32
    %select_n3A_1334 = arith.select %and3A_1331, %sub3A_1333, %div3A_1312 : i32
    %add3A_1335 = arith.constant 3 : i32
    %add3A_1336 = arith.addi %select_n3A_1334, %add3A_1335 : i32
    %select_n3A_1337 = arith.select %lt3A_1308, %add3A_1336, %select_n3A_1304 : i32
    %select_n3A_1338 = arith.select %lt3A_1306, %select_n3A_1295, %select_n3A_1337 : i32
    %sub3A_1339 = arith.subi %select_n3A_1338, %select_n3A_46 : i32
    %add3A_1340 = arith.constant 12 : i32
    %add3A_1341 = arith.addi %min3A_3, %add3A_1340 : i32
    %sub3A_1342 = arith.constant 3 : i32
    %sub3A_1343 = arith.subi %select_n3A_1338, %sub3A_1342 : i32
    %max3A_1344 = arith.constant 0 : i32
    %max3A_1345 = arith.maxsi %max3A_1344, %sub3A_1343 : i32
    %eq3A_1346 = arith.constant 0 : i32
    %eq3A_1347 = arith.cmpi eq, %select_n3A_1338, %eq3A_1346 : i32
    %eq3A_1348 = arith.constant 1 : i32
    %eq3A_1349 = arith.cmpi eq, %select_n3A_1338, %eq3A_1348 : i32
    %jit3A_1350 = arith.constant 4 : i32
    %jit3A_1351 = arith.constant 9 : i32
    %select_n3A_1352 = arith.select %eq3A_1349, %jit3A_1350, %jit3A_1351 : i32
    %jit3A_1353 = arith.constant 0 : i32
    %select_n3A_1354 = arith.select %eq3A_1347, %jit3A_1353, %select_n3A_1352 : i32
    %eq3A_1355 = arith.constant 62 : i32
    %eq3A_1356 = arith.cmpi eq, %select_n3A_1338, %eq3A_1355 : i32
    %jit3A_1357 = arith.constant 427 : i32
    %jit3A_1358 = arith.constant 432 : i32
    %select_n3A_1359 = arith.select %eq3A_1356, %jit3A_1357, %jit3A_1358 : i32
    %lt3A_1360 = arith.constant 3 : i32
    %lt3A_1361 = arith.cmpi slt, %select_n3A_1338, %lt3A_1360 : i32
    %lt3A_1362 = arith.constant 62 : i32
    %lt3A_1363 = arith.cmpi slt, %select_n3A_1338, %lt3A_1362 : i32
    %sub3A_1364 = arith.constant 3 : i32
    %sub3A_1365 = arith.subi %select_n3A_1338, %sub3A_1364 : i32
    %mul3A_1366 = arith.constant 7 : i32
    %mul3A_1367 = arith.muli %mul3A_1366, %sub3A_1365 : i32
    %add3A_1368 = arith.constant 15 : i32
    %add3A_1369 = arith.addi %add3A_1368, %mul3A_1367 : i32
    %select_n3A_1370 = arith.select %lt3A_1363, %add3A_1369, %select_n3A_1359 : i32
    %select_n3A_1371 = arith.select %lt3A_1361, %select_n3A_1354, %select_n3A_1370 : i32
    %sub3A_1372 = arith.subi %add3A_1341, %select_n3A_1371 : i32
    %add3A_1373 = arith.addi %max3A_1345, %sub3A_1372 : i32
    %sub3A_1374 = arith.subi %add3A_1373, %max3A_49 : i32
    %add3A_1375 = arith.constant 13 : i32
    %add3A_1376 = arith.addi %min3A_3, %add3A_1375 : i32
    %lt3A_1377 = arith.constant 4 : i32
    %lt3A_1378 = arith.cmpi slt, %add3A_1376, %lt3A_1377 : i32
    %lt3A_1379 = arith.constant 9 : i32
    %lt3A_1380 = arith.cmpi slt, %add3A_1376, %lt3A_1379 : i32
    %jit3A_1381 = arith.constant 1 : i32
    %jit3A_1382 = arith.constant 2 : i32
    %select_n3A_1383 = arith.select %lt3A_1380, %jit3A_1381, %jit3A_1382 : i32
    %jit3A_1384 = arith.constant 0 : i32
    %select_n3A_1385 = arith.select %lt3A_1378, %jit3A_1384, %select_n3A_1383 : i32
    %lt3A_1386 = arith.constant 427 : i32
    %lt3A_1387 = arith.cmpi slt, %add3A_1376, %lt3A_1386 : i32
    %lt3A_1388 = arith.constant 432 : i32
    %lt3A_1389 = arith.cmpi slt, %add3A_1376, %lt3A_1388 : i32
    %jit3A_1390 = arith.constant 62 : i32
    %jit3A_1391 = arith.constant 63 : i32
    %select_n3A_1392 = arith.select %lt3A_1389, %jit3A_1390, %jit3A_1391 : i32
    %jit3A_1393 = arith.constant 61 : i32
    %select_n3A_1394 = arith.select %lt3A_1387, %jit3A_1393, %select_n3A_1392 : i32
    %lt3A_1395 = arith.constant 15 : i32
    %lt3A_1396 = arith.cmpi slt, %add3A_1376, %lt3A_1395 : i32
    %lt3A_1397 = arith.constant 421 : i32
    %lt3A_1398 = arith.cmpi slt, %add3A_1376, %lt3A_1397 : i32
    %sub3A_1399 = arith.constant 15 : i32
    %sub3A_1400 = arith.subi %add3A_1376, %sub3A_1399 : i32
    %jit3A_1401 = arith.constant 7 : i32
    %div3A_1402 = arith.divsi %sub3A_1400, %jit3A_1401 : i32
    %sign3A_1403 = arith.constant 0 : i32
    %sign3A_1404 = arith.cmpi sgt, %sub3A_1400, %sign3A_1403 : i32
    %sign3A_1405 = arith.extui %sign3A_1404 : i1 to i32
    %sign3A_1406 = arith.constant 0 : i32
    %sign3A_1407 = arith.cmpi slt, %sub3A_1400, %sign3A_1406 : i32
    %sign3A_1408 = arith.extui %sign3A_1407 : i1 to i32
    %sign3A_1409 = arith.subi %sign3A_1405, %sign3A_1408 : i32
    %sign3A_1410 = arith.constant 0 : i32
    %sign3A_1411 = arith.cmpi sgt, %jit3A_1401, %sign3A_1410 : i32
    %sign3A_1412 = arith.extui %sign3A_1411 : i1 to i32
    %sign3A_1413 = arith.constant 0 : i32
    %sign3A_1414 = arith.cmpi slt, %jit3A_1401, %sign3A_1413 : i32
    %sign3A_1415 = arith.extui %sign3A_1414 : i1 to i32
    %sign3A_1416 = arith.subi %sign3A_1412, %sign3A_1415 : i32
    %ne3A_1417 = arith.cmpi ne, %sign3A_1409, %sign3A_1416 : i32
    %rem3A_1418 = arith.remsi %sub3A_1400, %jit3A_1401 : i32
    %ne3A_1419 = arith.constant 0 : i32
    %ne3A_1420 = arith.cmpi ne, %rem3A_1418, %ne3A_1419 : i32
    %and3A_1421 = arith.andi %ne3A_1417, %ne3A_1420 : i1
    %sub3A_1422 = arith.constant 1 : i32
    %sub3A_1423 = arith.subi %div3A_1402, %sub3A_1422 : i32
    %select_n3A_1424 = arith.select %and3A_1421, %sub3A_1423, %div3A_1402 : i32
    %add3A_1425 = arith.constant 3 : i32
    %add3A_1426 = arith.addi %select_n3A_1424, %add3A_1425 : i32
    %select_n3A_1427 = arith.select %lt3A_1398, %add3A_1426, %select_n3A_1394 : i32
    %select_n3A_1428 = arith.select %lt3A_1396, %select_n3A_1385, %select_n3A_1427 : i32
    %sub3A_1429 = arith.subi %select_n3A_1428, %select_n3A_46 : i32
    %add3A_1430 = arith.constant 13 : i32
    %add3A_1431 = arith.addi %min3A_3, %add3A_1430 : i32
    %sub3A_1432 = arith.constant 3 : i32
    %sub3A_1433 = arith.subi %select_n3A_1428, %sub3A_1432 : i32
    %max3A_1434 = arith.constant 0 : i32
    %max3A_1435 = arith.maxsi %max3A_1434, %sub3A_1433 : i32
    %eq3A_1436 = arith.constant 0 : i32
    %eq3A_1437 = arith.cmpi eq, %select_n3A_1428, %eq3A_1436 : i32
    %eq3A_1438 = arith.constant 1 : i32
    %eq3A_1439 = arith.cmpi eq, %select_n3A_1428, %eq3A_1438 : i32
    %jit3A_1440 = arith.constant 4 : i32
    %jit3A_1441 = arith.constant 9 : i32
    %select_n3A_1442 = arith.select %eq3A_1439, %jit3A_1440, %jit3A_1441 : i32
    %jit3A_1443 = arith.constant 0 : i32
    %select_n3A_1444 = arith.select %eq3A_1437, %jit3A_1443, %select_n3A_1442 : i32
    %eq3A_1445 = arith.constant 62 : i32
    %eq3A_1446 = arith.cmpi eq, %select_n3A_1428, %eq3A_1445 : i32
    %jit3A_1447 = arith.constant 427 : i32
    %jit3A_1448 = arith.constant 432 : i32
    %select_n3A_1449 = arith.select %eq3A_1446, %jit3A_1447, %jit3A_1448 : i32
    %lt3A_1450 = arith.constant 3 : i32
    %lt3A_1451 = arith.cmpi slt, %select_n3A_1428, %lt3A_1450 : i32
    %lt3A_1452 = arith.constant 62 : i32
    %lt3A_1453 = arith.cmpi slt, %select_n3A_1428, %lt3A_1452 : i32
    %sub3A_1454 = arith.constant 3 : i32
    %sub3A_1455 = arith.subi %select_n3A_1428, %sub3A_1454 : i32
    %mul3A_1456 = arith.constant 7 : i32
    %mul3A_1457 = arith.muli %mul3A_1456, %sub3A_1455 : i32
    %add3A_1458 = arith.constant 15 : i32
    %add3A_1459 = arith.addi %add3A_1458, %mul3A_1457 : i32
    %select_n3A_1460 = arith.select %lt3A_1453, %add3A_1459, %select_n3A_1449 : i32
    %select_n3A_1461 = arith.select %lt3A_1451, %select_n3A_1444, %select_n3A_1460 : i32
    %sub3A_1462 = arith.subi %add3A_1431, %select_n3A_1461 : i32
    %add3A_1463 = arith.addi %max3A_1435, %sub3A_1462 : i32
    %sub3A_1464 = arith.subi %add3A_1463, %max3A_49 : i32
    %dma_wait3A = arith.constant 0 : i32
    %dma_wait3A_1465 = arith.constant 0 : i32
    %dma_wait3A_1466 = tpu.memref_slice %arg2[%dma_wait3A, %dma_wait3A_1465] : memref<1024x384xf32, #tpu.memory_space<hbm>> -> memref<1024x384xf32, #tpu.memory_space<hbm>>
    tpu.wait_indirect_dma semaphore(%arg9 : memref<!tpu.dma_semaphore, #tpu.memory_space<semaphore_mem>>) src(%dma_wait3A_1466 : memref<1024x384xf32, #tpu.memory_space<hbm>>) dst(%arg7 : memref<64x384xf32, #tpu.memory_space<vmem>>)
    %mul3A_1467 = arith.constant 16 : i32
    %mul3A_1468 = arith.muli %sub3A_260, %mul3A_1467 : i32
    %add3A_1469 = arith.constant 0 : i32
    %add3A_1470 = arith.addi %min3A_3, %add3A_1469 : i32
    %dma_start3A_1471 = arith.constant 0 : i32
    %dma_start3A_1472 = tpu.memref_slice %arg7[%mul3A_1468, %dma_start3A_1471] : memref<64x384xf32, #tpu.memory_space<vmem>> -> memref<16x384xf32, #tpu.memory_space<vmem>>
    %dma_start3A_1473 = arith.constant 0 : i32
    %dma_start3A_1474 = arith.constant 0 : i32
    %dma_start3A_1475 = tpu.memref_slice %arg4[%add3A_1470, %dma_start3A_1473, %dma_start3A_1474] : memref<436x16x832xf32, #tpu.memory_space<hbm>> -> memref<1x16x384xf32, #tpu.memory_space<hbm>>
    %dma_start3A_1476 = tpu.memref_squeeze %dma_start3A_1475 : memref<1x16x384xf32, #tpu.memory_space<hbm>> -> memref<16x384xf32, #tpu.memory_space<hbm>>
    %dma_start3A_1477 = arith.constant 0 : i32
    %dma_start3A_1478 = arith.constant 0 : i32
    %dma_start3A_1479 = tpu.memref_slice %arg4[%add3A_1470, %dma_start3A_1477, %dma_start3A_1478] : memref<436x16x832xf32, #tpu.memory_space<hbm>> -> memref<1x16x384xf32, #tpu.memory_space<hbm>>
    %dma_start3A_1480 = tpu.memref_squeeze %dma_start3A_1479 : memref<1x16x384xf32, #tpu.memory_space<hbm>> -> memref<16x384xf32, #tpu.memory_space<hbm>>
    %dma_start3A_1481 = arith.constant 0 : i32
    %dma_start3A_1482 = tpu.memref_slice %arg7[%mul3A_1468, %dma_start3A_1481] : memref<64x384xf32, #tpu.memory_space<vmem>> -> memref<16x384xf32, #tpu.memory_space<vmem>>
    tpu.enqueue_dma source(%dma_start3A_1482 : memref<16x384xf32, #tpu.memory_space<vmem>>) target(%dma_start3A_1480 : memref<16x384xf32, #tpu.memory_space<hbm>>) target_semaphore(%arg9 : memref<!tpu.dma_semaphore, #tpu.memory_space<semaphore_mem>>)
    %mul3A_1483 = arith.constant 16 : i32
    %mul3A_1484 = arith.muli %sub3A_349, %mul3A_1483 : i32
    %add3A_1485 = arith.constant 1 : i32
    %add3A_1486 = arith.addi %min3A_3, %add3A_1485 : i32
    %dma_start3A_1487 = arith.constant 0 : i32
    %dma_start3A_1488 = tpu.memref_slice %arg7[%mul3A_1484, %dma_start3A_1487] : memref<64x384xf32, #tpu.memory_space<vmem>> -> memref<16x384xf32, #tpu.memory_space<vmem>>
    %dma_start3A_1489 = arith.constant 0 : i32
    %dma_start3A_1490 = arith.constant 0 : i32
    %dma_start3A_1491 = tpu.memref_slice %arg4[%add3A_1486, %dma_start3A_1489, %dma_start3A_1490] : memref<436x16x832xf32, #tpu.memory_space<hbm>> -> memref<1x16x384xf32, #tpu.memory_space<hbm>>
    %dma_start3A_1492 = tpu.memref_squeeze %dma_start3A_1491 : memref<1x16x384xf32, #tpu.memory_space<hbm>> -> memref<16x384xf32, #tpu.memory_space<hbm>>
    %dma_start3A_1493 = arith.constant 0 : i32
    %dma_start3A_1494 = arith.constant 0 : i32
    %dma_start3A_1495 = tpu.memref_slice %arg4[%add3A_1486, %dma_start3A_1493, %dma_start3A_1494] : memref<436x16x832xf32, #tpu.memory_space<hbm>> -> memref<1x16x384xf32, #tpu.memory_space<hbm>>
    %dma_start3A_1496 = tpu.memref_squeeze %dma_start3A_1495 : memref<1x16x384xf32, #tpu.memory_space<hbm>> -> memref<16x384xf32, #tpu.memory_space<hbm>>
    %dma_start3A_1497 = arith.constant 0 : i32
    %dma_start3A_1498 = tpu.memref_slice %arg7[%mul3A_1484, %dma_start3A_1497] : memref<64x384xf32, #tpu.memory_space<vmem>> -> memref<16x384xf32, #tpu.memory_space<vmem>>
    tpu.enqueue_dma source(%dma_start3A_1498 : memref<16x384xf32, #tpu.memory_space<vmem>>) target(%dma_start3A_1496 : memref<16x384xf32, #tpu.memory_space<hbm>>) target_semaphore(%arg9 : memref<!tpu.dma_semaphore, #tpu.memory_space<semaphore_mem>>)
    %mul3A_1499 = arith.constant 16 : i32
    %mul3A_1500 = arith.muli %sub3A_439, %mul3A_1499 : i32
    %add3A_1501 = arith.constant 2 : i32
    %add3A_1502 = arith.addi %min3A_3, %add3A_1501 : i32
    %dma_start3A_1503 = arith.constant 0 : i32
    %dma_start3A_1504 = tpu.memref_slice %arg7[%mul3A_1500, %dma_start3A_1503] : memref<64x384xf32, #tpu.memory_space<vmem>> -> memref<16x384xf32, #tpu.memory_space<vmem>>
    %dma_start3A_1505 = arith.constant 0 : i32
    %dma_start3A_1506 = arith.constant 0 : i32
    %dma_start3A_1507 = tpu.memref_slice %arg4[%add3A_1502, %dma_start3A_1505, %dma_start3A_1506] : memref<436x16x832xf32, #tpu.memory_space<hbm>> -> memref<1x16x384xf32, #tpu.memory_space<hbm>>
    %dma_start3A_1508 = tpu.memref_squeeze %dma_start3A_1507 : memref<1x16x384xf32, #tpu.memory_space<hbm>> -> memref<16x384xf32, #tpu.memory_space<hbm>>
    %dma_start3A_1509 = arith.constant 0 : i32
    %dma_start3A_1510 = arith.constant 0 : i32
    %dma_start3A_1511 = tpu.memref_slice %arg4[%add3A_1502, %dma_start3A_1509, %dma_start3A_1510] : memref<436x16x832xf32, #tpu.memory_space<hbm>> -> memref<1x16x384xf32, #tpu.memory_space<hbm>>
    %dma_start3A_1512 = tpu.memref_squeeze %dma_start3A_1511 : memref<1x16x384xf32, #tpu.memory_space<hbm>> -> memref<16x384xf32, #tpu.memory_space<hbm>>
    %dma_start3A_1513 = arith.constant 0 : i32
    %dma_start3A_1514 = tpu.memref_slice %arg7[%mul3A_1500, %dma_start3A_1513] : memref<64x384xf32, #tpu.memory_space<vmem>> -> memref<16x384xf32, #tpu.memory_space<vmem>>
    tpu.enqueue_dma source(%dma_start3A_1514 : memref<16x384xf32, #tpu.memory_space<vmem>>) target(%dma_start3A_1512 : memref<16x384xf32, #tpu.memory_space<hbm>>) target_semaphore(%arg9 : memref<!tpu.dma_semaphore, #tpu.memory_space<semaphore_mem>>)
    %mul3A_1515 = arith.constant 16 : i32
    %mul3A_1516 = arith.muli %sub3A_529, %mul3A_1515 : i32
    %add3A_1517 = arith.constant 3 : i32
    %add3A_1518 = arith.addi %min3A_3, %add3A_1517 : i32
    %dma_start3A_1519 = arith.constant 0 : i32
    %dma_start3A_1520 = tpu.memref_slice %arg7[%mul3A_1516, %dma_start3A_1519] : memref<64x384xf32, #tpu.memory_space<vmem>> -> memref<16x384xf32, #tpu.memory_space<vmem>>
    %dma_start3A_1521 = arith.constant 0 : i32
    %dma_start3A_1522 = arith.constant 0 : i32
    %dma_start3A_1523 = tpu.memref_slice %arg4[%add3A_1518, %dma_start3A_1521, %dma_start3A_1522] : memref<436x16x832xf32, #tpu.memory_space<hbm>> -> memref<1x16x384xf32, #tpu.memory_space<hbm>>
    %dma_start3A_1524 = tpu.memref_squeeze %dma_start3A_1523 : memref<1x16x384xf32, #tpu.memory_space<hbm>> -> memref<16x384xf32, #tpu.memory_space<hbm>>
    %dma_start3A_1525 = arith.constant 0 : i32
    %dma_start3A_1526 = arith.constant 0 : i32
    %dma_start3A_1527 = tpu.memref_slice %arg4[%add3A_1518, %dma_start3A_1525, %dma_start3A_1526] : memref<436x16x832xf32, #tpu.memory_space<hbm>> -> memref<1x16x384xf32, #tpu.memory_space<hbm>>
    %dma_start3A_1528 = tpu.memref_squeeze %dma_start3A_1527 : memref<1x16x384xf32, #tpu.memory_space<hbm>> -> memref<16x384xf32, #tpu.memory_space<hbm>>
    %dma_start3A_1529 = arith.constant 0 : i32
    %dma_start3A_1530 = tpu.memref_slice %arg7[%mul3A_1516, %dma_start3A_1529] : memref<64x384xf32, #tpu.memory_space<vmem>> -> memref<16x384xf32, #tpu.memory_space<vmem>>
    tpu.enqueue_dma source(%dma_start3A_1530 : memref<16x384xf32, #tpu.memory_space<vmem>>) target(%dma_start3A_1528 : memref<16x384xf32, #tpu.memory_space<hbm>>) target_semaphore(%arg9 : memref<!tpu.dma_semaphore, #tpu.memory_space<semaphore_mem>>)
    %mul3A_1531 = arith.constant 16 : i32
    %mul3A_1532 = arith.muli %sub3A_619, %mul3A_1531 : i32
    %add3A_1533 = arith.constant 4 : i32
    %add3A_1534 = arith.addi %min3A_3, %add3A_1533 : i32
    %dma_start3A_1535 = arith.constant 0 : i32
    %dma_start3A_1536 = tpu.memref_slice %arg7[%mul3A_1532, %dma_start3A_1535] : memref<64x384xf32, #tpu.memory_space<vmem>> -> memref<16x384xf32, #tpu.memory_space<vmem>>
    %dma_start3A_1537 = arith.constant 0 : i32
    %dma_start3A_1538 = arith.constant 0 : i32
    %dma_start3A_1539 = tpu.memref_slice %arg4[%add3A_1534, %dma_start3A_1537, %dma_start3A_1538] : memref<436x16x832xf32, #tpu.memory_space<hbm>> -> memref<1x16x384xf32, #tpu.memory_space<hbm>>
    %dma_start3A_1540 = tpu.memref_squeeze %dma_start3A_1539 : memref<1x16x384xf32, #tpu.memory_space<hbm>> -> memref<16x384xf32, #tpu.memory_space<hbm>>
    %dma_start3A_1541 = arith.constant 0 : i32
    %dma_start3A_1542 = arith.constant 0 : i32
    %dma_start3A_1543 = tpu.memref_slice %arg4[%add3A_1534, %dma_start3A_1541, %dma_start3A_1542] : memref<436x16x832xf32, #tpu.memory_space<hbm>> -> memref<1x16x384xf32, #tpu.memory_space<hbm>>
    %dma_start3A_1544 = tpu.memref_squeeze %dma_start3A_1543 : memref<1x16x384xf32, #tpu.memory_space<hbm>> -> memref<16x384xf32, #tpu.memory_space<hbm>>
    %dma_start3A_1545 = arith.constant 0 : i32
    %dma_start3A_1546 = tpu.memref_slice %arg7[%mul3A_1532, %dma_start3A_1545] : memref<64x384xf32, #tpu.memory_space<vmem>> -> memref<16x384xf32, #tpu.memory_space<vmem>>
    tpu.enqueue_dma source(%dma_start3A_1546 : memref<16x384xf32, #tpu.memory_space<vmem>>) target(%dma_start3A_1544 : memref<16x384xf32, #tpu.memory_space<hbm>>) target_semaphore(%arg9 : memref<!tpu.dma_semaphore, #tpu.memory_space<semaphore_mem>>)
    %mul3A_1547 = arith.constant 16 : i32
    %mul3A_1548 = arith.muli %sub3A_709, %mul3A_1547 : i32
    %add3A_1549 = arith.constant 5 : i32
    %add3A_1550 = arith.addi %min3A_3, %add3A_1549 : i32
    %dma_start3A_1551 = arith.constant 0 : i32
    %dma_start3A_1552 = tpu.memref_slice %arg7[%mul3A_1548, %dma_start3A_1551] : memref<64x384xf32, #tpu.memory_space<vmem>> -> memref<16x384xf32, #tpu.memory_space<vmem>>
    %dma_start3A_1553 = arith.constant 0 : i32
    %dma_start3A_1554 = arith.constant 0 : i32
    %dma_start3A_1555 = tpu.memref_slice %arg4[%add3A_1550, %dma_start3A_1553, %dma_start3A_1554] : memref<436x16x832xf32, #tpu.memory_space<hbm>> -> memref<1x16x384xf32, #tpu.memory_space<hbm>>
    %dma_start3A_1556 = tpu.memref_squeeze %dma_start3A_1555 : memref<1x16x384xf32, #tpu.memory_space<hbm>> -> memref<16x384xf32, #tpu.memory_space<hbm>>
    %dma_start3A_1557 = arith.constant 0 : i32
    %dma_start3A_1558 = arith.constant 0 : i32
    %dma_start3A_1559 = tpu.memref_slice %arg4[%add3A_1550, %dma_start3A_1557, %dma_start3A_1558] : memref<436x16x832xf32, #tpu.memory_space<hbm>> -> memref<1x16x384xf32, #tpu.memory_space<hbm>>
    %dma_start3A_1560 = tpu.memref_squeeze %dma_start3A_1559 : memref<1x16x384xf32, #tpu.memory_space<hbm>> -> memref<16x384xf32, #tpu.memory_space<hbm>>
    %dma_start3A_1561 = arith.constant 0 : i32
    %dma_start3A_1562 = tpu.memref_slice %arg7[%mul3A_1548, %dma_start3A_1561] : memref<64x384xf32, #tpu.memory_space<vmem>> -> memref<16x384xf32, #tpu.memory_space<vmem>>
    tpu.enqueue_dma source(%dma_start3A_1562 : memref<16x384xf32, #tpu.memory_space<vmem>>) target(%dma_start3A_1560 : memref<16x384xf32, #tpu.memory_space<hbm>>) target_semaphore(%arg9 : memref<!tpu.dma_semaphore, #tpu.memory_space<semaphore_mem>>)
    %mul3A_1563 = arith.constant 16 : i32
    %mul3A_1564 = arith.muli %sub3A_799, %mul3A_1563 : i32
    %add3A_1565 = arith.constant 6 : i32
    %add3A_1566 = arith.addi %min3A_3, %add3A_1565 : i32
    %dma_start3A_1567 = arith.constant 0 : i32
    %dma_start3A_1568 = tpu.memref_slice %arg7[%mul3A_1564, %dma_start3A_1567] : memref<64x384xf32, #tpu.memory_space<vmem>> -> memref<16x384xf32, #tpu.memory_space<vmem>>
    %dma_start3A_1569 = arith.constant 0 : i32
    %dma_start3A_1570 = arith.constant 0 : i32
    %dma_start3A_1571 = tpu.memref_slice %arg4[%add3A_1566, %dma_start3A_1569, %dma_start3A_1570] : memref<436x16x832xf32, #tpu.memory_space<hbm>> -> memref<1x16x384xf32, #tpu.memory_space<hbm>>
    %dma_start3A_1572 = tpu.memref_squeeze %dma_start3A_1571 : memref<1x16x384xf32, #tpu.memory_space<hbm>> -> memref<16x384xf32, #tpu.memory_space<hbm>>
    %dma_start3A_1573 = arith.constant 0 : i32
    %dma_start3A_1574 = arith.constant 0 : i32
    %dma_start3A_1575 = tpu.memref_slice %arg4[%add3A_1566, %dma_start3A_1573, %dma_start3A_1574] : memref<436x16x832xf32, #tpu.memory_space<hbm>> -> memref<1x16x384xf32, #tpu.memory_space<hbm>>
    %dma_start3A_1576 = tpu.memref_squeeze %dma_start3A_1575 : memref<1x16x384xf32, #tpu.memory_space<hbm>> -> memref<16x384xf32, #tpu.memory_space<hbm>>
    %dma_start3A_1577 = arith.constant 0 : i32
    %dma_start3A_1578 = tpu.memref_slice %arg7[%mul3A_1564, %dma_start3A_1577] : memref<64x384xf32, #tpu.memory_space<vmem>> -> memref<16x384xf32, #tpu.memory_space<vmem>>
    tpu.enqueue_dma source(%dma_start3A_1578 : memref<16x384xf32, #tpu.memory_space<vmem>>) target(%dma_start3A_1576 : memref<16x384xf32, #tpu.memory_space<hbm>>) target_semaphore(%arg9 : memref<!tpu.dma_semaphore, #tpu.memory_space<semaphore_mem>>)
    %mul3A_1579 = arith.constant 16 : i32
    %mul3A_1580 = arith.muli %sub3A_889, %mul3A_1579 : i32
    %add3A_1581 = arith.constant 7 : i32
    %add3A_1582 = arith.addi %min3A_3, %add3A_1581 : i32
    %dma_start3A_1583 = arith.constant 0 : i32
    %dma_start3A_1584 = tpu.memref_slice %arg7[%mul3A_1580, %dma_start3A_1583] : memref<64x384xf32, #tpu.memory_space<vmem>> -> memref<16x384xf32, #tpu.memory_space<vmem>>
    %dma_start3A_1585 = arith.constant 0 : i32
    %dma_start3A_1586 = arith.constant 0 : i32
    %dma_start3A_1587 = tpu.memref_slice %arg4[%add3A_1582, %dma_start3A_1585, %dma_start3A_1586] : memref<436x16x832xf32, #tpu.memory_space<hbm>> -> memref<1x16x384xf32, #tpu.memory_space<hbm>>
    %dma_start3A_1588 = tpu.memref_squeeze %dma_start3A_1587 : memref<1x16x384xf32, #tpu.memory_space<hbm>> -> memref<16x384xf32, #tpu.memory_space<hbm>>
    %dma_start3A_1589 = arith.constant 0 : i32
    %dma_start3A_1590 = arith.constant 0 : i32
    %dma_start3A_1591 = tpu.memref_slice %arg4[%add3A_1582, %dma_start3A_1589, %dma_start3A_1590] : memref<436x16x832xf32, #tpu.memory_space<hbm>> -> memref<1x16x384xf32, #tpu.memory_space<hbm>>
    %dma_start3A_1592 = tpu.memref_squeeze %dma_start3A_1591 : memref<1x16x384xf32, #tpu.memory_space<hbm>> -> memref<16x384xf32, #tpu.memory_space<hbm>>
    %dma_start3A_1593 = arith.constant 0 : i32
    %dma_start3A_1594 = tpu.memref_slice %arg7[%mul3A_1580, %dma_start3A_1593] : memref<64x384xf32, #tpu.memory_space<vmem>> -> memref<16x384xf32, #tpu.memory_space<vmem>>
    tpu.enqueue_dma source(%dma_start3A_1594 : memref<16x384xf32, #tpu.memory_space<vmem>>) target(%dma_start3A_1592 : memref<16x384xf32, #tpu.memory_space<hbm>>) target_semaphore(%arg9 : memref<!tpu.dma_semaphore, #tpu.memory_space<semaphore_mem>>)
    %mul3A_1595 = arith.constant 16 : i32
    %mul3A_1596 = arith.muli %sub3A_979, %mul3A_1595 : i32
    %add3A_1597 = arith.constant 8 : i32
    %add3A_1598 = arith.addi %min3A_3, %add3A_1597 : i32
    %dma_start3A_1599 = arith.constant 0 : i32
    %dma_start3A_1600 = tpu.memref_slice %arg7[%mul3A_1596, %dma_start3A_1599] : memref<64x384xf32, #tpu.memory_space<vmem>> -> memref<16x384xf32, #tpu.memory_space<vmem>>
    %dma_start3A_1601 = arith.constant 0 : i32
    %dma_start3A_1602 = arith.constant 0 : i32
    %dma_start3A_1603 = tpu.memref_slice %arg4[%add3A_1598, %dma_start3A_1601, %dma_start3A_1602] : memref<436x16x832xf32, #tpu.memory_space<hbm>> -> memref<1x16x384xf32, #tpu.memory_space<hbm>>
    %dma_start3A_1604 = tpu.memref_squeeze %dma_start3A_1603 : memref<1x16x384xf32, #tpu.memory_space<hbm>> -> memref<16x384xf32, #tpu.memory_space<hbm>>
    %dma_start3A_1605 = arith.constant 0 : i32
    %dma_start3A_1606 = arith.constant 0 : i32
    %dma_start3A_1607 = tpu.memref_slice %arg4[%add3A_1598, %dma_start3A_1605, %dma_start3A_1606] : memref<436x16x832xf32, #tpu.memory_space<hbm>> -> memref<1x16x384xf32, #tpu.memory_space<hbm>>
    %dma_start3A_1608 = tpu.memref_squeeze %dma_start3A_1607 : memref<1x16x384xf32, #tpu.memory_space<hbm>> -> memref<16x384xf32, #tpu.memory_space<hbm>>
    %dma_start3A_1609 = arith.constant 0 : i32
    %dma_start3A_1610 = tpu.memref_slice %arg7[%mul3A_1596, %dma_start3A_1609] : memref<64x384xf32, #tpu.memory_space<vmem>> -> memref<16x384xf32, #tpu.memory_space<vmem>>
    tpu.enqueue_dma source(%dma_start3A_1610 : memref<16x384xf32, #tpu.memory_space<vmem>>) target(%dma_start3A_1608 : memref<16x384xf32, #tpu.memory_space<hbm>>) target_semaphore(%arg9 : memref<!tpu.dma_semaphore, #tpu.memory_space<semaphore_mem>>)
    %mul3A_1611 = arith.constant 16 : i32
    %mul3A_1612 = arith.muli %sub3A_1069, %mul3A_1611 : i32
    %add3A_1613 = arith.constant 9 : i32
    %add3A_1614 = arith.addi %min3A_3, %add3A_1613 : i32
    %dma_start3A_1615 = arith.constant 0 : i32
    %dma_start3A_1616 = tpu.memref_slice %arg7[%mul3A_1612, %dma_start3A_1615] : memref<64x384xf32, #tpu.memory_space<vmem>> -> memref<16x384xf32, #tpu.memory_space<vmem>>
    %dma_start3A_1617 = arith.constant 0 : i32
    %dma_start3A_1618 = arith.constant 0 : i32
    %dma_start3A_1619 = tpu.memref_slice %arg4[%add3A_1614, %dma_start3A_1617, %dma_start3A_1618] : memref<436x16x832xf32, #tpu.memory_space<hbm>> -> memref<1x16x384xf32, #tpu.memory_space<hbm>>
    %dma_start3A_1620 = tpu.memref_squeeze %dma_start3A_1619 : memref<1x16x384xf32, #tpu.memory_space<hbm>> -> memref<16x384xf32, #tpu.memory_space<hbm>>
    %dma_start3A_1621 = arith.constant 0 : i32
    %dma_start3A_1622 = arith.constant 0 : i32
    %dma_start3A_1623 = tpu.memref_slice %arg4[%add3A_1614, %dma_start3A_1621, %dma_start3A_1622] : memref<436x16x832xf32, #tpu.memory_space<hbm>> -> memref<1x16x384xf32, #tpu.memory_space<hbm>>
    %dma_start3A_1624 = tpu.memref_squeeze %dma_start3A_1623 : memref<1x16x384xf32, #tpu.memory_space<hbm>> -> memref<16x384xf32, #tpu.memory_space<hbm>>
    %dma_start3A_1625 = arith.constant 0 : i32
    %dma_start3A_1626 = tpu.memref_slice %arg7[%mul3A_1612, %dma_start3A_1625] : memref<64x384xf32, #tpu.memory_space<vmem>> -> memref<16x384xf32, #tpu.memory_space<vmem>>
    tpu.enqueue_dma source(%dma_start3A_1626 : memref<16x384xf32, #tpu.memory_space<vmem>>) target(%dma_start3A_1624 : memref<16x384xf32, #tpu.memory_space<hbm>>) target_semaphore(%arg9 : memref<!tpu.dma_semaphore, #tpu.memory_space<semaphore_mem>>)
    %mul3A_1627 = arith.constant 16 : i32
    %mul3A_1628 = arith.muli %sub3A_1159, %mul3A_1627 : i32
    %add3A_1629 = arith.constant 10 : i32
    %add3A_1630 = arith.addi %min3A_3, %add3A_1629 : i32
    %dma_start3A_1631 = arith.constant 0 : i32
    %dma_start3A_1632 = tpu.memref_slice %arg7[%mul3A_1628, %dma_start3A_1631] : memref<64x384xf32, #tpu.memory_space<vmem>> -> memref<16x384xf32, #tpu.memory_space<vmem>>
    %dma_start3A_1633 = arith.constant 0 : i32
    %dma_start3A_1634 = arith.constant 0 : i32
    %dma_start3A_1635 = tpu.memref_slice %arg4[%add3A_1630, %dma_start3A_1633, %dma_start3A_1634] : memref<436x16x832xf32, #tpu.memory_space<hbm>> -> memref<1x16x384xf32, #tpu.memory_space<hbm>>
    %dma_start3A_1636 = tpu.memref_squeeze %dma_start3A_1635 : memref<1x16x384xf32, #tpu.memory_space<hbm>> -> memref<16x384xf32, #tpu.memory_space<hbm>>
    %dma_start3A_1637 = arith.constant 0 : i32
    %dma_start3A_1638 = arith.constant 0 : i32
    %dma_start3A_1639 = tpu.memref_slice %arg4[%add3A_1630, %dma_start3A_1637, %dma_start3A_1638] : memref<436x16x832xf32, #tpu.memory_space<hbm>> -> memref<1x16x384xf32, #tpu.memory_space<hbm>>
    %dma_start3A_1640 = tpu.memref_squeeze %dma_start3A_1639 : memref<1x16x384xf32, #tpu.memory_space<hbm>> -> memref<16x384xf32, #tpu.memory_space<hbm>>
    %dma_start3A_1641 = arith.constant 0 : i32
    %dma_start3A_1642 = tpu.memref_slice %arg7[%mul3A_1628, %dma_start3A_1641] : memref<64x384xf32, #tpu.memory_space<vmem>> -> memref<16x384xf32, #tpu.memory_space<vmem>>
    tpu.enqueue_dma source(%dma_start3A_1642 : memref<16x384xf32, #tpu.memory_space<vmem>>) target(%dma_start3A_1640 : memref<16x384xf32, #tpu.memory_space<hbm>>) target_semaphore(%arg9 : memref<!tpu.dma_semaphore, #tpu.memory_space<semaphore_mem>>)
    %mul3A_1643 = arith.constant 16 : i32
    %mul3A_1644 = arith.muli %sub3A_1249, %mul3A_1643 : i32
    %add3A_1645 = arith.constant 11 : i32
    %add3A_1646 = arith.addi %min3A_3, %add3A_1645 : i32
    %dma_start3A_1647 = arith.constant 0 : i32
    %dma_start3A_1648 = tpu.memref_slice %arg7[%mul3A_1644, %dma_start3A_1647] : memref<64x384xf32, #tpu.memory_space<vmem>> -> memref<16x384xf32, #tpu.memory_space<vmem>>
    %dma_start3A_1649 = arith.constant 0 : i32
    %dma_start3A_1650 = arith.constant 0 : i32
    %dma_start3A_1651 = tpu.memref_slice %arg4[%add3A_1646, %dma_start3A_1649, %dma_start3A_1650] : memref<436x16x832xf32, #tpu.memory_space<hbm>> -> memref<1x16x384xf32, #tpu.memory_space<hbm>>
    %dma_start3A_1652 = tpu.memref_squeeze %dma_start3A_1651 : memref<1x16x384xf32, #tpu.memory_space<hbm>> -> memref<16x384xf32, #tpu.memory_space<hbm>>
    %dma_start3A_1653 = arith.constant 0 : i32
    %dma_start3A_1654 = arith.constant 0 : i32
    %dma_start3A_1655 = tpu.memref_slice %arg4[%add3A_1646, %dma_start3A_1653, %dma_start3A_1654] : memref<436x16x832xf32, #tpu.memory_space<hbm>> -> memref<1x16x384xf32, #tpu.memory_space<hbm>>
    %dma_start3A_1656 = tpu.memref_squeeze %dma_start3A_1655 : memref<1x16x384xf32, #tpu.memory_space<hbm>> -> memref<16x384xf32, #tpu.memory_space<hbm>>
    %dma_start3A_1657 = arith.constant 0 : i32
    %dma_start3A_1658 = tpu.memref_slice %arg7[%mul3A_1644, %dma_start3A_1657] : memref<64x384xf32, #tpu.memory_space<vmem>> -> memref<16x384xf32, #tpu.memory_space<vmem>>
    tpu.enqueue_dma source(%dma_start3A_1658 : memref<16x384xf32, #tpu.memory_space<vmem>>) target(%dma_start3A_1656 : memref<16x384xf32, #tpu.memory_space<hbm>>) target_semaphore(%arg9 : memref<!tpu.dma_semaphore, #tpu.memory_space<semaphore_mem>>)
    %mul3A_1659 = arith.constant 16 : i32
    %mul3A_1660 = arith.muli %sub3A_1339, %mul3A_1659 : i32
    %add3A_1661 = arith.constant 12 : i32
    %add3A_1662 = arith.addi %min3A_3, %add3A_1661 : i32
    %dma_start3A_1663 = arith.constant 0 : i32
    %dma_start3A_1664 = tpu.memref_slice %arg7[%mul3A_1660, %dma_start3A_1663] : memref<64x384xf32, #tpu.memory_space<vmem>> -> memref<16x384xf32, #tpu.memory_space<vmem>>
    %dma_start3A_1665 = arith.constant 0 : i32
    %dma_start3A_1666 = arith.constant 0 : i32
    %dma_start3A_1667 = tpu.memref_slice %arg4[%add3A_1662, %dma_start3A_1665, %dma_start3A_1666] : memref<436x16x832xf32, #tpu.memory_space<hbm>> -> memref<1x16x384xf32, #tpu.memory_space<hbm>>
    %dma_start3A_1668 = tpu.memref_squeeze %dma_start3A_1667 : memref<1x16x384xf32, #tpu.memory_space<hbm>> -> memref<16x384xf32, #tpu.memory_space<hbm>>
    %dma_start3A_1669 = arith.constant 0 : i32
    %dma_start3A_1670 = arith.constant 0 : i32
    %dma_start3A_1671 = tpu.memref_slice %arg4[%add3A_1662, %dma_start3A_1669, %dma_start3A_1670] : memref<436x16x832xf32, #tpu.memory_space<hbm>> -> memref<1x16x384xf32, #tpu.memory_space<hbm>>
    %dma_start3A_1672 = tpu.memref_squeeze %dma_start3A_1671 : memref<1x16x384xf32, #tpu.memory_space<hbm>> -> memref<16x384xf32, #tpu.memory_space<hbm>>
    %dma_start3A_1673 = arith.constant 0 : i32
    %dma_start3A_1674 = tpu.memref_slice %arg7[%mul3A_1660, %dma_start3A_1673] : memref<64x384xf32, #tpu.memory_space<vmem>> -> memref<16x384xf32, #tpu.memory_space<vmem>>
    tpu.enqueue_dma source(%dma_start3A_1674 : memref<16x384xf32, #tpu.memory_space<vmem>>) target(%dma_start3A_1672 : memref<16x384xf32, #tpu.memory_space<hbm>>) target_semaphore(%arg9 : memref<!tpu.dma_semaphore, #tpu.memory_space<semaphore_mem>>)
    %mul3A_1675 = arith.constant 16 : i32
    %mul3A_1676 = arith.muli %sub3A_1429, %mul3A_1675 : i32
    %add3A_1677 = arith.constant 13 : i32
    %add3A_1678 = arith.addi %min3A_3, %add3A_1677 : i32
    %dma_start3A_1679 = arith.constant 0 : i32
    %dma_start3A_1680 = tpu.memref_slice %arg7[%mul3A_1676, %dma_start3A_1679] : memref<64x384xf32, #tpu.memory_space<vmem>> -> memref<16x384xf32, #tpu.memory_space<vmem>>
    %dma_start3A_1681 = arith.constant 0 : i32
    %dma_start3A_1682 = arith.constant 0 : i32
    %dma_start3A_1683 = tpu.memref_slice %arg4[%add3A_1678, %dma_start3A_1681, %dma_start3A_1682] : memref<436x16x832xf32, #tpu.memory_space<hbm>> -> memref<1x16x384xf32, #tpu.memory_space<hbm>>
    %dma_start3A_1684 = tpu.memref_squeeze %dma_start3A_1683 : memref<1x16x384xf32, #tpu.memory_space<hbm>> -> memref<16x384xf32, #tpu.memory_space<hbm>>
    %dma_start3A_1685 = arith.constant 0 : i32
    %dma_start3A_1686 = arith.constant 0 : i32
    %dma_start3A_1687 = tpu.memref_slice %arg4[%add3A_1678, %dma_start3A_1685, %dma_start3A_1686] : memref<436x16x832xf32, #tpu.memory_space<hbm>> -> memref<1x16x384xf32, #tpu.memory_space<hbm>>
    %dma_start3A_1688 = tpu.memref_squeeze %dma_start3A_1687 : memref<1x16x384xf32, #tpu.memory_space<hbm>> -> memref<16x384xf32, #tpu.memory_space<hbm>>
    %dma_start3A_1689 = arith.constant 0 : i32
    %dma_start3A_1690 = tpu.memref_slice %arg7[%mul3A_1676, %dma_start3A_1689] : memref<64x384xf32, #tpu.memory_space<vmem>> -> memref<16x384xf32, #tpu.memory_space<vmem>>
    tpu.enqueue_dma source(%dma_start3A_1690 : memref<16x384xf32, #tpu.memory_space<vmem>>) target(%dma_start3A_1688 : memref<16x384xf32, #tpu.memory_space<hbm>>) target_semaphore(%arg9 : memref<!tpu.dma_semaphore, #tpu.memory_space<semaphore_mem>>)
    %dma_wait3A_1691 = arith.constant 0 : i32
    %dma_wait3A_1692 = arith.constant 0 : i32
    %dma_wait3A_1693 = arith.constant 0 : i32
    %dma_wait3A_1694 = tpu.memref_slice %arg8[%dma_wait3A_1692, %dma_wait3A_1693] : memref<160x384xf32, #tpu.memory_space<vmem>> -> memref<80x384xf32, #tpu.memory_space<vmem>>
    %dma_wait3A_1695 = arith.constant 0 : i32
    %dma_wait3A_1696 = tpu.memref_slice %arg6[%dma_wait3A_1691, %dma_wait3A_1695] : memref<2x80xi32, #tpu.memory_space<vmem>> -> memref<1x80xi32, #tpu.memory_space<vmem>>
    %dma_wait3A_1697 = tpu.memref_squeeze %dma_wait3A_1696 : memref<1x80xi32, #tpu.memory_space<vmem>> -> memref<80xi32, #tpu.memory_space<vmem>>
    %dma_wait3A_1698 = arith.constant 0 : i32
    %dma_wait3A_1699 = arith.constant 0 : i32
    %dma_wait3A_1700 = tpu.memref_slice %arg3[%dma_wait3A_1698, %dma_wait3A_1699] : memref<1024x384xf32, #tpu.memory_space<hbm>> -> memref<1024x384xf32, #tpu.memory_space<hbm>>
    tpu.wait_indirect_dma semaphore(%arg10 : memref<!tpu.dma_semaphore, #tpu.memory_space<semaphore_mem>>) src(%dma_wait3A_1700 : memref<1024x384xf32, #tpu.memory_space<hbm>>) dst(%dma_wait3A_1694 : memref<80x384xf32, #tpu.memory_space<vmem>>)
    %dma_wait3A_1701 = arith.constant 1 : i32
    %dma_wait3A_1702 = arith.constant 80 : i32
    %dma_wait3A_1703 = arith.constant 0 : i32
    %dma_wait3A_1704 = tpu.memref_slice %arg8[%dma_wait3A_1702, %dma_wait3A_1703] : memref<160x384xf32, #tpu.memory_space<vmem>> -> memref<80x384xf32, #tpu.memory_space<vmem>>
    %dma_wait3A_1705 = arith.constant 0 : i32
    %dma_wait3A_1706 = tpu.memref_slice %arg6[%dma_wait3A_1701, %dma_wait3A_1705] : memref<2x80xi32, #tpu.memory_space<vmem>> -> memref<1x80xi32, #tpu.memory_space<vmem>>
    %dma_wait3A_1707 = tpu.memref_squeeze %dma_wait3A_1706 : memref<1x80xi32, #tpu.memory_space<vmem>> -> memref<80xi32, #tpu.memory_space<vmem>>
    %dma_wait3A_1708 = arith.constant 0 : i32
    %dma_wait3A_1709 = arith.constant 0 : i32
    %dma_wait3A_1710 = tpu.memref_slice %arg3[%dma_wait3A_1708, %dma_wait3A_1709] : memref<1024x384xf32, #tpu.memory_space<hbm>> -> memref<1024x384xf32, #tpu.memory_space<hbm>>
    tpu.wait_indirect_dma semaphore(%arg10 : memref<!tpu.dma_semaphore, #tpu.memory_space<semaphore_mem>>) src(%dma_wait3A_1710 : memref<1024x384xf32, #tpu.memory_space<hbm>>) dst(%dma_wait3A_1704 : memref<80x384xf32, #tpu.memory_space<vmem>>)
    %mul3A_1711 = arith.constant 16 : i32
    %mul3A_1712 = arith.muli %sub3A_294, %mul3A_1711 : i32
    %add3A_1713 = arith.constant 0 : i32
    %add3A_1714 = arith.addi %min3A_3, %add3A_1713 : i32
    %dma_start3A_1715 = arith.constant 0 : i32
    %dma_start3A_1716 = tpu.memref_slice %arg8[%mul3A_1712, %dma_start3A_1715] : memref<160x384xf32, #tpu.memory_space<vmem>> -> memref<16x384xf32, #tpu.memory_space<vmem>>
    %dma_start3A_1717 = arith.constant 0 : i32
    %dma_start3A_1718 = arith.constant 384 : i32
    %dma_start3A_1719 = tpu.memref_slice %arg4[%add3A_1714, %dma_start3A_1717, %dma_start3A_1718] : memref<436x16x832xf32, #tpu.memory_space<hbm>> -> memref<1x16x384xf32, #tpu.memory_space<hbm>>
    %dma_start3A_1720 = tpu.memref_squeeze %dma_start3A_1719 : memref<1x16x384xf32, #tpu.memory_space<hbm>> -> memref<16x384xf32, #tpu.memory_space<hbm>>
    %dma_start3A_1721 = arith.constant 0 : i32
    %dma_start3A_1722 = arith.constant 384 : i32
    %dma_start3A_1723 = tpu.memref_slice %arg4[%add3A_1714, %dma_start3A_1721, %dma_start3A_1722] : memref<436x16x832xf32, #tpu.memory_space<hbm>> -> memref<1x16x384xf32, #tpu.memory_space<hbm>>
    %dma_start3A_1724 = tpu.memref_squeeze %dma_start3A_1723 : memref<1x16x384xf32, #tpu.memory_space<hbm>> -> memref<16x384xf32, #tpu.memory_space<hbm>>
    %dma_start3A_1725 = arith.constant 0 : i32
    %dma_start3A_1726 = tpu.memref_slice %arg8[%mul3A_1712, %dma_start3A_1725] : memref<160x384xf32, #tpu.memory_space<vmem>> -> memref<16x384xf32, #tpu.memory_space<vmem>>
    tpu.enqueue_dma source(%dma_start3A_1726 : memref<16x384xf32, #tpu.memory_space<vmem>>) target(%dma_start3A_1724 : memref<16x384xf32, #tpu.memory_space<hbm>>) target_semaphore(%arg10 : memref<!tpu.dma_semaphore, #tpu.memory_space<semaphore_mem>>)
    %mul3A_1727 = arith.constant 16 : i32
    %mul3A_1728 = arith.muli %sub3A_384, %mul3A_1727 : i32
    %add3A_1729 = arith.constant 1 : i32
    %add3A_1730 = arith.addi %min3A_3, %add3A_1729 : i32
    %dma_start3A_1731 = arith.constant 0 : i32
    %dma_start3A_1732 = tpu.memref_slice %arg8[%mul3A_1728, %dma_start3A_1731] : memref<160x384xf32, #tpu.memory_space<vmem>> -> memref<16x384xf32, #tpu.memory_space<vmem>>
    %dma_start3A_1733 = arith.constant 0 : i32
    %dma_start3A_1734 = arith.constant 384 : i32
    %dma_start3A_1735 = tpu.memref_slice %arg4[%add3A_1730, %dma_start3A_1733, %dma_start3A_1734] : memref<436x16x832xf32, #tpu.memory_space<hbm>> -> memref<1x16x384xf32, #tpu.memory_space<hbm>>
    %dma_start3A_1736 = tpu.memref_squeeze %dma_start3A_1735 : memref<1x16x384xf32, #tpu.memory_space<hbm>> -> memref<16x384xf32, #tpu.memory_space<hbm>>
    %dma_start3A_1737 = arith.constant 0 : i32
    %dma_start3A_1738 = arith.constant 384 : i32
    %dma_start3A_1739 = tpu.memref_slice %arg4[%add3A_1730, %dma_start3A_1737, %dma_start3A_1738] : memref<436x16x832xf32, #tpu.memory_space<hbm>> -> memref<1x16x384xf32, #tpu.memory_space<hbm>>
    %dma_start3A_1740 = tpu.memref_squeeze %dma_start3A_1739 : memref<1x16x384xf32, #tpu.memory_space<hbm>> -> memref<16x384xf32, #tpu.memory_space<hbm>>
    %dma_start3A_1741 = arith.constant 0 : i32
    %dma_start3A_1742 = tpu.memref_slice %arg8[%mul3A_1728, %dma_start3A_1741] : memref<160x384xf32, #tpu.memory_space<vmem>> -> memref<16x384xf32, #tpu.memory_space<vmem>>
    tpu.enqueue_dma source(%dma_start3A_1742 : memref<16x384xf32, #tpu.memory_space<vmem>>) target(%dma_start3A_1740 : memref<16x384xf32, #tpu.memory_space<hbm>>) target_semaphore(%arg10 : memref<!tpu.dma_semaphore, #tpu.memory_space<semaphore_mem>>)
    %mul3A_1743 = arith.constant 16 : i32
    %mul3A_1744 = arith.muli %sub3A_474, %mul3A_1743 : i32
    %add3A_1745 = arith.constant 2 : i32
    %add3A_1746 = arith.addi %min3A_3, %add3A_1745 : i32
    %dma_start3A_1747 = arith.constant 0 : i32
    %dma_start3A_1748 = tpu.memref_slice %arg8[%mul3A_1744, %dma_start3A_1747] : memref<160x384xf32, #tpu.memory_space<vmem>> -> memref<16x384xf32, #tpu.memory_space<vmem>>
    %dma_start3A_1749 = arith.constant 0 : i32
    %dma_start3A_1750 = arith.constant 384 : i32
    %dma_start3A_1751 = tpu.memref_slice %arg4[%add3A_1746, %dma_start3A_1749, %dma_start3A_1750] : memref<436x16x832xf32, #tpu.memory_space<hbm>> -> memref<1x16x384xf32, #tpu.memory_space<hbm>>
    %dma_start3A_1752 = tpu.memref_squeeze %dma_start3A_1751 : memref<1x16x384xf32, #tpu.memory_space<hbm>> -> memref<16x384xf32, #tpu.memory_space<hbm>>
    %dma_start3A_1753 = arith.constant 0 : i32
    %dma_start3A_1754 = arith.constant 384 : i32
    %dma_start3A_1755 = tpu.memref_slice %arg4[%add3A_1746, %dma_start3A_1753, %dma_start3A_1754] : memref<436x16x832xf32, #tpu.memory_space<hbm>> -> memref<1x16x384xf32, #tpu.memory_space<hbm>>
    %dma_start3A_1756 = tpu.memref_squeeze %dma_start3A_1755 : memref<1x16x384xf32, #tpu.memory_space<hbm>> -> memref<16x384xf32, #tpu.memory_space<hbm>>
    %dma_start3A_1757 = arith.constant 0 : i32
    %dma_start3A_1758 = tpu.memref_slice %arg8[%mul3A_1744, %dma_start3A_1757] : memref<160x384xf32, #tpu.memory_space<vmem>> -> memref<16x384xf32, #tpu.memory_space<vmem>>
    tpu.enqueue_dma source(%dma_start3A_1758 : memref<16x384xf32, #tpu.memory_space<vmem>>) target(%dma_start3A_1756 : memref<16x384xf32, #tpu.memory_space<hbm>>) target_semaphore(%arg10 : memref<!tpu.dma_semaphore, #tpu.memory_space<semaphore_mem>>)
    %mul3A_1759 = arith.constant 16 : i32
    %mul3A_1760 = arith.muli %sub3A_564, %mul3A_1759 : i32
    %add3A_1761 = arith.constant 3 : i32
    %add3A_1762 = arith.addi %min3A_3, %add3A_1761 : i32
    %dma_start3A_1763 = arith.constant 0 : i32
    %dma_start3A_1764 = tpu.memref_slice %arg8[%mul3A_1760, %dma_start3A_1763] : memref<160x384xf32, #tpu.memory_space<vmem>> -> memref<16x384xf32, #tpu.memory_space<vmem>>
    %dma_start3A_1765 = arith.constant 0 : i32
    %dma_start3A_1766 = arith.constant 384 : i32
    %dma_start3A_1767 = tpu.memref_slice %arg4[%add3A_1762, %dma_start3A_1765, %dma_start3A_1766] : memref<436x16x832xf32, #tpu.memory_space<hbm>> -> memref<1x16x384xf32, #tpu.memory_space<hbm>>
    %dma_start3A_1768 = tpu.memref_squeeze %dma_start3A_1767 : memref<1x16x384xf32, #tpu.memory_space<hbm>> -> memref<16x384xf32, #tpu.memory_space<hbm>>
    %dma_start3A_1769 = arith.constant 0 : i32
    %dma_start3A_1770 = arith.constant 384 : i32
    %dma_start3A_1771 = tpu.memref_slice %arg4[%add3A_1762, %dma_start3A_1769, %dma_start3A_1770] : memref<436x16x832xf32, #tpu.memory_space<hbm>> -> memref<1x16x384xf32, #tpu.memory_space<hbm>>
    %dma_start3A_1772 = tpu.memref_squeeze %dma_start3A_1771 : memref<1x16x384xf32, #tpu.memory_space<hbm>> -> memref<16x384xf32, #tpu.memory_space<hbm>>
    %dma_start3A_1773 = arith.constant 0 : i32
    %dma_start3A_1774 = tpu.memref_slice %arg8[%mul3A_1760, %dma_start3A_1773] : memref<160x384xf32, #tpu.memory_space<vmem>> -> memref<16x384xf32, #tpu.memory_space<vmem>>
    tpu.enqueue_dma source(%dma_start3A_1774 : memref<16x384xf32, #tpu.memory_space<vmem>>) target(%dma_start3A_1772 : memref<16x384xf32, #tpu.memory_space<hbm>>) target_semaphore(%arg10 : memref<!tpu.dma_semaphore, #tpu.memory_space<semaphore_mem>>)
    %mul3A_1775 = arith.constant 16 : i32
    %mul3A_1776 = arith.muli %sub3A_654, %mul3A_1775 : i32
    %add3A_1777 = arith.constant 4 : i32
    %add3A_1778 = arith.addi %min3A_3, %add3A_1777 : i32
    %dma_start3A_1779 = arith.constant 0 : i32
    %dma_start3A_1780 = tpu.memref_slice %arg8[%mul3A_1776, %dma_start3A_1779] : memref<160x384xf32, #tpu.memory_space<vmem>> -> memref<16x384xf32, #tpu.memory_space<vmem>>
    %dma_start3A_1781 = arith.constant 0 : i32
    %dma_start3A_1782 = arith.constant 384 : i32
    %dma_start3A_1783 = tpu.memref_slice %arg4[%add3A_1778, %dma_start3A_1781, %dma_start3A_1782] : memref<436x16x832xf32, #tpu.memory_space<hbm>> -> memref<1x16x384xf32, #tpu.memory_space<hbm>>
    %dma_start3A_1784 = tpu.memref_squeeze %dma_start3A_1783 : memref<1x16x384xf32, #tpu.memory_space<hbm>> -> memref<16x384xf32, #tpu.memory_space<hbm>>
    %dma_start3A_1785 = arith.constant 0 : i32
    %dma_start3A_1786 = arith.constant 384 : i32
    %dma_start3A_1787 = tpu.memref_slice %arg4[%add3A_1778, %dma_start3A_1785, %dma_start3A_1786] : memref<436x16x832xf32, #tpu.memory_space<hbm>> -> memref<1x16x384xf32, #tpu.memory_space<hbm>>
    %dma_start3A_1788 = tpu.memref_squeeze %dma_start3A_1787 : memref<1x16x384xf32, #tpu.memory_space<hbm>> -> memref<16x384xf32, #tpu.memory_space<hbm>>
    %dma_start3A_1789 = arith.constant 0 : i32
    %dma_start3A_1790 = tpu.memref_slice %arg8[%mul3A_1776, %dma_start3A_1789] : memref<160x384xf32, #tpu.memory_space<vmem>> -> memref<16x384xf32, #tpu.memory_space<vmem>>
    tpu.enqueue_dma source(%dma_start3A_1790 : memref<16x384xf32, #tpu.memory_space<vmem>>) target(%dma_start3A_1788 : memref<16x384xf32, #tpu.memory_space<hbm>>) target_semaphore(%arg10 : memref<!tpu.dma_semaphore, #tpu.memory_space<semaphore_mem>>)
    %mul3A_1791 = arith.constant 16 : i32
    %mul3A_1792 = arith.muli %sub3A_744, %mul3A_1791 : i32
    %add3A_1793 = arith.constant 5 : i32
    %add3A_1794 = arith.addi %min3A_3, %add3A_1793 : i32
    %dma_start3A_1795 = arith.constant 0 : i32
    %dma_start3A_1796 = tpu.memref_slice %arg8[%mul3A_1792, %dma_start3A_1795] : memref<160x384xf32, #tpu.memory_space<vmem>> -> memref<16x384xf32, #tpu.memory_space<vmem>>
    %dma_start3A_1797 = arith.constant 0 : i32
    %dma_start3A_1798 = arith.constant 384 : i32
    %dma_start3A_1799 = tpu.memref_slice %arg4[%add3A_1794, %dma_start3A_1797, %dma_start3A_1798] : memref<436x16x832xf32, #tpu.memory_space<hbm>> -> memref<1x16x384xf32, #tpu.memory_space<hbm>>
    %dma_start3A_1800 = tpu.memref_squeeze %dma_start3A_1799 : memref<1x16x384xf32, #tpu.memory_space<hbm>> -> memref<16x384xf32, #tpu.memory_space<hbm>>
    %dma_start3A_1801 = arith.constant 0 : i32
    %dma_start3A_1802 = arith.constant 384 : i32
    %dma_start3A_1803 = tpu.memref_slice %arg4[%add3A_1794, %dma_start3A_1801, %dma_start3A_1802] : memref<436x16x832xf32, #tpu.memory_space<hbm>> -> memref<1x16x384xf32, #tpu.memory_space<hbm>>
    %dma_start3A_1804 = tpu.memref_squeeze %dma_start3A_1803 : memref<1x16x384xf32, #tpu.memory_space<hbm>> -> memref<16x384xf32, #tpu.memory_space<hbm>>
    %dma_start3A_1805 = arith.constant 0 : i32
    %dma_start3A_1806 = tpu.memref_slice %arg8[%mul3A_1792, %dma_start3A_1805] : memref<160x384xf32, #tpu.memory_space<vmem>> -> memref<16x384xf32, #tpu.memory_space<vmem>>
    tpu.enqueue_dma source(%dma_start3A_1806 : memref<16x384xf32, #tpu.memory_space<vmem>>) target(%dma_start3A_1804 : memref<16x384xf32, #tpu.memory_space<hbm>>) target_semaphore(%arg10 : memref<!tpu.dma_semaphore, #tpu.memory_space<semaphore_mem>>)
    %mul3A_1807 = arith.constant 16 : i32
    %mul3A_1808 = arith.muli %sub3A_834, %mul3A_1807 : i32
    %add3A_1809 = arith.constant 6 : i32
    %add3A_1810 = arith.addi %min3A_3, %add3A_1809 : i32
    %dma_start3A_1811 = arith.constant 0 : i32
    %dma_start3A_1812 = tpu.memref_slice %arg8[%mul3A_1808, %dma_start3A_1811] : memref<160x384xf32, #tpu.memory_space<vmem>> -> memref<16x384xf32, #tpu.memory_space<vmem>>
    %dma_start3A_1813 = arith.constant 0 : i32
    %dma_start3A_1814 = arith.constant 384 : i32
    %dma_start3A_1815 = tpu.memref_slice %arg4[%add3A_1810, %dma_start3A_1813, %dma_start3A_1814] : memref<436x16x832xf32, #tpu.memory_space<hbm>> -> memref<1x16x384xf32, #tpu.memory_space<hbm>>
    %dma_start3A_1816 = tpu.memref_squeeze %dma_start3A_1815 : memref<1x16x384xf32, #tpu.memory_space<hbm>> -> memref<16x384xf32, #tpu.memory_space<hbm>>
    %dma_start3A_1817 = arith.constant 0 : i32
    %dma_start3A_1818 = arith.constant 384 : i32
    %dma_start3A_1819 = tpu.memref_slice %arg4[%add3A_1810, %dma_start3A_1817, %dma_start3A_1818] : memref<436x16x832xf32, #tpu.memory_space<hbm>> -> memref<1x16x384xf32, #tpu.memory_space<hbm>>
    %dma_start3A_1820 = tpu.memref_squeeze %dma_start3A_1819 : memref<1x16x384xf32, #tpu.memory_space<hbm>> -> memref<16x384xf32, #tpu.memory_space<hbm>>
    %dma_start3A_1821 = arith.constant 0 : i32
    %dma_start3A_1822 = tpu.memref_slice %arg8[%mul3A_1808, %dma_start3A_1821] : memref<160x384xf32, #tpu.memory_space<vmem>> -> memref<16x384xf32, #tpu.memory_space<vmem>>
    tpu.enqueue_dma source(%dma_start3A_1822 : memref<16x384xf32, #tpu.memory_space<vmem>>) target(%dma_start3A_1820 : memref<16x384xf32, #tpu.memory_space<hbm>>) target_semaphore(%arg10 : memref<!tpu.dma_semaphore, #tpu.memory_space<semaphore_mem>>)
    %mul3A_1823 = arith.constant 16 : i32
    %mul3A_1824 = arith.muli %sub3A_924, %mul3A_1823 : i32
    %add3A_1825 = arith.constant 7 : i32
    %add3A_1826 = arith.addi %min3A_3, %add3A_1825 : i32
    %dma_start3A_1827 = arith.constant 0 : i32
    %dma_start3A_1828 = tpu.memref_slice %arg8[%mul3A_1824, %dma_start3A_1827] : memref<160x384xf32, #tpu.memory_space<vmem>> -> memref<16x384xf32, #tpu.memory_space<vmem>>
    %dma_start3A_1829 = arith.constant 0 : i32
    %dma_start3A_1830 = arith.constant 384 : i32
    %dma_start3A_1831 = tpu.memref_slice %arg4[%add3A_1826, %dma_start3A_1829, %dma_start3A_1830] : memref<436x16x832xf32, #tpu.memory_space<hbm>> -> memref<1x16x384xf32, #tpu.memory_space<hbm>>
    %dma_start3A_1832 = tpu.memref_squeeze %dma_start3A_1831 : memref<1x16x384xf32, #tpu.memory_space<hbm>> -> memref<16x384xf32, #tpu.memory_space<hbm>>
    %dma_start3A_1833 = arith.constant 0 : i32
    %dma_start3A_1834 = arith.constant 384 : i32
    %dma_start3A_1835 = tpu.memref_slice %arg4[%add3A_1826, %dma_start3A_1833, %dma_start3A_1834] : memref<436x16x832xf32, #tpu.memory_space<hbm>> -> memref<1x16x384xf32, #tpu.memory_space<hbm>>
    %dma_start3A_1836 = tpu.memref_squeeze %dma_start3A_1835 : memref<1x16x384xf32, #tpu.memory_space<hbm>> -> memref<16x384xf32, #tpu.memory_space<hbm>>
    %dma_start3A_1837 = arith.constant 0 : i32
    %dma_start3A_1838 = tpu.memref_slice %arg8[%mul3A_1824, %dma_start3A_1837] : memref<160x384xf32, #tpu.memory_space<vmem>> -> memref<16x384xf32, #tpu.memory_space<vmem>>
    tpu.enqueue_dma source(%dma_start3A_1838 : memref<16x384xf32, #tpu.memory_space<vmem>>) target(%dma_start3A_1836 : memref<16x384xf32, #tpu.memory_space<hbm>>) target_semaphore(%arg10 : memref<!tpu.dma_semaphore, #tpu.memory_space<semaphore_mem>>)
    %mul3A_1839 = arith.constant 16 : i32
    %mul3A_1840 = arith.muli %sub3A_1014, %mul3A_1839 : i32
    %add3A_1841 = arith.constant 8 : i32
    %add3A_1842 = arith.addi %min3A_3, %add3A_1841 : i32
    %dma_start3A_1843 = arith.constant 0 : i32
    %dma_start3A_1844 = tpu.memref_slice %arg8[%mul3A_1840, %dma_start3A_1843] : memref<160x384xf32, #tpu.memory_space<vmem>> -> memref<16x384xf32, #tpu.memory_space<vmem>>
    %dma_start3A_1845 = arith.constant 0 : i32
    %dma_start3A_1846 = arith.constant 384 : i32
    %dma_start3A_1847 = tpu.memref_slice %arg4[%add3A_1842, %dma_start3A_1845, %dma_start3A_1846] : memref<436x16x832xf32, #tpu.memory_space<hbm>> -> memref<1x16x384xf32, #tpu.memory_space<hbm>>
    %dma_start3A_1848 = tpu.memref_squeeze %dma_start3A_1847 : memref<1x16x384xf32, #tpu.memory_space<hbm>> -> memref<16x384xf32, #tpu.memory_space<hbm>>
    %dma_start3A_1849 = arith.constant 0 : i32
    %dma_start3A_1850 = arith.constant 384 : i32
    %dma_start3A_1851 = tpu.memref_slice %arg4[%add3A_1842, %dma_start3A_1849, %dma_start3A_1850] : memref<436x16x832xf32, #tpu.memory_space<hbm>> -> memref<1x16x384xf32, #tpu.memory_space<hbm>>
    %dma_start3A_1852 = tpu.memref_squeeze %dma_start3A_1851 : memref<1x16x384xf32, #tpu.memory_space<hbm>> -> memref<16x384xf32, #tpu.memory_space<hbm>>
    %dma_start3A_1853 = arith.constant 0 : i32
    %dma_start3A_1854 = tpu.memref_slice %arg8[%mul3A_1840, %dma_start3A_1853] : memref<160x384xf32, #tpu.memory_space<vmem>> -> memref<16x384xf32, #tpu.memory_space<vmem>>
    tpu.enqueue_dma source(%dma_start3A_1854 : memref<16x384xf32, #tpu.memory_space<vmem>>) target(%dma_start3A_1852 : memref<16x384xf32, #tpu.memory_space<hbm>>) target_semaphore(%arg10 : memref<!tpu.dma_semaphore, #tpu.memory_space<semaphore_mem>>)
    %mul3A_1855 = arith.constant 16 : i32
    %mul3A_1856 = arith.muli %sub3A_1104, %mul3A_1855 : i32
    %add3A_1857 = arith.constant 9 : i32
    %add3A_1858 = arith.addi %min3A_3, %add3A_1857 : i32
    %dma_start3A_1859 = arith.constant 0 : i32
    %dma_start3A_1860 = tpu.memref_slice %arg8[%mul3A_1856, %dma_start3A_1859] : memref<160x384xf32, #tpu.memory_space<vmem>> -> memref<16x384xf32, #tpu.memory_space<vmem>>
    %dma_start3A_1861 = arith.constant 0 : i32
    %dma_start3A_1862 = arith.constant 384 : i32
    %dma_start3A_1863 = tpu.memref_slice %arg4[%add3A_1858, %dma_start3A_1861, %dma_start3A_1862] : memref<436x16x832xf32, #tpu.memory_space<hbm>> -> memref<1x16x384xf32, #tpu.memory_space<hbm>>
    %dma_start3A_1864 = tpu.memref_squeeze %dma_start3A_1863 : memref<1x16x384xf32, #tpu.memory_space<hbm>> -> memref<16x384xf32, #tpu.memory_space<hbm>>
    %dma_start3A_1865 = arith.constant 0 : i32
    %dma_start3A_1866 = arith.constant 384 : i32
    %dma_start3A_1867 = tpu.memref_slice %arg4[%add3A_1858, %dma_start3A_1865, %dma_start3A_1866] : memref<436x16x832xf32, #tpu.memory_space<hbm>> -> memref<1x16x384xf32, #tpu.memory_space<hbm>>
    %dma_start3A_1868 = tpu.memref_squeeze %dma_start3A_1867 : memref<1x16x384xf32, #tpu.memory_space<hbm>> -> memref<16x384xf32, #tpu.memory_space<hbm>>
    %dma_start3A_1869 = arith.constant 0 : i32
    %dma_start3A_1870 = tpu.memref_slice %arg8[%mul3A_1856, %dma_start3A_1869] : memref<160x384xf32, #tpu.memory_space<vmem>> -> memref<16x384xf32, #tpu.memory_space<vmem>>
    tpu.enqueue_dma source(%dma_start3A_1870 : memref<16x384xf32, #tpu.memory_space<vmem>>) target(%dma_start3A_1868 : memref<16x384xf32, #tpu.memory_space<hbm>>) target_semaphore(%arg10 : memref<!tpu.dma_semaphore, #tpu.memory_space<semaphore_mem>>)
    %mul3A_1871 = arith.constant 16 : i32
    %mul3A_1872 = arith.muli %sub3A_1194, %mul3A_1871 : i32
    %add3A_1873 = arith.constant 10 : i32
    %add3A_1874 = arith.addi %min3A_3, %add3A_1873 : i32
    %dma_start3A_1875 = arith.constant 0 : i32
    %dma_start3A_1876 = tpu.memref_slice %arg8[%mul3A_1872, %dma_start3A_1875] : memref<160x384xf32, #tpu.memory_space<vmem>> -> memref<16x384xf32, #tpu.memory_space<vmem>>
    %dma_start3A_1877 = arith.constant 0 : i32
    %dma_start3A_1878 = arith.constant 384 : i32
    %dma_start3A_1879 = tpu.memref_slice %arg4[%add3A_1874, %dma_start3A_1877, %dma_start3A_1878] : memref<436x16x832xf32, #tpu.memory_space<hbm>> -> memref<1x16x384xf32, #tpu.memory_space<hbm>>
    %dma_start3A_1880 = tpu.memref_squeeze %dma_start3A_1879 : memref<1x16x384xf32, #tpu.memory_space<hbm>> -> memref<16x384xf32, #tpu.memory_space<hbm>>
    %dma_start3A_1881 = arith.constant 0 : i32
    %dma_start3A_1882 = arith.constant 384 : i32
    %dma_start3A_1883 = tpu.memref_slice %arg4[%add3A_1874, %dma_start3A_1881, %dma_start3A_1882] : memref<436x16x832xf32, #tpu.memory_space<hbm>> -> memref<1x16x384xf32, #tpu.memory_space<hbm>>
    %dma_start3A_1884 = tpu.memref_squeeze %dma_start3A_1883 : memref<1x16x384xf32, #tpu.memory_space<hbm>> -> memref<16x384xf32, #tpu.memory_space<hbm>>
    %dma_start3A_1885 = arith.constant 0 : i32
    %dma_start3A_1886 = tpu.memref_slice %arg8[%mul3A_1872, %dma_start3A_1885] : memref<160x384xf32, #tpu.memory_space<vmem>> -> memref<16x384xf32, #tpu.memory_space<vmem>>
    tpu.enqueue_dma source(%dma_start3A_1886 : memref<16x384xf32, #tpu.memory_space<vmem>>) target(%dma_start3A_1884 : memref<16x384xf32, #tpu.memory_space<hbm>>) target_semaphore(%arg10 : memref<!tpu.dma_semaphore, #tpu.memory_space<semaphore_mem>>)
    %mul3A_1887 = arith.constant 16 : i32
    %mul3A_1888 = arith.muli %sub3A_1284, %mul3A_1887 : i32
    %add3A_1889 = arith.constant 11 : i32
    %add3A_1890 = arith.addi %min3A_3, %add3A_1889 : i32
    %dma_start3A_1891 = arith.constant 0 : i32
    %dma_start3A_1892 = tpu.memref_slice %arg8[%mul3A_1888, %dma_start3A_1891] : memref<160x384xf32, #tpu.memory_space<vmem>> -> memref<16x384xf32, #tpu.memory_space<vmem>>
    %dma_start3A_1893 = arith.constant 0 : i32
    %dma_start3A_1894 = arith.constant 384 : i32
    %dma_start3A_1895 = tpu.memref_slice %arg4[%add3A_1890, %dma_start3A_1893, %dma_start3A_1894] : memref<436x16x832xf32, #tpu.memory_space<hbm>> -> memref<1x16x384xf32, #tpu.memory_space<hbm>>
    %dma_start3A_1896 = tpu.memref_squeeze %dma_start3A_1895 : memref<1x16x384xf32, #tpu.memory_space<hbm>> -> memref<16x384xf32, #tpu.memory_space<hbm>>
    %dma_start3A_1897 = arith.constant 0 : i32
    %dma_start3A_1898 = arith.constant 384 : i32
    %dma_start3A_1899 = tpu.memref_slice %arg4[%add3A_1890, %dma_start3A_1897, %dma_start3A_1898] : memref<436x16x832xf32, #tpu.memory_space<hbm>> -> memref<1x16x384xf32, #tpu.memory_space<hbm>>
    %dma_start3A_1900 = tpu.memref_squeeze %dma_start3A_1899 : memref<1x16x384xf32, #tpu.memory_space<hbm>> -> memref<16x384xf32, #tpu.memory_space<hbm>>
    %dma_start3A_1901 = arith.constant 0 : i32
    %dma_start3A_1902 = tpu.memref_slice %arg8[%mul3A_1888, %dma_start3A_1901] : memref<160x384xf32, #tpu.memory_space<vmem>> -> memref<16x384xf32, #tpu.memory_space<vmem>>
    tpu.enqueue_dma source(%dma_start3A_1902 : memref<16x384xf32, #tpu.memory_space<vmem>>) target(%dma_start3A_1900 : memref<16x384xf32, #tpu.memory_space<hbm>>) target_semaphore(%arg10 : memref<!tpu.dma_semaphore, #tpu.memory_space<semaphore_mem>>)
    %mul3A_1903 = arith.constant 16 : i32
    %mul3A_1904 = arith.muli %sub3A_1374, %mul3A_1903 : i32
    %add3A_1905 = arith.constant 12 : i32
    %add3A_1906 = arith.addi %min3A_3, %add3A_1905 : i32
    %dma_start3A_1907 = arith.constant 0 : i32
    %dma_start3A_1908 = tpu.memref_slice %arg8[%mul3A_1904, %dma_start3A_1907] : memref<160x384xf32, #tpu.memory_space<vmem>> -> memref<16x384xf32, #tpu.memory_space<vmem>>
    %dma_start3A_1909 = arith.constant 0 : i32
    %dma_start3A_1910 = arith.constant 384 : i32
    %dma_start3A_1911 = tpu.memref_slice %arg4[%add3A_1906, %dma_start3A_1909, %dma_start3A_1910] : memref<436x16x832xf32, #tpu.memory_space<hbm>> -> memref<1x16x384xf32, #tpu.memory_space<hbm>>
    %dma_start3A_1912 = tpu.memref_squeeze %dma_start3A_1911 : memref<1x16x384xf32, #tpu.memory_space<hbm>> -> memref<16x384xf32, #tpu.memory_space<hbm>>
    %dma_start3A_1913 = arith.constant 0 : i32
    %dma_start3A_1914 = arith.constant 384 : i32
    %dma_start3A_1915 = tpu.memref_slice %arg4[%add3A_1906, %dma_start3A_1913, %dma_start3A_1914] : memref<436x16x832xf32, #tpu.memory_space<hbm>> -> memref<1x16x384xf32, #tpu.memory_space<hbm>>
    %dma_start3A_1916 = tpu.memref_squeeze %dma_start3A_1915 : memref<1x16x384xf32, #tpu.memory_space<hbm>> -> memref<16x384xf32, #tpu.memory_space<hbm>>
    %dma_start3A_1917 = arith.constant 0 : i32
    %dma_start3A_1918 = tpu.memref_slice %arg8[%mul3A_1904, %dma_start3A_1917] : memref<160x384xf32, #tpu.memory_space<vmem>> -> memref<16x384xf32, #tpu.memory_space<vmem>>
    tpu.enqueue_dma source(%dma_start3A_1918 : memref<16x384xf32, #tpu.memory_space<vmem>>) target(%dma_start3A_1916 : memref<16x384xf32, #tpu.memory_space<hbm>>) target_semaphore(%arg10 : memref<!tpu.dma_semaphore, #tpu.memory_space<semaphore_mem>>)
    %mul3A_1919 = arith.constant 16 : i32
    %mul3A_1920 = arith.muli %sub3A_1464, %mul3A_1919 : i32
    %add3A_1921 = arith.constant 13 : i32
    %add3A_1922 = arith.addi %min3A_3, %add3A_1921 : i32
    %dma_start3A_1923 = arith.constant 0 : i32
    %dma_start3A_1924 = tpu.memref_slice %arg8[%mul3A_1920, %dma_start3A_1923] : memref<160x384xf32, #tpu.memory_space<vmem>> -> memref<16x384xf32, #tpu.memory_space<vmem>>
    %dma_start3A_1925 = arith.constant 0 : i32
    %dma_start3A_1926 = arith.constant 384 : i32
    %dma_start3A_1927 = tpu.memref_slice %arg4[%add3A_1922, %dma_start3A_1925, %dma_start3A_1926] : memref<436x16x832xf32, #tpu.memory_space<hbm>> -> memref<1x16x384xf32, #tpu.memory_space<hbm>>
    %dma_start3A_1928 = tpu.memref_squeeze %dma_start3A_1927 : memref<1x16x384xf32, #tpu.memory_space<hbm>> -> memref<16x384xf32, #tpu.memory_space<hbm>>
    %dma_start3A_1929 = arith.constant 0 : i32
    %dma_start3A_1930 = arith.constant 384 : i32
    %dma_start3A_1931 = tpu.memref_slice %arg4[%add3A_1922, %dma_start3A_1929, %dma_start3A_1930] : memref<436x16x832xf32, #tpu.memory_space<hbm>> -> memref<1x16x384xf32, #tpu.memory_space<hbm>>
    %dma_start3A_1932 = tpu.memref_squeeze %dma_start3A_1931 : memref<1x16x384xf32, #tpu.memory_space<hbm>> -> memref<16x384xf32, #tpu.memory_space<hbm>>
    %dma_start3A_1933 = arith.constant 0 : i32
    %dma_start3A_1934 = tpu.memref_slice %arg8[%mul3A_1920, %dma_start3A_1933] : memref<160x384xf32, #tpu.memory_space<vmem>> -> memref<16x384xf32, #tpu.memory_space<vmem>>
    tpu.enqueue_dma source(%dma_start3A_1934 : memref<16x384xf32, #tpu.memory_space<vmem>>) target(%dma_start3A_1932 : memref<16x384xf32, #tpu.memory_space<hbm>>) target_semaphore(%arg10 : memref<!tpu.dma_semaphore, #tpu.memory_space<semaphore_mem>>)
    %dma_wait3A_1935 = arith.constant 0 : i32
    %dma_wait3A_1936 = tpu.memref_slice %arg7[%mul3A_1468, %dma_wait3A_1935] : memref<64x384xf32, #tpu.memory_space<vmem>> -> memref<16x384xf32, #tpu.memory_space<vmem>>
    %dma_wait3A_1937 = arith.constant 0 : i32
    %dma_wait3A_1938 = arith.constant 0 : i32
    %dma_wait3A_1939 = tpu.memref_slice %arg4[%add3A_1470, %dma_wait3A_1937, %dma_wait3A_1938] : memref<436x16x832xf32, #tpu.memory_space<hbm>> -> memref<1x16x384xf32, #tpu.memory_space<hbm>>
    %dma_wait3A_1940 = tpu.memref_squeeze %dma_wait3A_1939 : memref<1x16x384xf32, #tpu.memory_space<hbm>> -> memref<16x384xf32, #tpu.memory_space<hbm>>
    %dma_wait3A_1941 = arith.constant 0 : i32
    %dma_wait3A_1942 = arith.constant 0 : i32
    %dma_wait3A_1943 = tpu.memref_slice %arg4[%add3A_1470, %dma_wait3A_1941, %dma_wait3A_1942] : memref<436x16x832xf32, #tpu.memory_space<hbm>> -> memref<1x16x384xf32, #tpu.memory_space<hbm>>
    %dma_wait3A_1944 = tpu.memref_squeeze %dma_wait3A_1943 : memref<1x16x384xf32, #tpu.memory_space<hbm>> -> memref<16x384xf32, #tpu.memory_space<hbm>>
    %dma_wait3A_1945 = arith.constant 0 : i32
    %dma_wait3A_1946 = tpu.memref_slice %arg7[%mul3A_1468, %dma_wait3A_1945] : memref<64x384xf32, #tpu.memory_space<vmem>> -> memref<16x384xf32, #tpu.memory_space<vmem>>
    tpu.wait_dma2 semaphore(%arg9 : memref<!tpu.dma_semaphore, #tpu.memory_space<semaphore_mem>>) src(%dma_wait3A_1946 : memref<16x384xf32, #tpu.memory_space<vmem>>) dst(%dma_wait3A_1944 : memref<16x384xf32, #tpu.memory_space<hbm>>)
    %dma_wait3A_1947 = arith.constant 0 : i32
    %dma_wait3A_1948 = tpu.memref_slice %arg7[%mul3A_1484, %dma_wait3A_1947] : memref<64x384xf32, #tpu.memory_space<vmem>> -> memref<16x384xf32, #tpu.memory_space<vmem>>
    %dma_wait3A_1949 = arith.constant 0 : i32
    %dma_wait3A_1950 = arith.constant 0 : i32
    %dma_wait3A_1951 = tpu.memref_slice %arg4[%add3A_1486, %dma_wait3A_1949, %dma_wait3A_1950] : memref<436x16x832xf32, #tpu.memory_space<hbm>> -> memref<1x16x384xf32, #tpu.memory_space<hbm>>
    %dma_wait3A_1952 = tpu.memref_squeeze %dma_wait3A_1951 : memref<1x16x384xf32, #tpu.memory_space<hbm>> -> memref<16x384xf32, #tpu.memory_space<hbm>>
    %dma_wait3A_1953 = arith.constant 0 : i32
    %dma_wait3A_1954 = arith.constant 0 : i32
    %dma_wait3A_1955 = tpu.memref_slice %arg4[%add3A_1486, %dma_wait3A_1953, %dma_wait3A_1954] : memref<436x16x832xf32, #tpu.memory_space<hbm>> -> memref<1x16x384xf32, #tpu.memory_space<hbm>>
    %dma_wait3A_1956 = tpu.memref_squeeze %dma_wait3A_1955 : memref<1x16x384xf32, #tpu.memory_space<hbm>> -> memref<16x384xf32, #tpu.memory_space<hbm>>
    %dma_wait3A_1957 = arith.constant 0 : i32
    %dma_wait3A_1958 = tpu.memref_slice %arg7[%mul3A_1484, %dma_wait3A_1957] : memref<64x384xf32, #tpu.memory_space<vmem>> -> memref<16x384xf32, #tpu.memory_space<vmem>>
    tpu.wait_dma2 semaphore(%arg9 : memref<!tpu.dma_semaphore, #tpu.memory_space<semaphore_mem>>) src(%dma_wait3A_1958 : memref<16x384xf32, #tpu.memory_space<vmem>>) dst(%dma_wait3A_1956 : memref<16x384xf32, #tpu.memory_space<hbm>>)
    %dma_wait3A_1959 = arith.constant 0 : i32
    %dma_wait3A_1960 = tpu.memref_slice %arg7[%mul3A_1500, %dma_wait3A_1959] : memref<64x384xf32, #tpu.memory_space<vmem>> -> memref<16x384xf32, #tpu.memory_space<vmem>>
    %dma_wait3A_1961 = arith.constant 0 : i32
    %dma_wait3A_1962 = arith.constant 0 : i32
    %dma_wait3A_1963 = tpu.memref_slice %arg4[%add3A_1502, %dma_wait3A_1961, %dma_wait3A_1962] : memref<436x16x832xf32, #tpu.memory_space<hbm>> -> memref<1x16x384xf32, #tpu.memory_space<hbm>>
    %dma_wait3A_1964 = tpu.memref_squeeze %dma_wait3A_1963 : memref<1x16x384xf32, #tpu.memory_space<hbm>> -> memref<16x384xf32, #tpu.memory_space<hbm>>
    %dma_wait3A_1965 = arith.constant 0 : i32
    %dma_wait3A_1966 = arith.constant 0 : i32
    %dma_wait3A_1967 = tpu.memref_slice %arg4[%add3A_1502, %dma_wait3A_1965, %dma_wait3A_1966] : memref<436x16x832xf32, #tpu.memory_space<hbm>> -> memref<1x16x384xf32, #tpu.memory_space<hbm>>
    %dma_wait3A_1968 = tpu.memref_squeeze %dma_wait3A_1967 : memref<1x16x384xf32, #tpu.memory_space<hbm>> -> memref<16x384xf32, #tpu.memory_space<hbm>>
    %dma_wait3A_1969 = arith.constant 0 : i32
    %dma_wait3A_1970 = tpu.memref_slice %arg7[%mul3A_1500, %dma_wait3A_1969] : memref<64x384xf32, #tpu.memory_space<vmem>> -> memref<16x384xf32, #tpu.memory_space<vmem>>
    tpu.wait_dma2 semaphore(%arg9 : memref<!tpu.dma_semaphore, #tpu.memory_space<semaphore_mem>>) src(%dma_wait3A_1970 : memref<16x384xf32, #tpu.memory_space<vmem>>) dst(%dma_wait3A_1968 : memref<16x384xf32, #tpu.memory_space<hbm>>)
    %dma_wait3A_1971 = arith.constant 0 : i32
    %dma_wait3A_1972 = tpu.memref_slice %arg7[%mul3A_1516, %dma_wait3A_1971] : memref<64x384xf32, #tpu.memory_space<vmem>> -> memref<16x384xf32, #tpu.memory_space<vmem>>
    %dma_wait3A_1973 = arith.constant 0 : i32
    %dma_wait3A_1974 = arith.constant 0 : i32
    %dma_wait3A_1975 = tpu.memref_slice %arg4[%add3A_1518, %dma_wait3A_1973, %dma_wait3A_1974] : memref<436x16x832xf32, #tpu.memory_space<hbm>> -> memref<1x16x384xf32, #tpu.memory_space<hbm>>
    %dma_wait3A_1976 = tpu.memref_squeeze %dma_wait3A_1975 : memref<1x16x384xf32, #tpu.memory_space<hbm>> -> memref<16x384xf32, #tpu.memory_space<hbm>>
    %dma_wait3A_1977 = arith.constant 0 : i32
    %dma_wait3A_1978 = arith.constant 0 : i32
    %dma_wait3A_1979 = tpu.memref_slice %arg4[%add3A_1518, %dma_wait3A_1977, %dma_wait3A_1978] : memref<436x16x832xf32, #tpu.memory_space<hbm>> -> memref<1x16x384xf32, #tpu.memory_space<hbm>>
    %dma_wait3A_1980 = tpu.memref_squeeze %dma_wait3A_1979 : memref<1x16x384xf32, #tpu.memory_space<hbm>> -> memref<16x384xf32, #tpu.memory_space<hbm>>
    %dma_wait3A_1981 = arith.constant 0 : i32
    %dma_wait3A_1982 = tpu.memref_slice %arg7[%mul3A_1516, %dma_wait3A_1981] : memref<64x384xf32, #tpu.memory_space<vmem>> -> memref<16x384xf32, #tpu.memory_space<vmem>>
    tpu.wait_dma2 semaphore(%arg9 : memref<!tpu.dma_semaphore, #tpu.memory_space<semaphore_mem>>) src(%dma_wait3A_1982 : memref<16x384xf32, #tpu.memory_space<vmem>>) dst(%dma_wait3A_1980 : memref<16x384xf32, #tpu.memory_space<hbm>>)
    %dma_wait3A_1983 = arith.constant 0 : i32
    %dma_wait3A_1984 = tpu.memref_slice %arg7[%mul3A_1532, %dma_wait3A_1983] : memref<64x384xf32, #tpu.memory_space<vmem>> -> memref<16x384xf32, #tpu.memory_space<vmem>>
    %dma_wait3A_1985 = arith.constant 0 : i32
    %dma_wait3A_1986 = arith.constant 0 : i32
    %dma_wait3A_1987 = tpu.memref_slice %arg4[%add3A_1534, %dma_wait3A_1985, %dma_wait3A_1986] : memref<436x16x832xf32, #tpu.memory_space<hbm>> -> memref<1x16x384xf32, #tpu.memory_space<hbm>>
    %dma_wait3A_1988 = tpu.memref_squeeze %dma_wait3A_1987 : memref<1x16x384xf32, #tpu.memory_space<hbm>> -> memref<16x384xf32, #tpu.memory_space<hbm>>
    %dma_wait3A_1989 = arith.constant 0 : i32
    %dma_wait3A_1990 = arith.constant 0 : i32
    %dma_wait3A_1991 = tpu.memref_slice %arg4[%add3A_1534, %dma_wait3A_1989, %dma_wait3A_1990] : memref<436x16x832xf32, #tpu.memory_space<hbm>> -> memref<1x16x384xf32, #tpu.memory_space<hbm>>
    %dma_wait3A_1992 = tpu.memref_squeeze %dma_wait3A_1991 : memref<1x16x384xf32, #tpu.memory_space<hbm>> -> memref<16x384xf32, #tpu.memory_space<hbm>>
    %dma_wait3A_1993 = arith.constant 0 : i32
    %dma_wait3A_1994 = tpu.memref_slice %arg7[%mul3A_1532, %dma_wait3A_1993] : memref<64x384xf32, #tpu.memory_space<vmem>> -> memref<16x384xf32, #tpu.memory_space<vmem>>
    tpu.wait_dma2 semaphore(%arg9 : memref<!tpu.dma_semaphore, #tpu.memory_space<semaphore_mem>>) src(%dma_wait3A_1994 : memref<16x384xf32, #tpu.memory_space<vmem>>) dst(%dma_wait3A_1992 : memref<16x384xf32, #tpu.memory_space<hbm>>)
    %dma_wait3A_1995 = arith.constant 0 : i32
    %dma_wait3A_1996 = tpu.memref_slice %arg7[%mul3A_1548, %dma_wait3A_1995] : memref<64x384xf32, #tpu.memory_space<vmem>> -> memref<16x384xf32, #tpu.memory_space<vmem>>
    %dma_wait3A_1997 = arith.constant 0 : i32
    %dma_wait3A_1998 = arith.constant 0 : i32
    %dma_wait3A_1999 = tpu.memref_slice %arg4[%add3A_1550, %dma_wait3A_1997, %dma_wait3A_1998] : memref<436x16x832xf32, #tpu.memory_space<hbm>> -> memref<1x16x384xf32, #tpu.memory_space<hbm>>
    %dma_wait3A_2000 = tpu.memref_squeeze %dma_wait3A_1999 : memref<1x16x384xf32, #tpu.memory_space<hbm>> -> memref<16x384xf32, #tpu.memory_space<hbm>>
    %dma_wait3A_2001 = arith.constant 0 : i32
    %dma_wait3A_2002 = arith.constant 0 : i32
    %dma_wait3A_2003 = tpu.memref_slice %arg4[%add3A_1550, %dma_wait3A_2001, %dma_wait3A_2002] : memref<436x16x832xf32, #tpu.memory_space<hbm>> -> memref<1x16x384xf32, #tpu.memory_space<hbm>>
    %dma_wait3A_2004 = tpu.memref_squeeze %dma_wait3A_2003 : memref<1x16x384xf32, #tpu.memory_space<hbm>> -> memref<16x384xf32, #tpu.memory_space<hbm>>
    %dma_wait3A_2005 = arith.constant 0 : i32
    %dma_wait3A_2006 = tpu.memref_slice %arg7[%mul3A_1548, %dma_wait3A_2005] : memref<64x384xf32, #tpu.memory_space<vmem>> -> memref<16x384xf32, #tpu.memory_space<vmem>>
    tpu.wait_dma2 semaphore(%arg9 : memref<!tpu.dma_semaphore, #tpu.memory_space<semaphore_mem>>) src(%dma_wait3A_2006 : memref<16x384xf32, #tpu.memory_space<vmem>>) dst(%dma_wait3A_2004 : memref<16x384xf32, #tpu.memory_space<hbm>>)
    %dma_wait3A_2007 = arith.constant 0 : i32
    %dma_wait3A_2008 = tpu.memref_slice %arg7[%mul3A_1564, %dma_wait3A_2007] : memref<64x384xf32, #tpu.memory_space<vmem>> -> memref<16x384xf32, #tpu.memory_space<vmem>>
    %dma_wait3A_2009 = arith.constant 0 : i32
    %dma_wait3A_2010 = arith.constant 0 : i32
    %dma_wait3A_2011 = tpu.memref_slice %arg4[%add3A_1566, %dma_wait3A_2009, %dma_wait3A_2010] : memref<436x16x832xf32, #tpu.memory_space<hbm>> -> memref<1x16x384xf32, #tpu.memory_space<hbm>>
    %dma_wait3A_2012 = tpu.memref_squeeze %dma_wait3A_2011 : memref<1x16x384xf32, #tpu.memory_space<hbm>> -> memref<16x384xf32, #tpu.memory_space<hbm>>
    %dma_wait3A_2013 = arith.constant 0 : i32
    %dma_wait3A_2014 = arith.constant 0 : i32
    %dma_wait3A_2015 = tpu.memref_slice %arg4[%add3A_1566, %dma_wait3A_2013, %dma_wait3A_2014] : memref<436x16x832xf32, #tpu.memory_space<hbm>> -> memref<1x16x384xf32, #tpu.memory_space<hbm>>
    %dma_wait3A_2016 = tpu.memref_squeeze %dma_wait3A_2015 : memref<1x16x384xf32, #tpu.memory_space<hbm>> -> memref<16x384xf32, #tpu.memory_space<hbm>>
    %dma_wait3A_2017 = arith.constant 0 : i32
    %dma_wait3A_2018 = tpu.memref_slice %arg7[%mul3A_1564, %dma_wait3A_2017] : memref<64x384xf32, #tpu.memory_space<vmem>> -> memref<16x384xf32, #tpu.memory_space<vmem>>
    tpu.wait_dma2 semaphore(%arg9 : memref<!tpu.dma_semaphore, #tpu.memory_space<semaphore_mem>>) src(%dma_wait3A_2018 : memref<16x384xf32, #tpu.memory_space<vmem>>) dst(%dma_wait3A_2016 : memref<16x384xf32, #tpu.memory_space<hbm>>)
    %dma_wait3A_2019 = arith.constant 0 : i32
    %dma_wait3A_2020 = tpu.memref_slice %arg7[%mul3A_1580, %dma_wait3A_2019] : memref<64x384xf32, #tpu.memory_space<vmem>> -> memref<16x384xf32, #tpu.memory_space<vmem>>
    %dma_wait3A_2021 = arith.constant 0 : i32
    %dma_wait3A_2022 = arith.constant 0 : i32
    %dma_wait3A_2023 = tpu.memref_slice %arg4[%add3A_1582, %dma_wait3A_2021, %dma_wait3A_2022] : memref<436x16x832xf32, #tpu.memory_space<hbm>> -> memref<1x16x384xf32, #tpu.memory_space<hbm>>
    %dma_wait3A_2024 = tpu.memref_squeeze %dma_wait3A_2023 : memref<1x16x384xf32, #tpu.memory_space<hbm>> -> memref<16x384xf32, #tpu.memory_space<hbm>>
    %dma_wait3A_2025 = arith.constant 0 : i32
    %dma_wait3A_2026 = arith.constant 0 : i32
    %dma_wait3A_2027 = tpu.memref_slice %arg4[%add3A_1582, %dma_wait3A_2025, %dma_wait3A_2026] : memref<436x16x832xf32, #tpu.memory_space<hbm>> -> memref<1x16x384xf32, #tpu.memory_space<hbm>>
    %dma_wait3A_2028 = tpu.memref_squeeze %dma_wait3A_2027 : memref<1x16x384xf32, #tpu.memory_space<hbm>> -> memref<16x384xf32, #tpu.memory_space<hbm>>
    %dma_wait3A_2029 = arith.constant 0 : i32
    %dma_wait3A_2030 = tpu.memref_slice %arg7[%mul3A_1580, %dma_wait3A_2029] : memref<64x384xf32, #tpu.memory_space<vmem>> -> memref<16x384xf32, #tpu.memory_space<vmem>>
    tpu.wait_dma2 semaphore(%arg9 : memref<!tpu.dma_semaphore, #tpu.memory_space<semaphore_mem>>) src(%dma_wait3A_2030 : memref<16x384xf32, #tpu.memory_space<vmem>>) dst(%dma_wait3A_2028 : memref<16x384xf32, #tpu.memory_space<hbm>>)
    %dma_wait3A_2031 = arith.constant 0 : i32
    %dma_wait3A_2032 = tpu.memref_slice %arg7[%mul3A_1596, %dma_wait3A_2031] : memref<64x384xf32, #tpu.memory_space<vmem>> -> memref<16x384xf32, #tpu.memory_space<vmem>>
    %dma_wait3A_2033 = arith.constant 0 : i32
    %dma_wait3A_2034 = arith.constant 0 : i32
    %dma_wait3A_2035 = tpu.memref_slice %arg4[%add3A_1598, %dma_wait3A_2033, %dma_wait3A_2034] : memref<436x16x832xf32, #tpu.memory_space<hbm>> -> memref<1x16x384xf32, #tpu.memory_space<hbm>>
    %dma_wait3A_2036 = tpu.memref_squeeze %dma_wait3A_2035 : memref<1x16x384xf32, #tpu.memory_space<hbm>> -> memref<16x384xf32, #tpu.memory_space<hbm>>
    %dma_wait3A_2037 = arith.constant 0 : i32
    %dma_wait3A_2038 = arith.constant 0 : i32
    %dma_wait3A_2039 = tpu.memref_slice %arg4[%add3A_1598, %dma_wait3A_2037, %dma_wait3A_2038] : memref<436x16x832xf32, #tpu.memory_space<hbm>> -> memref<1x16x384xf32, #tpu.memory_space<hbm>>
    %dma_wait3A_2040 = tpu.memref_squeeze %dma_wait3A_2039 : memref<1x16x384xf32, #tpu.memory_space<hbm>> -> memref<16x384xf32, #tpu.memory_space<hbm>>
    %dma_wait3A_2041 = arith.constant 0 : i32
    %dma_wait3A_2042 = tpu.memref_slice %arg7[%mul3A_1596, %dma_wait3A_2041] : memref<64x384xf32, #tpu.memory_space<vmem>> -> memref<16x384xf32, #tpu.memory_space<vmem>>
    tpu.wait_dma2 semaphore(%arg9 : memref<!tpu.dma_semaphore, #tpu.memory_space<semaphore_mem>>) src(%dma_wait3A_2042 : memref<16x384xf32, #tpu.memory_space<vmem>>) dst(%dma_wait3A_2040 : memref<16x384xf32, #tpu.memory_space<hbm>>)
    %dma_wait3A_2043 = arith.constant 0 : i32
    %dma_wait3A_2044 = tpu.memref_slice %arg7[%mul3A_1612, %dma_wait3A_2043] : memref<64x384xf32, #tpu.memory_space<vmem>> -> memref<16x384xf32, #tpu.memory_space<vmem>>
    %dma_wait3A_2045 = arith.constant 0 : i32
    %dma_wait3A_2046 = arith.constant 0 : i32
    %dma_wait3A_2047 = tpu.memref_slice %arg4[%add3A_1614, %dma_wait3A_2045, %dma_wait3A_2046] : memref<436x16x832xf32, #tpu.memory_space<hbm>> -> memref<1x16x384xf32, #tpu.memory_space<hbm>>
    %dma_wait3A_2048 = tpu.memref_squeeze %dma_wait3A_2047 : memref<1x16x384xf32, #tpu.memory_space<hbm>> -> memref<16x384xf32, #tpu.memory_space<hbm>>
    %dma_wait3A_2049 = arith.constant 0 : i32
    %dma_wait3A_2050 = arith.constant 0 : i32
    %dma_wait3A_2051 = tpu.memref_slice %arg4[%add3A_1614, %dma_wait3A_2049, %dma_wait3A_2050] : memref<436x16x832xf32, #tpu.memory_space<hbm>> -> memref<1x16x384xf32, #tpu.memory_space<hbm>>
    %dma_wait3A_2052 = tpu.memref_squeeze %dma_wait3A_2051 : memref<1x16x384xf32, #tpu.memory_space<hbm>> -> memref<16x384xf32, #tpu.memory_space<hbm>>
    %dma_wait3A_2053 = arith.constant 0 : i32
    %dma_wait3A_2054 = tpu.memref_slice %arg7[%mul3A_1612, %dma_wait3A_2053] : memref<64x384xf32, #tpu.memory_space<vmem>> -> memref<16x384xf32, #tpu.memory_space<vmem>>
    tpu.wait_dma2 semaphore(%arg9 : memref<!tpu.dma_semaphore, #tpu.memory_space<semaphore_mem>>) src(%dma_wait3A_2054 : memref<16x384xf32, #tpu.memory_space<vmem>>) dst(%dma_wait3A_2052 : memref<16x384xf32, #tpu.memory_space<hbm>>)
    %dma_wait3A_2055 = arith.constant 0 : i32
    %dma_wait3A_2056 = tpu.memref_slice %arg7[%mul3A_1628, %dma_wait3A_2055] : memref<64x384xf32, #tpu.memory_space<vmem>> -> memref<16x384xf32, #tpu.memory_space<vmem>>
    %dma_wait3A_2057 = arith.constant 0 : i32
    %dma_wait3A_2058 = arith.constant 0 : i32
    %dma_wait3A_2059 = tpu.memref_slice %arg4[%add3A_1630, %dma_wait3A_2057, %dma_wait3A_2058] : memref<436x16x832xf32, #tpu.memory_space<hbm>> -> memref<1x16x384xf32, #tpu.memory_space<hbm>>
    %dma_wait3A_2060 = tpu.memref_squeeze %dma_wait3A_2059 : memref<1x16x384xf32, #tpu.memory_space<hbm>> -> memref<16x384xf32, #tpu.memory_space<hbm>>
    %dma_wait3A_2061 = arith.constant 0 : i32
    %dma_wait3A_2062 = arith.constant 0 : i32
    %dma_wait3A_2063 = tpu.memref_slice %arg4[%add3A_1630, %dma_wait3A_2061, %dma_wait3A_2062] : memref<436x16x832xf32, #tpu.memory_space<hbm>> -> memref<1x16x384xf32, #tpu.memory_space<hbm>>
    %dma_wait3A_2064 = tpu.memref_squeeze %dma_wait3A_2063 : memref<1x16x384xf32, #tpu.memory_space<hbm>> -> memref<16x384xf32, #tpu.memory_space<hbm>>
    %dma_wait3A_2065 = arith.constant 0 : i32
    %dma_wait3A_2066 = tpu.memref_slice %arg7[%mul3A_1628, %dma_wait3A_2065] : memref<64x384xf32, #tpu.memory_space<vmem>> -> memref<16x384xf32, #tpu.memory_space<vmem>>
    tpu.wait_dma2 semaphore(%arg9 : memref<!tpu.dma_semaphore, #tpu.memory_space<semaphore_mem>>) src(%dma_wait3A_2066 : memref<16x384xf32, #tpu.memory_space<vmem>>) dst(%dma_wait3A_2064 : memref<16x384xf32, #tpu.memory_space<hbm>>)
    %dma_wait3A_2067 = arith.constant 0 : i32
    %dma_wait3A_2068 = tpu.memref_slice %arg7[%mul3A_1644, %dma_wait3A_2067] : memref<64x384xf32, #tpu.memory_space<vmem>> -> memref<16x384xf32, #tpu.memory_space<vmem>>
    %dma_wait3A_2069 = arith.constant 0 : i32
    %dma_wait3A_2070 = arith.constant 0 : i32
    %dma_wait3A_2071 = tpu.memref_slice %arg4[%add3A_1646, %dma_wait3A_2069, %dma_wait3A_2070] : memref<436x16x832xf32, #tpu.memory_space<hbm>> -> memref<1x16x384xf32, #tpu.memory_space<hbm>>
    %dma_wait3A_2072 = tpu.memref_squeeze %dma_wait3A_2071 : memref<1x16x384xf32, #tpu.memory_space<hbm>> -> memref<16x384xf32, #tpu.memory_space<hbm>>
    %dma_wait3A_2073 = arith.constant 0 : i32
    %dma_wait3A_2074 = arith.constant 0 : i32
    %dma_wait3A_2075 = tpu.memref_slice %arg4[%add3A_1646, %dma_wait3A_2073, %dma_wait3A_2074] : memref<436x16x832xf32, #tpu.memory_space<hbm>> -> memref<1x16x384xf32, #tpu.memory_space<hbm>>
    %dma_wait3A_2076 = tpu.memref_squeeze %dma_wait3A_2075 : memref<1x16x384xf32, #tpu.memory_space<hbm>> -> memref<16x384xf32, #tpu.memory_space<hbm>>
    %dma_wait3A_2077 = arith.constant 0 : i32
    %dma_wait3A_2078 = tpu.memref_slice %arg7[%mul3A_1644, %dma_wait3A_2077] : memref<64x384xf32, #tpu.memory_space<vmem>> -> memref<16x384xf32, #tpu.memory_space<vmem>>
    tpu.wait_dma2 semaphore(%arg9 : memref<!tpu.dma_semaphore, #tpu.memory_space<semaphore_mem>>) src(%dma_wait3A_2078 : memref<16x384xf32, #tpu.memory_space<vmem>>) dst(%dma_wait3A_2076 : memref<16x384xf32, #tpu.memory_space<hbm>>)
    %dma_wait3A_2079 = arith.constant 0 : i32
    %dma_wait3A_2080 = tpu.memref_slice %arg7[%mul3A_1660, %dma_wait3A_2079] : memref<64x384xf32, #tpu.memory_space<vmem>> -> memref<16x384xf32, #tpu.memory_space<vmem>>
    %dma_wait3A_2081 = arith.constant 0 : i32
    %dma_wait3A_2082 = arith.constant 0 : i32
    %dma_wait3A_2083 = tpu.memref_slice %arg4[%add3A_1662, %dma_wait3A_2081, %dma_wait3A_2082] : memref<436x16x832xf32, #tpu.memory_space<hbm>> -> memref<1x16x384xf32, #tpu.memory_space<hbm>>
    %dma_wait3A_2084 = tpu.memref_squeeze %dma_wait3A_2083 : memref<1x16x384xf32, #tpu.memory_space<hbm>> -> memref<16x384xf32, #tpu.memory_space<hbm>>
    %dma_wait3A_2085 = arith.constant 0 : i32
    %dma_wait3A_2086 = arith.constant 0 : i32
    %dma_wait3A_2087 = tpu.memref_slice %arg4[%add3A_1662, %dma_wait3A_2085, %dma_wait3A_2086] : memref<436x16x832xf32, #tpu.memory_space<hbm>> -> memref<1x16x384xf32, #tpu.memory_space<hbm>>
    %dma_wait3A_2088 = tpu.memref_squeeze %dma_wait3A_2087 : memref<1x16x384xf32, #tpu.memory_space<hbm>> -> memref<16x384xf32, #tpu.memory_space<hbm>>
    %dma_wait3A_2089 = arith.constant 0 : i32
    %dma_wait3A_2090 = tpu.memref_slice %arg7[%mul3A_1660, %dma_wait3A_2089] : memref<64x384xf32, #tpu.memory_space<vmem>> -> memref<16x384xf32, #tpu.memory_space<vmem>>
    tpu.wait_dma2 semaphore(%arg9 : memref<!tpu.dma_semaphore, #tpu.memory_space<semaphore_mem>>) src(%dma_wait3A_2090 : memref<16x384xf32, #tpu.memory_space<vmem>>) dst(%dma_wait3A_2088 : memref<16x384xf32, #tpu.memory_space<hbm>>)
    %dma_wait3A_2091 = arith.constant 0 : i32
    %dma_wait3A_2092 = tpu.memref_slice %arg7[%mul3A_1676, %dma_wait3A_2091] : memref<64x384xf32, #tpu.memory_space<vmem>> -> memref<16x384xf32, #tpu.memory_space<vmem>>
    %dma_wait3A_2093 = arith.constant 0 : i32
    %dma_wait3A_2094 = arith.constant 0 : i32
    %dma_wait3A_2095 = tpu.memref_slice %arg4[%add3A_1678, %dma_wait3A_2093, %dma_wait3A_2094] : memref<436x16x832xf32, #tpu.memory_space<hbm>> -> memref<1x16x384xf32, #tpu.memory_space<hbm>>
    %dma_wait3A_2096 = tpu.memref_squeeze %dma_wait3A_2095 : memref<1x16x384xf32, #tpu.memory_space<hbm>> -> memref<16x384xf32, #tpu.memory_space<hbm>>
    %dma_wait3A_2097 = arith.constant 0 : i32
    %dma_wait3A_2098 = arith.constant 0 : i32
    %dma_wait3A_2099 = tpu.memref_slice %arg4[%add3A_1678, %dma_wait3A_2097, %dma_wait3A_2098] : memref<436x16x832xf32, #tpu.memory_space<hbm>> -> memref<1x16x384xf32, #tpu.memory_space<hbm>>
    %dma_wait3A_2100 = tpu.memref_squeeze %dma_wait3A_2099 : memref<1x16x384xf32, #tpu.memory_space<hbm>> -> memref<16x384xf32, #tpu.memory_space<hbm>>
    %dma_wait3A_2101 = arith.constant 0 : i32
    %dma_wait3A_2102 = tpu.memref_slice %arg7[%mul3A_1676, %dma_wait3A_2101] : memref<64x384xf32, #tpu.memory_space<vmem>> -> memref<16x384xf32, #tpu.memory_space<vmem>>
    tpu.wait_dma2 semaphore(%arg9 : memref<!tpu.dma_semaphore, #tpu.memory_space<semaphore_mem>>) src(%dma_wait3A_2102 : memref<16x384xf32, #tpu.memory_space<vmem>>) dst(%dma_wait3A_2100 : memref<16x384xf32, #tpu.memory_space<hbm>>)
    %dma_wait3A_2103 = arith.constant 0 : i32
    %dma_wait3A_2104 = tpu.memref_slice %arg8[%mul3A_1712, %dma_wait3A_2103] : memref<160x384xf32, #tpu.memory_space<vmem>> -> memref<16x384xf32, #tpu.memory_space<vmem>>
    %dma_wait3A_2105 = arith.constant 0 : i32
    %dma_wait3A_2106 = arith.constant 384 : i32
    %dma_wait3A_2107 = tpu.memref_slice %arg4[%add3A_1714, %dma_wait3A_2105, %dma_wait3A_2106] : memref<436x16x832xf32, #tpu.memory_space<hbm>> -> memref<1x16x384xf32, #tpu.memory_space<hbm>>
    %dma_wait3A_2108 = tpu.memref_squeeze %dma_wait3A_2107 : memref<1x16x384xf32, #tpu.memory_space<hbm>> -> memref<16x384xf32, #tpu.memory_space<hbm>>
    %dma_wait3A_2109 = arith.constant 0 : i32
    %dma_wait3A_2110 = arith.constant 384 : i32
    %dma_wait3A_2111 = tpu.memref_slice %arg4[%add3A_1714, %dma_wait3A_2109, %dma_wait3A_2110] : memref<436x16x832xf32, #tpu.memory_space<hbm>> -> memref<1x16x384xf32, #tpu.memory_space<hbm>>
    %dma_wait3A_2112 = tpu.memref_squeeze %dma_wait3A_2111 : memref<1x16x384xf32, #tpu.memory_space<hbm>> -> memref<16x384xf32, #tpu.memory_space<hbm>>
    %dma_wait3A_2113 = arith.constant 0 : i32
    %dma_wait3A_2114 = tpu.memref_slice %arg8[%mul3A_1712, %dma_wait3A_2113] : memref<160x384xf32, #tpu.memory_space<vmem>> -> memref<16x384xf32, #tpu.memory_space<vmem>>
    tpu.wait_dma2 semaphore(%arg10 : memref<!tpu.dma_semaphore, #tpu.memory_space<semaphore_mem>>) src(%dma_wait3A_2114 : memref<16x384xf32, #tpu.memory_space<vmem>>) dst(%dma_wait3A_2112 : memref<16x384xf32, #tpu.memory_space<hbm>>)
    %dma_wait3A_2115 = arith.constant 0 : i32
    %dma_wait3A_2116 = tpu.memref_slice %arg8[%mul3A_1728, %dma_wait3A_2115] : memref<160x384xf32, #tpu.memory_space<vmem>> -> memref<16x384xf32, #tpu.memory_space<vmem>>
    %dma_wait3A_2117 = arith.constant 0 : i32
    %dma_wait3A_2118 = arith.constant 384 : i32
    %dma_wait3A_2119 = tpu.memref_slice %arg4[%add3A_1730, %dma_wait3A_2117, %dma_wait3A_2118] : memref<436x16x832xf32, #tpu.memory_space<hbm>> -> memref<1x16x384xf32, #tpu.memory_space<hbm>>
    %dma_wait3A_2120 = tpu.memref_squeeze %dma_wait3A_2119 : memref<1x16x384xf32, #tpu.memory_space<hbm>> -> memref<16x384xf32, #tpu.memory_space<hbm>>
    %dma_wait3A_2121 = arith.constant 0 : i32
    %dma_wait3A_2122 = arith.constant 384 : i32
    %dma_wait3A_2123 = tpu.memref_slice %arg4[%add3A_1730, %dma_wait3A_2121, %dma_wait3A_2122] : memref<436x16x832xf32, #tpu.memory_space<hbm>> -> memref<1x16x384xf32, #tpu.memory_space<hbm>>
    %dma_wait3A_2124 = tpu.memref_squeeze %dma_wait3A_2123 : memref<1x16x384xf32, #tpu.memory_space<hbm>> -> memref<16x384xf32, #tpu.memory_space<hbm>>
    %dma_wait3A_2125 = arith.constant 0 : i32
    %dma_wait3A_2126 = tpu.memref_slice %arg8[%mul3A_1728, %dma_wait3A_2125] : memref<160x384xf32, #tpu.memory_space<vmem>> -> memref<16x384xf32, #tpu.memory_space<vmem>>
    tpu.wait_dma2 semaphore(%arg10 : memref<!tpu.dma_semaphore, #tpu.memory_space<semaphore_mem>>) src(%dma_wait3A_2126 : memref<16x384xf32, #tpu.memory_space<vmem>>) dst(%dma_wait3A_2124 : memref<16x384xf32, #tpu.memory_space<hbm>>)
    %dma_wait3A_2127 = arith.constant 0 : i32
    %dma_wait3A_2128 = tpu.memref_slice %arg8[%mul3A_1744, %dma_wait3A_2127] : memref<160x384xf32, #tpu.memory_space<vmem>> -> memref<16x384xf32, #tpu.memory_space<vmem>>
    %dma_wait3A_2129 = arith.constant 0 : i32
    %dma_wait3A_2130 = arith.constant 384 : i32
    %dma_wait3A_2131 = tpu.memref_slice %arg4[%add3A_1746, %dma_wait3A_2129, %dma_wait3A_2130] : memref<436x16x832xf32, #tpu.memory_space<hbm>> -> memref<1x16x384xf32, #tpu.memory_space<hbm>>
    %dma_wait3A_2132 = tpu.memref_squeeze %dma_wait3A_2131 : memref<1x16x384xf32, #tpu.memory_space<hbm>> -> memref<16x384xf32, #tpu.memory_space<hbm>>
    %dma_wait3A_2133 = arith.constant 0 : i32
    %dma_wait3A_2134 = arith.constant 384 : i32
    %dma_wait3A_2135 = tpu.memref_slice %arg4[%add3A_1746, %dma_wait3A_2133, %dma_wait3A_2134] : memref<436x16x832xf32, #tpu.memory_space<hbm>> -> memref<1x16x384xf32, #tpu.memory_space<hbm>>
    %dma_wait3A_2136 = tpu.memref_squeeze %dma_wait3A_2135 : memref<1x16x384xf32, #tpu.memory_space<hbm>> -> memref<16x384xf32, #tpu.memory_space<hbm>>
    %dma_wait3A_2137 = arith.constant 0 : i32
    %dma_wait3A_2138 = tpu.memref_slice %arg8[%mul3A_1744, %dma_wait3A_2137] : memref<160x384xf32, #tpu.memory_space<vmem>> -> memref<16x384xf32, #tpu.memory_space<vmem>>
    tpu.wait_dma2 semaphore(%arg10 : memref<!tpu.dma_semaphore, #tpu.memory_space<semaphore_mem>>) src(%dma_wait3A_2138 : memref<16x384xf32, #tpu.memory_space<vmem>>) dst(%dma_wait3A_2136 : memref<16x384xf32, #tpu.memory_space<hbm>>)
    %dma_wait3A_2139 = arith.constant 0 : i32
    %dma_wait3A_2140 = tpu.memref_slice %arg8[%mul3A_1760, %dma_wait3A_2139] : memref<160x384xf32, #tpu.memory_space<vmem>> -> memref<16x384xf32, #tpu.memory_space<vmem>>
    %dma_wait3A_2141 = arith.constant 0 : i32
    %dma_wait3A_2142 = arith.constant 384 : i32
    %dma_wait3A_2143 = tpu.memref_slice %arg4[%add3A_1762, %dma_wait3A_2141, %dma_wait3A_2142] : memref<436x16x832xf32, #tpu.memory_space<hbm>> -> memref<1x16x384xf32, #tpu.memory_space<hbm>>
    %dma_wait3A_2144 = tpu.memref_squeeze %dma_wait3A_2143 : memref<1x16x384xf32, #tpu.memory_space<hbm>> -> memref<16x384xf32, #tpu.memory_space<hbm>>
    %dma_wait3A_2145 = arith.constant 0 : i32
    %dma_wait3A_2146 = arith.constant 384 : i32
    %dma_wait3A_2147 = tpu.memref_slice %arg4[%add3A_1762, %dma_wait3A_2145, %dma_wait3A_2146] : memref<436x16x832xf32, #tpu.memory_space<hbm>> -> memref<1x16x384xf32, #tpu.memory_space<hbm>>
    %dma_wait3A_2148 = tpu.memref_squeeze %dma_wait3A_2147 : memref<1x16x384xf32, #tpu.memory_space<hbm>> -> memref<16x384xf32, #tpu.memory_space<hbm>>
    %dma_wait3A_2149 = arith.constant 0 : i32
    %dma_wait3A_2150 = tpu.memref_slice %arg8[%mul3A_1760, %dma_wait3A_2149] : memref<160x384xf32, #tpu.memory_space<vmem>> -> memref<16x384xf32, #tpu.memory_space<vmem>>
    tpu.wait_dma2 semaphore(%arg10 : memref<!tpu.dma_semaphore, #tpu.memory_space<semaphore_mem>>) src(%dma_wait3A_2150 : memref<16x384xf32, #tpu.memory_space<vmem>>) dst(%dma_wait3A_2148 : memref<16x384xf32, #tpu.memory_space<hbm>>)
    %dma_wait3A_2151 = arith.constant 0 : i32
    %dma_wait3A_2152 = tpu.memref_slice %arg8[%mul3A_1776, %dma_wait3A_2151] : memref<160x384xf32, #tpu.memory_space<vmem>> -> memref<16x384xf32, #tpu.memory_space<vmem>>
    %dma_wait3A_2153 = arith.constant 0 : i32
    %dma_wait3A_2154 = arith.constant 384 : i32
    %dma_wait3A_2155 = tpu.memref_slice %arg4[%add3A_1778, %dma_wait3A_2153, %dma_wait3A_2154] : memref<436x16x832xf32, #tpu.memory_space<hbm>> -> memref<1x16x384xf32, #tpu.memory_space<hbm>>
    %dma_wait3A_2156 = tpu.memref_squeeze %dma_wait3A_2155 : memref<1x16x384xf32, #tpu.memory_space<hbm>> -> memref<16x384xf32, #tpu.memory_space<hbm>>
    %dma_wait3A_2157 = arith.constant 0 : i32
    %dma_wait3A_2158 = arith.constant 384 : i32
    %dma_wait3A_2159 = tpu.memref_slice %arg4[%add3A_1778, %dma_wait3A_2157, %dma_wait3A_2158] : memref<436x16x832xf32, #tpu.memory_space<hbm>> -> memref<1x16x384xf32, #tpu.memory_space<hbm>>
    %dma_wait3A_2160 = tpu.memref_squeeze %dma_wait3A_2159 : memref<1x16x384xf32, #tpu.memory_space<hbm>> -> memref<16x384xf32, #tpu.memory_space<hbm>>
    %dma_wait3A_2161 = arith.constant 0 : i32
    %dma_wait3A_2162 = tpu.memref_slice %arg8[%mul3A_1776, %dma_wait3A_2161] : memref<160x384xf32, #tpu.memory_space<vmem>> -> memref<16x384xf32, #tpu.memory_space<vmem>>
    tpu.wait_dma2 semaphore(%arg10 : memref<!tpu.dma_semaphore, #tpu.memory_space<semaphore_mem>>) src(%dma_wait3A_2162 : memref<16x384xf32, #tpu.memory_space<vmem>>) dst(%dma_wait3A_2160 : memref<16x384xf32, #tpu.memory_space<hbm>>)
    %dma_wait3A_2163 = arith.constant 0 : i32
    %dma_wait3A_2164 = tpu.memref_slice %arg8[%mul3A_1792, %dma_wait3A_2163] : memref<160x384xf32, #tpu.memory_space<vmem>> -> memref<16x384xf32, #tpu.memory_space<vmem>>
    %dma_wait3A_2165 = arith.constant 0 : i32
    %dma_wait3A_2166 = arith.constant 384 : i32
    %dma_wait3A_2167 = tpu.memref_slice %arg4[%add3A_1794, %dma_wait3A_2165, %dma_wait3A_2166] : memref<436x16x832xf32, #tpu.memory_space<hbm>> -> memref<1x16x384xf32, #tpu.memory_space<hbm>>
    %dma_wait3A_2168 = tpu.memref_squeeze %dma_wait3A_2167 : memref<1x16x384xf32, #tpu.memory_space<hbm>> -> memref<16x384xf32, #tpu.memory_space<hbm>>
    %dma_wait3A_2169 = arith.constant 0 : i32
    %dma_wait3A_2170 = arith.constant 384 : i32
    %dma_wait3A_2171 = tpu.memref_slice %arg4[%add3A_1794, %dma_wait3A_2169, %dma_wait3A_2170] : memref<436x16x832xf32, #tpu.memory_space<hbm>> -> memref<1x16x384xf32, #tpu.memory_space<hbm>>
    %dma_wait3A_2172 = tpu.memref_squeeze %dma_wait3A_2171 : memref<1x16x384xf32, #tpu.memory_space<hbm>> -> memref<16x384xf32, #tpu.memory_space<hbm>>
    %dma_wait3A_2173 = arith.constant 0 : i32
    %dma_wait3A_2174 = tpu.memref_slice %arg8[%mul3A_1792, %dma_wait3A_2173] : memref<160x384xf32, #tpu.memory_space<vmem>> -> memref<16x384xf32, #tpu.memory_space<vmem>>
    tpu.wait_dma2 semaphore(%arg10 : memref<!tpu.dma_semaphore, #tpu.memory_space<semaphore_mem>>) src(%dma_wait3A_2174 : memref<16x384xf32, #tpu.memory_space<vmem>>) dst(%dma_wait3A_2172 : memref<16x384xf32, #tpu.memory_space<hbm>>)
    %dma_wait3A_2175 = arith.constant 0 : i32
    %dma_wait3A_2176 = tpu.memref_slice %arg8[%mul3A_1808, %dma_wait3A_2175] : memref<160x384xf32, #tpu.memory_space<vmem>> -> memref<16x384xf32, #tpu.memory_space<vmem>>
    %dma_wait3A_2177 = arith.constant 0 : i32
    %dma_wait3A_2178 = arith.constant 384 : i32
    %dma_wait3A_2179 = tpu.memref_slice %arg4[%add3A_1810, %dma_wait3A_2177, %dma_wait3A_2178] : memref<436x16x832xf32, #tpu.memory_space<hbm>> -> memref<1x16x384xf32, #tpu.memory_space<hbm>>
    %dma_wait3A_2180 = tpu.memref_squeeze %dma_wait3A_2179 : memref<1x16x384xf32, #tpu.memory_space<hbm>> -> memref<16x384xf32, #tpu.memory_space<hbm>>
    %dma_wait3A_2181 = arith.constant 0 : i32
    %dma_wait3A_2182 = arith.constant 384 : i32
    %dma_wait3A_2183 = tpu.memref_slice %arg4[%add3A_1810, %dma_wait3A_2181, %dma_wait3A_2182] : memref<436x16x832xf32, #tpu.memory_space<hbm>> -> memref<1x16x384xf32, #tpu.memory_space<hbm>>
    %dma_wait3A_2184 = tpu.memref_squeeze %dma_wait3A_2183 : memref<1x16x384xf32, #tpu.memory_space<hbm>> -> memref<16x384xf32, #tpu.memory_space<hbm>>
    %dma_wait3A_2185 = arith.constant 0 : i32
    %dma_wait3A_2186 = tpu.memref_slice %arg8[%mul3A_1808, %dma_wait3A_2185] : memref<160x384xf32, #tpu.memory_space<vmem>> -> memref<16x384xf32, #tpu.memory_space<vmem>>
    tpu.wait_dma2 semaphore(%arg10 : memref<!tpu.dma_semaphore, #tpu.memory_space<semaphore_mem>>) src(%dma_wait3A_2186 : memref<16x384xf32, #tpu.memory_space<vmem>>) dst(%dma_wait3A_2184 : memref<16x384xf32, #tpu.memory_space<hbm>>)
    %dma_wait3A_2187 = arith.constant 0 : i32
    %dma_wait3A_2188 = tpu.memref_slice %arg8[%mul3A_1824, %dma_wait3A_2187] : memref<160x384xf32, #tpu.memory_space<vmem>> -> memref<16x384xf32, #tpu.memory_space<vmem>>
    %dma_wait3A_2189 = arith.constant 0 : i32
    %dma_wait3A_2190 = arith.constant 384 : i32
    %dma_wait3A_2191 = tpu.memref_slice %arg4[%add3A_1826, %dma_wait3A_2189, %dma_wait3A_2190] : memref<436x16x832xf32, #tpu.memory_space<hbm>> -> memref<1x16x384xf32, #tpu.memory_space<hbm>>
    %dma_wait3A_2192 = tpu.memref_squeeze %dma_wait3A_2191 : memref<1x16x384xf32, #tpu.memory_space<hbm>> -> memref<16x384xf32, #tpu.memory_space<hbm>>
    %dma_wait3A_2193 = arith.constant 0 : i32
    %dma_wait3A_2194 = arith.constant 384 : i32
    %dma_wait3A_2195 = tpu.memref_slice %arg4[%add3A_1826, %dma_wait3A_2193, %dma_wait3A_2194] : memref<436x16x832xf32, #tpu.memory_space<hbm>> -> memref<1x16x384xf32, #tpu.memory_space<hbm>>
    %dma_wait3A_2196 = tpu.memref_squeeze %dma_wait3A_2195 : memref<1x16x384xf32, #tpu.memory_space<hbm>> -> memref<16x384xf32, #tpu.memory_space<hbm>>
    %dma_wait3A_2197 = arith.constant 0 : i32
    %dma_wait3A_2198 = tpu.memref_slice %arg8[%mul3A_1824, %dma_wait3A_2197] : memref<160x384xf32, #tpu.memory_space<vmem>> -> memref<16x384xf32, #tpu.memory_space<vmem>>
    tpu.wait_dma2 semaphore(%arg10 : memref<!tpu.dma_semaphore, #tpu.memory_space<semaphore_mem>>) src(%dma_wait3A_2198 : memref<16x384xf32, #tpu.memory_space<vmem>>) dst(%dma_wait3A_2196 : memref<16x384xf32, #tpu.memory_space<hbm>>)
    %dma_wait3A_2199 = arith.constant 0 : i32
    %dma_wait3A_2200 = tpu.memref_slice %arg8[%mul3A_1840, %dma_wait3A_2199] : memref<160x384xf32, #tpu.memory_space<vmem>> -> memref<16x384xf32, #tpu.memory_space<vmem>>
    %dma_wait3A_2201 = arith.constant 0 : i32
    %dma_wait3A_2202 = arith.constant 384 : i32
    %dma_wait3A_2203 = tpu.memref_slice %arg4[%add3A_1842, %dma_wait3A_2201, %dma_wait3A_2202] : memref<436x16x832xf32, #tpu.memory_space<hbm>> -> memref<1x16x384xf32, #tpu.memory_space<hbm>>
    %dma_wait3A_2204 = tpu.memref_squeeze %dma_wait3A_2203 : memref<1x16x384xf32, #tpu.memory_space<hbm>> -> memref<16x384xf32, #tpu.memory_space<hbm>>
    %dma_wait3A_2205 = arith.constant 0 : i32
    %dma_wait3A_2206 = arith.constant 384 : i32
    %dma_wait3A_2207 = tpu.memref_slice %arg4[%add3A_1842, %dma_wait3A_2205, %dma_wait3A_2206] : memref<436x16x832xf32, #tpu.memory_space<hbm>> -> memref<1x16x384xf32, #tpu.memory_space<hbm>>
    %dma_wait3A_2208 = tpu.memref_squeeze %dma_wait3A_2207 : memref<1x16x384xf32, #tpu.memory_space<hbm>> -> memref<16x384xf32, #tpu.memory_space<hbm>>
    %dma_wait3A_2209 = arith.constant 0 : i32
    %dma_wait3A_2210 = tpu.memref_slice %arg8[%mul3A_1840, %dma_wait3A_2209] : memref<160x384xf32, #tpu.memory_space<vmem>> -> memref<16x384xf32, #tpu.memory_space<vmem>>
    tpu.wait_dma2 semaphore(%arg10 : memref<!tpu.dma_semaphore, #tpu.memory_space<semaphore_mem>>) src(%dma_wait3A_2210 : memref<16x384xf32, #tpu.memory_space<vmem>>) dst(%dma_wait3A_2208 : memref<16x384xf32, #tpu.memory_space<hbm>>)
    %dma_wait3A_2211 = arith.constant 0 : i32
    %dma_wait3A_2212 = tpu.memref_slice %arg8[%mul3A_1856, %dma_wait3A_2211] : memref<160x384xf32, #tpu.memory_space<vmem>> -> memref<16x384xf32, #tpu.memory_space<vmem>>
    %dma_wait3A_2213 = arith.constant 0 : i32
    %dma_wait3A_2214 = arith.constant 384 : i32
    %dma_wait3A_2215 = tpu.memref_slice %arg4[%add3A_1858, %dma_wait3A_2213, %dma_wait3A_2214] : memref<436x16x832xf32, #tpu.memory_space<hbm>> -> memref<1x16x384xf32, #tpu.memory_space<hbm>>
    %dma_wait3A_2216 = tpu.memref_squeeze %dma_wait3A_2215 : memref<1x16x384xf32, #tpu.memory_space<hbm>> -> memref<16x384xf32, #tpu.memory_space<hbm>>
    %dma_wait3A_2217 = arith.constant 0 : i32
    %dma_wait3A_2218 = arith.constant 384 : i32
    %dma_wait3A_2219 = tpu.memref_slice %arg4[%add3A_1858, %dma_wait3A_2217, %dma_wait3A_2218] : memref<436x16x832xf32, #tpu.memory_space<hbm>> -> memref<1x16x384xf32, #tpu.memory_space<hbm>>
    %dma_wait3A_2220 = tpu.memref_squeeze %dma_wait3A_2219 : memref<1x16x384xf32, #tpu.memory_space<hbm>> -> memref<16x384xf32, #tpu.memory_space<hbm>>
    %dma_wait3A_2221 = arith.constant 0 : i32
    %dma_wait3A_2222 = tpu.memref_slice %arg8[%mul3A_1856, %dma_wait3A_2221] : memref<160x384xf32, #tpu.memory_space<vmem>> -> memref<16x384xf32, #tpu.memory_space<vmem>>
    tpu.wait_dma2 semaphore(%arg10 : memref<!tpu.dma_semaphore, #tpu.memory_space<semaphore_mem>>) src(%dma_wait3A_2222 : memref<16x384xf32, #tpu.memory_space<vmem>>) dst(%dma_wait3A_2220 : memref<16x384xf32, #tpu.memory_space<hbm>>)
    %dma_wait3A_2223 = arith.constant 0 : i32
    %dma_wait3A_2224 = tpu.memref_slice %arg8[%mul3A_1872, %dma_wait3A_2223] : memref<160x384xf32, #tpu.memory_space<vmem>> -> memref<16x384xf32, #tpu.memory_space<vmem>>
    %dma_wait3A_2225 = arith.constant 0 : i32
    %dma_wait3A_2226 = arith.constant 384 : i32
    %dma_wait3A_2227 = tpu.memref_slice %arg4[%add3A_1874, %dma_wait3A_2225, %dma_wait3A_2226] : memref<436x16x832xf32, #tpu.memory_space<hbm>> -> memref<1x16x384xf32, #tpu.memory_space<hbm>>
    %dma_wait3A_2228 = tpu.memref_squeeze %dma_wait3A_2227 : memref<1x16x384xf32, #tpu.memory_space<hbm>> -> memref<16x384xf32, #tpu.memory_space<hbm>>
    %dma_wait3A_2229 = arith.constant 0 : i32
    %dma_wait3A_2230 = arith.constant 384 : i32
    %dma_wait3A_2231 = tpu.memref_slice %arg4[%add3A_1874, %dma_wait3A_2229, %dma_wait3A_2230] : memref<436x16x832xf32, #tpu.memory_space<hbm>> -> memref<1x16x384xf32, #tpu.memory_space<hbm>>
    %dma_wait3A_2232 = tpu.memref_squeeze %dma_wait3A_2231 : memref<1x16x384xf32, #tpu.memory_space<hbm>> -> memref<16x384xf32, #tpu.memory_space<hbm>>
    %dma_wait3A_2233 = arith.constant 0 : i32
    %dma_wait3A_2234 = tpu.memref_slice %arg8[%mul3A_1872, %dma_wait3A_2233] : memref<160x384xf32, #tpu.memory_space<vmem>> -> memref<16x384xf32, #tpu.memory_space<vmem>>
    tpu.wait_dma2 semaphore(%arg10 : memref<!tpu.dma_semaphore, #tpu.memory_space<semaphore_mem>>) src(%dma_wait3A_2234 : memref<16x384xf32, #tpu.memory_space<vmem>>) dst(%dma_wait3A_2232 : memref<16x384xf32, #tpu.memory_space<hbm>>)
    %dma_wait3A_2235 = arith.constant 0 : i32
    %dma_wait3A_2236 = tpu.memref_slice %arg8[%mul3A_1888, %dma_wait3A_2235] : memref<160x384xf32, #tpu.memory_space<vmem>> -> memref<16x384xf32, #tpu.memory_space<vmem>>
    %dma_wait3A_2237 = arith.constant 0 : i32
    %dma_wait3A_2238 = arith.constant 384 : i32
    %dma_wait3A_2239 = tpu.memref_slice %arg4[%add3A_1890, %dma_wait3A_2237, %dma_wait3A_2238] : memref<436x16x832xf32, #tpu.memory_space<hbm>> -> memref<1x16x384xf32, #tpu.memory_space<hbm>>
    %dma_wait3A_2240 = tpu.memref_squeeze %dma_wait3A_2239 : memref<1x16x384xf32, #tpu.memory_space<hbm>> -> memref<16x384xf32, #tpu.memory_space<hbm>>
    %dma_wait3A_2241 = arith.constant 0 : i32
    %dma_wait3A_2242 = arith.constant 384 : i32
    %dma_wait3A_2243 = tpu.memref_slice %arg4[%add3A_1890, %dma_wait3A_2241, %dma_wait3A_2242] : memref<436x16x832xf32, #tpu.memory_space<hbm>> -> memref<1x16x384xf32, #tpu.memory_space<hbm>>
    %dma_wait3A_2244 = tpu.memref_squeeze %dma_wait3A_2243 : memref<1x16x384xf32, #tpu.memory_space<hbm>> -> memref<16x384xf32, #tpu.memory_space<hbm>>
    %dma_wait3A_2245 = arith.constant 0 : i32
    %dma_wait3A_2246 = tpu.memref_slice %arg8[%mul3A_1888, %dma_wait3A_2245] : memref<160x384xf32, #tpu.memory_space<vmem>> -> memref<16x384xf32, #tpu.memory_space<vmem>>
    tpu.wait_dma2 semaphore(%arg10 : memref<!tpu.dma_semaphore, #tpu.memory_space<semaphore_mem>>) src(%dma_wait3A_2246 : memref<16x384xf32, #tpu.memory_space<vmem>>) dst(%dma_wait3A_2244 : memref<16x384xf32, #tpu.memory_space<hbm>>)
    %dma_wait3A_2247 = arith.constant 0 : i32
    %dma_wait3A_2248 = tpu.memref_slice %arg8[%mul3A_1904, %dma_wait3A_2247] : memref<160x384xf32, #tpu.memory_space<vmem>> -> memref<16x384xf32, #tpu.memory_space<vmem>>
    %dma_wait3A_2249 = arith.constant 0 : i32
    %dma_wait3A_2250 = arith.constant 384 : i32
    %dma_wait3A_2251 = tpu.memref_slice %arg4[%add3A_1906, %dma_wait3A_2249, %dma_wait3A_2250] : memref<436x16x832xf32, #tpu.memory_space<hbm>> -> memref<1x16x384xf32, #tpu.memory_space<hbm>>
    %dma_wait3A_2252 = tpu.memref_squeeze %dma_wait3A_2251 : memref<1x16x384xf32, #tpu.memory_space<hbm>> -> memref<16x384xf32, #tpu.memory_space<hbm>>
    %dma_wait3A_2253 = arith.constant 0 : i32
    %dma_wait3A_2254 = arith.constant 384 : i32
    %dma_wait3A_2255 = tpu.memref_slice %arg4[%add3A_1906, %dma_wait3A_2253, %dma_wait3A_2254] : memref<436x16x832xf32, #tpu.memory_space<hbm>> -> memref<1x16x384xf32, #tpu.memory_space<hbm>>
    %dma_wait3A_2256 = tpu.memref_squeeze %dma_wait3A_2255 : memref<1x16x384xf32, #tpu.memory_space<hbm>> -> memref<16x384xf32, #tpu.memory_space<hbm>>
    %dma_wait3A_2257 = arith.constant 0 : i32
    %dma_wait3A_2258 = tpu.memref_slice %arg8[%mul3A_1904, %dma_wait3A_2257] : memref<160x384xf32, #tpu.memory_space<vmem>> -> memref<16x384xf32, #tpu.memory_space<vmem>>
    tpu.wait_dma2 semaphore(%arg10 : memref<!tpu.dma_semaphore, #tpu.memory_space<semaphore_mem>>) src(%dma_wait3A_2258 : memref<16x384xf32, #tpu.memory_space<vmem>>) dst(%dma_wait3A_2256 : memref<16x384xf32, #tpu.memory_space<hbm>>)
    %dma_wait3A_2259 = arith.constant 0 : i32
    %dma_wait3A_2260 = tpu.memref_slice %arg8[%mul3A_1920, %dma_wait3A_2259] : memref<160x384xf32, #tpu.memory_space<vmem>> -> memref<16x384xf32, #tpu.memory_space<vmem>>
    %dma_wait3A_2261 = arith.constant 0 : i32
    %dma_wait3A_2262 = arith.constant 384 : i32
    %dma_wait3A_2263 = tpu.memref_slice %arg4[%add3A_1922, %dma_wait3A_2261, %dma_wait3A_2262] : memref<436x16x832xf32, #tpu.memory_space<hbm>> -> memref<1x16x384xf32, #tpu.memory_space<hbm>>
    %dma_wait3A_2264 = tpu.memref_squeeze %dma_wait3A_2263 : memref<1x16x384xf32, #tpu.memory_space<hbm>> -> memref<16x384xf32, #tpu.memory_space<hbm>>
    %dma_wait3A_2265 = arith.constant 0 : i32
    %dma_wait3A_2266 = arith.constant 384 : i32
    %dma_wait3A_2267 = tpu.memref_slice %arg4[%add3A_1922, %dma_wait3A_2265, %dma_wait3A_2266] : memref<436x16x832xf32, #tpu.memory_space<hbm>> -> memref<1x16x384xf32, #tpu.memory_space<hbm>>
    %dma_wait3A_2268 = tpu.memref_squeeze %dma_wait3A_2267 : memref<1x16x384xf32, #tpu.memory_space<hbm>> -> memref<16x384xf32, #tpu.memory_space<hbm>>
    %dma_wait3A_2269 = arith.constant 0 : i32
    %dma_wait3A_2270 = tpu.memref_slice %arg8[%mul3A_1920, %dma_wait3A_2269] : memref<160x384xf32, #tpu.memory_space<vmem>> -> memref<16x384xf32, #tpu.memory_space<vmem>>
    tpu.wait_dma2 semaphore(%arg10 : memref<!tpu.dma_semaphore, #tpu.memory_space<semaphore_mem>>) src(%dma_wait3A_2270 : memref<16x384xf32, #tpu.memory_space<vmem>>) dst(%dma_wait3A_2268 : memref<16x384xf32, #tpu.memory_space<hbm>>)
    return
  }
}

module attributes {stable_mosaic.version = 14 : i64} {
  func.func @_tc_tail_body(%arg0: i32, %arg1: memref<16x64x7xf32, #tpu.memory_space<vmem>>, %arg2: memref<7x32xf32, #tpu.memory_space<vmem>>, %arg3: memref<7x32xf32, #tpu.memory_space<vmem>>, %arg4: memref<436x64xf32, #tpu.memory_space<vmem>>, %arg5: memref<436x7xf32, #tpu.memory_space<vmem>>, %arg6: memref<436x16x832xf32, #tpu.memory_space<any>>, %arg7: memref<436x16x128xf32, #tpu.memory_space<vmem>>) attributes {dimension_semantics = [#tpu.dimension_semantics<arbitrary>], iteration_bounds = array<i64: 1>, scalar_prefetch = 0 : i64, scratch_operands = 0 : i64, tpu.core_type = #tpu.core_type<tc>, window_params = [{pipeline_mode = #tpu.pipeline_mode<synchronous>, transform_indices = @transform_0, window_bounds = array<i64: 16, 64, 7>}, {pipeline_mode = #tpu.pipeline_mode<synchronous>, transform_indices = @transform_1, window_bounds = array<i64: 7, 32>}, {pipeline_mode = #tpu.pipeline_mode<synchronous>, transform_indices = @transform_2, window_bounds = array<i64: 7, 32>}, {pipeline_mode = #tpu.pipeline_mode<synchronous>, transform_indices = @transform_3, window_bounds = array<i64: 436, 64>}, {pipeline_mode = #tpu.pipeline_mode<synchronous>, transform_indices = @transform_4, window_bounds = array<i64: 436, 7>}, {}, {transform_indices = @transform_6, window_bounds = array<i64: 436, 16, 128>}]} {
    %get3A = arith.constant 0 : index
    %get3A_0 = arith.constant 0 : index
    %get3A_1 = arith.constant 0 : index
    %get3A_2 = vector.load %arg1[%get3A, %get3A_0, %get3A_1] : memref<16x64x7xf32, #tpu.memory_space<vmem>>, vector<16x64x7xf32>
    %argmax3A = tpu.reduce_index %get3A_2 {axis = 2 : i32, kind = #tpu.reduction_kind<arg_max>} : vector<16x64x7xf32> -> vector<16x64xi32>
    %iota3A = tpu.iota {dimensions = array<i32: 2>} : vector<16x64x7xi32>
    %broadcast_in_dim3A = vector.shape_cast %argmax3A : vector<16x64xi32> to vector<16x64x1xi32>
    %eq3A = vector.broadcast %broadcast_in_dim3A : vector<16x64x1xi32> to vector<16x64x7xi32>
    %eq3A_3 = arith.cmpi eq, %iota3A, %eq3A : vector<16x64x7xi32>
    %convert_element_type3A = arith.extui %eq3A_3 : vector<16x64x7xi1> to vector<16x64x7xi32>
    %convert_element_type3A_4 = arith.sitofp %convert_element_type3A : vector<16x64x7xi32> to vector<16x64x7xf32>
    %get3A_5 = arith.constant 0 : index
    %get3A_6 = arith.constant 0 : index
    %get3A_7 = vector.load %arg3[%get3A_5, %get3A_6] : memref<7x32xf32, #tpu.memory_space<vmem>>, vector<7x32xf32>
    %dot_general3A = arith.constant dense<0.000000e+00> : vector<16x64x32xf32>
    %dot_general3A_8 = tpu.matmul %convert_element_type3A_4, %get3A_7, %dot_general3A {dimension_numbers = #tpu.dot_dimension_numbers<[2], [0], [0, 1], [1], [0, 0, 0, 1, 1, 1], [], []>, precision = #tpu.contract_precision<fp32>, transpose_lhs_hint = false} : vector<16x64x7xf32>, vector<7x32xf32>, vector<16x64x32xf32> -> vector<16x64x32xf32>
    %get3A_9 = arith.constant 0 : index
    %get3A_10 = arith.constant 0 : index
    %get3A_11 = vector.load %arg4[%get3A_9, %get3A_10] : memref<436x64xf32, #tpu.memory_space<vmem>>, vector<436x64xf32>
    %dot_general3A_12 = arith.constant dense<0.000000e+00> : vector<436x16x32xf32>
    %dot_general3A_13 = tpu.matmul %get3A_11, %dot_general3A_8, %dot_general3A_12 {dimension_numbers = #tpu.dot_dimension_numbers<[1], [1], [0], [0, 2], [0, 0, 1, 0, 1, 2], [], []>, precision = #tpu.contract_precision<fp32>, transpose_lhs_hint = false} : vector<436x64xf32>, vector<16x64x32xf32>, vector<436x16x32xf32> -> vector<436x16x32xf32>
    %get3A_14 = arith.constant 0 : index
    %get3A_15 = arith.constant 0 : index
    %get3A_16 = vector.load %arg5[%get3A_14, %get3A_15] : memref<436x7xf32, #tpu.memory_space<vmem>>, vector<436x7xf32>
    %get3A_17 = arith.constant 0 : index
    %get3A_18 = arith.constant 0 : index
    %get3A_19 = vector.load %arg2[%get3A_17, %get3A_18] : memref<7x32xf32, #tpu.memory_space<vmem>>, vector<7x32xf32>
    %dot_general3A_20 = arith.constant dense<0.000000e+00> : vector<436x32xf32>
    %dot_general3A_21 = tpu.matmul %get3A_16, %get3A_19, %dot_general3A_20 {dimension_numbers = #tpu.dot_dimension_numbers<[1], [0], [0], [1], [0, 0, 1, 1], [], []>, precision = #tpu.contract_precision<fp32>, transpose_lhs_hint = false} : vector<436x7xf32>, vector<7x32xf32>, vector<436x32xf32> -> vector<436x32xf32>
    %broadcast_in_dim3A_22 = vector.shape_cast %dot_general3A_21 : vector<436x32xf32> to vector<436x1x32xf32>
    %broadcast_in_dim3A_23 = vector.shape_cast %broadcast_in_dim3A_22 : vector<436x1x32xf32> to vector<436x1x32xf32>
    %broadcast_in_dim3A_24 = vector.broadcast %broadcast_in_dim3A_23 : vector<436x1x32xf32> to vector<436x16x32xf32>
    %swap3A = arith.constant 0 : index
    %swap3A_25 = arith.constant 0 : index
    %swap3A_26 = arith.constant 0 : index
    %swap3A_27 = vector.load %arg7[%swap3A, %swap3A_25, %swap3A_26] : memref<436x16x128xf32, #tpu.memory_space<vmem>>, vector<436x16x32xf32>
    tpu.vector_store %arg7[%swap3A, %swap3A_25, %swap3A_26], %dot_general3A_13 {strides = array<i32>} : memref<436x16x128xf32, #tpu.memory_space<vmem>>, vector<436x16x32xf32>,
    %swap3A_28 = arith.constant 0 : index
    %swap3A_29 = arith.constant 0 : index
    %swap3A_30 = arith.constant 32 : index
    %swap3A_31 = vector.load %arg7[%swap3A_28, %swap3A_29, %swap3A_30] : memref<436x16x128xf32, #tpu.memory_space<vmem>>, vector<436x16x32xf32>
    tpu.vector_store %arg7[%swap3A_28, %swap3A_29, %swap3A_30], %broadcast_in_dim3A_24 {strides = array<i32>} : memref<436x16x128xf32, #tpu.memory_space<vmem>>, vector<436x16x32xf32>,
    return
  }
  func.func @transform_0(%arg0: i32) -> (i32, i32, i32) {
    %c0_i32 = arith.constant 0 : i32
    %c0_i32_0 = arith.constant 0 : i32
    %c0_i32_1 = arith.constant 0 : i32
    %c0_i32_2 = arith.constant 0 : i32
    return %c0_i32, %c0_i32_0, %c0_i32_1 : i32, i32, i32
  }
  func.func @transform_1(%arg0: i32) -> (i32, i32) {
    %c0_i32 = arith.constant 0 : i32
    %c0_i32_0 = arith.constant 0 : i32
    %c0_i32_1 = arith.constant 0 : i32
    return %c0_i32, %c0_i32_0 : i32, i32
  }
  func.func @transform_2(%arg0: i32) -> (i32, i32) {
    %c0_i32 = arith.constant 0 : i32
    %c0_i32_0 = arith.constant 0 : i32
    %c0_i32_1 = arith.constant 0 : i32
    return %c0_i32, %c0_i32_0 : i32, i32
  }
  func.func @transform_3(%arg0: i32) -> (i32, i32) {
    %c0_i32 = arith.constant 0 : i32
    %c0_i32_0 = arith.constant 0 : i32
    %c0_i32_1 = arith.constant 0 : i32
    return %c0_i32, %c0_i32_0 : i32, i32
  }
  func.func @transform_4(%arg0: i32) -> (i32, i32) {
    %c0_i32 = arith.constant 0 : i32
    %c0_i32_0 = arith.constant 0 : i32
    %c0_i32_1 = arith.constant 0 : i32
    return %c0_i32, %c0_i32_0 : i32, i32
  }
  func.func @transform_6(%arg0: i32) -> (i32, i32, i32) {
    %c0_i32 = arith.constant 0 : i32
    %c0_i32_0 = arith.constant 0 : i32
    %c6_i32 = arith.constant 6 : i32
    %c0_i32_1 = arith.constant 0 : i32
    return %c0_i32, %c0_i32_0, %c6_i32 : i32, i32, i32
  }
}

</mosaic_0001>

<sc_bundles>
// kernel: kernel.4.cloned.1.call-start
scs
__scs_entry_jumppad:
0x0: {  	(pc) =	sbr.rel $0x88, $3  }
0x1: {  	(tag) =	ssettag $0x0;
	lr =	simm.s32 $0x1  }
0x2: {  	[smem:$0x3F9C] =	sst lr;
	_ =	strace $0xD0000000  }
0x3: {  	_ = 	snop  }
0x4: {  	_ = 	snop  }
0x5: {  	_ = 	snop  }
0x6: {  	_ = 	snop  }
0x7: {  	_ = 	snop  }
__scs_overlays_trampoline_lowered:
0x8: {  	[smem:$0x3FAB] =	sst s0  }
0x9: {  	[smem:$0x3FAC] =	sst s1  }
0xa: {  	[smem:$0x3FAD] =	sst s2  }
0xb: {  	[smem:$0x3FAE] =	sst s3  }
0xc: {  	[smem:$0x3FAF] =	sst s4  }
0xd: {  	[smem:$0x3FB0] =	sst s5  }
0xe: {  	[smem:$0x3FB1] =	sst s6  }
0xf: {  	[smem:$0x3FB2] =	sst s7  }
0x10: {  	[smem:$0x3FB3] =	sst s8  }
0x11: {  	[smem:$0x3FB4] =	sst s9;
	s0 =	simm.s32 @!p0 $0x0  }
0x12: {  	s1 =	sld [smem:$0x3F9A];
	s0 =	simm.s32 @p0 $0x1  }
0x13: {  	[smem:$0x3FB5] =	sst s0;
	s0 =	simm.s32 @!p1 $0x0  }
0x14: {  	s2 =	sld [smem:$0x3F99];
	s0 =	simm.s32 @p1 $0x1  }
0x15: {  	[smem:$0x3FB6] =	sst s0;
	s0 =	simm.s32 @!p2 $0x0  }
0x16: {  	s3 =	sld [smem:$0x3FDB];
	s0 =	simm.s32 @p2 $0x1  }
0x17: {  	s4 =	simm.s32 $0x1BF5;
	[smem:$0x3FB8] =	sst s0  }
0x18: {  	s0 =	sld [smem:$0x3F9B];
	_ =	swait.ge [sflag:s4], $0x0  }
0x19: {  	s7 =	sld [smem:$0x3F9C]  }
0x1a: {  	s8 =	sadd.s32 $0xFFFFE003, lr  }
0x1b: {  	s9 =	sadd.s32 $0xFFFFFEF7, lr;
	s5 =	simm.s32 $0xFFFFFFFF;
	p2 =	slt.u32 s8, $0xFFFFF086  }
0x1c: {  	p1 =	slt.u32 s9, $0xF7A;
	s5 =	simm.s32 @!p2 $0x0  }
0x1d: {  	s5 =	simm.s32 @p1 $0x1;
	p0 =	seq.s32 s7, s2  }
0x1e: {  	s7 =	smul.u32 @!p0 $0xF7A, s2;
	p2 =	seq.s32 @!p0 s5, $0x0  }
0x1f: {  	s9 =	smul.u32 $0xF7A, s1;
	s8 =	simm.s32 @!p0 $0x1BF5;
	p2 =	por !p2, p0  }
0x20: {  	[sflag:s8] =	ssyncset.s32 @!p0 $0xFFFFF086;
	s6 =	sadd.s32 @!p0 s3, s7;
	s7 =	simm.s32 @!p0 $0x108  }
0x21: {  	s3 =	sadd.s32 s3, s9;
	s6 =	sadd.s32 @!p0 $0x88, s6;
	s7 =	simm.s32 @p2 $0x1082  }
0x22: {  	[simem:s7], [sflag:s8] =	dma.local @!p0 [hbm:s6], $0xF7A  }
0x23: {  	s9 =	sor.u32 $0xD0000000, s2;
	s6 =	simm.s32 $0x108;
	_ =	swait.ge @!p0 [sflag:s8], $0x0  }
0x24: {  	s3 =	sadd.s32 $0x88, s3;
	s6 =	simm.s32 @!p1 $0x1082;
	[sflag:s4] =	ssyncset.s32 $0xFFFFF086  }
0x25: {  	[simem:s6], [sflag:s4] =	dma.local [hbm:s3], $0xF7A  }
0x26: {  	[smem:$0x3F9C] =	sst s1;
	(tag) =	ssettag s2;
	_ =	strace s9  }
0x27: {  	s1 =	sld [smem:$0x3FAC]  }
0x28: {  	s2 =	sld [smem:$0x3FAD]  }
0x29: {  	s4 =	sld [smem:$0x3FAF]  }
0x2a: {  	p0 =	seq.s32 s5, $0x0;
	s5 =	sld [smem:$0x3FB0]  }
0x2b: {  	s6 =	sld [smem:$0x3FB1]  }
0x2c: {  	s7 =	sld [smem:$0x3FB2]  }
0x2d: {  	s3 =	simm.s32 $0x108;
	s8 =	sld [smem:$0x3FB3]  }
0x2e: {  	s3 =	simm.s32 @!p0 $0x1082;
	s9 =	sld [smem:$0x3FB4]  }
0x2f: {  	lr =	sadd.s32 s0, s3;
	s0 =	sld [smem:$0x3FAB]  }
0x30: {  	s3 =	sld [smem:$0x3FAE]  }
0x31: {  	[smem:$0x3FB7] =	sst s10  }
0x32: {  	s10 =	sld [smem:$0x3FB5];
	_ =	sdelay $0x3  }
0x33: {  	p0 =	seq.s32 s10, $0x1;
	s10 =	sld [smem:$0x3FB7];
	_ =	sdelay $0x3  }
0x34: {  	[smem:$0x3FB7] =	sst s10  }
0x35: {  	s10 =	sld [smem:$0x3FB6];
	_ =	sdelay $0x3  }
0x36: {  	p1 =	seq.s32 s10, $0x1;
	s10 =	sld [smem:$0x3FB7];
	_ =	sdelay $0x3  }
0x37: {  	[smem:$0x3FB7] =	sst s10  }
0x38: {  	s10 =	sld [smem:$0x3FB8]  }
0x39: {  	_ = 	snop;
	(pc) =	sbr.ind lr, $3  }
0x3a: {  	_ = 	snop  }
0x3b: {  	_ = 	snop  }
0x3c: {  	p2 =	seq.s32 s10, $0x1;
	s10 =	sld [smem:$0x3FB7]  }
0x3d: {  	_ =	shalt  }
0x3e: {  	_ =	shalt  }
0x3f: {  	_ =	shalt  }
0x40: {  	_ =	shalt  }
0x41: {  	_ =	shalt  }
0x42: {  	_ =	shalt  }
0x43: {  	_ =	shalt  }
0x44: {  	_ =	shalt  }
0x45: {  	_ =	shalt  }
0x46: {  	_ =	shalt  }
0x47: {  	_ =	shalt  }
0x48: {  	_ =	shalt  }
0x49: {  	_ =	shalt  }
0x4a: {  	_ =	shalt  }
0x4b: {  	_ =	shalt  }
0x4c: {  	_ =	shalt  }
0x4d: {  	_ =	shalt  }
0x4e: {  	_ =	shalt  }
0x4f: {  	_ =	shalt  }
0x50: {  	_ =	shalt  }
0x51: {  	_ =	shalt  }
0x52: {  	_ =	shalt  }
0x53: {  	_ =	shalt  }
0x54: {  	_ =	shalt  }
0x55: {  	_ =	shalt  }
0x56: {  	_ =	shalt  }
0x57: {  	_ =	shalt  }
0x58: {  	_ =	shalt  }
0x59: {  	_ =	shalt  }
0x5a: {  	_ =	shalt  }
0x5b: {  	_ =	shalt  }
0x5c: {  	_ =	shalt  }
0x5d: {  	_ =	shalt  }
0x5e: {  	_ =	shalt  }
0x5f: {  	_ =	shalt  }
0x60: {  	_ =	shalt  }
0x61: {  	_ =	shalt  }
0x62: {  	_ =	shalt  }
0x63: {  	_ =	shalt  }
0x64: {  	_ =	shalt  }
0x65: {  	_ =	shalt  }
0x66: {  	_ =	shalt  }
0x67: {  	_ =	shalt  }
0x68: {  	_ =	shalt  }
0x69: {  	_ =	shalt  }
0x6a: {  	_ =	shalt  }
0x6b: {  	_ =	shalt  }
0x6c: {  	_ =	shalt  }
0x6d: {  	_ =	shalt  }
0x6e: {  	_ =	shalt  }
0x6f: {  	_ =	shalt  }
0x70: {  	_ =	shalt  }
0x71: {  	_ =	shalt  }
0x72: {  	_ =	shalt  }
0x73: {  	_ =	shalt  }
0x74: {  	_ =	shalt  }
0x75: {  	_ =	shalt  }
0x76: {  	_ =	shalt  }
0x77: {  	_ =	shalt  }
0x78: {  	_ =	shalt  }
0x79: {  	_ =	shalt  }
0x7a: {  	_ =	shalt  }
0x7b: {  	_ =	shalt  }
0x7c: {  	_ =	shalt  }
0x7d: {  	_ =	shalt  }
0x7e: {  	_ =	shalt  }
0x7f: {  	_ =	shalt  }
0x80: {  	_ =	shalt  }
0x81: {  	_ =	shalt  }
0x82: {  	_ =	shalt  }
0x83: {  	_ =	shalt  }
0x84: {  	_ =	shalt  }
0x85: {  	_ =	shalt  }
0x86: {  	_ =	shalt  }
0x87: {  	_ =	shalt  }
.Lfunc_end0:
.L_simem_size_0:
called_computation_lowered:
.L_overlay_start_0:
0x88: {  	s2 =	sld [smem:$0x3FD9]  }
0x89: {  	s3 =	sld [smem:$0x3FFE];
	_ =	sdelay $0x1  }
0x8a: {  	s1 =	srdreg.scid  }
0x8b: {  	s0 =	sand.u32 $0x1, s1  }
0x8c: {  	s15 =	sshll.u32 s0, $0xA;
	s2 =	sadd.s32 s3, s2  }
0x8d: {  	s2 =	sadd.s32 s2, s15  }
0x8e: {  	[smem:$0x3FC3] =	sst s2  }
0x8f: {  	_ = 	snop  }
0x90: {  	s2 =	sld [smem:$0x3FD0];
	_ =	sdelay $0x1  }
0x91: {  	s16 =	sld [smem:$0x3FC9]  }
0x92: {  	s5 =	simm.s32 $0xA;
	s6 =	simm.s32 $0x10;
	s4 =	sld [smem:$0x3FC8]  }
0x93: {  	[smem:s6], [sflag:s5] =	dma.local [hbm:s2], $0x1  }
0x94: {  	_ =	swait.eq [sflag:s5], $0x1  }
0x95: {  	[sflag:s5] =	ssyncset.done $0x0  }
0x96: {  	[sflag:s5] =	ssyncadd.s32 $0xFFFFFFFF  }
0x97: {  	s17 =	sld [smem:$0x10];
	(tm) =	ssettm $0x1  }
0x98: {  	s18 =	sld [smem:$0x3FFB];
	_ =	sdelay $0x3  }
0x99: {  	_ =	strace s18  }
0x9a: {  	s5 =	sld [smem:$0x3FFC];
	_ =	sdelay $0x3  }
0x9b: {  	_ =	strace s5  }
0x9c: {  	s5 =	sld [smem:$0x3FFD];
	_ =	sdelay $0x3  }
0x9d: {  	_ =	strace s5  }
0x9e: {  	_ =	strace $0x8FFFFFFF  }
0x9f: {  	s19 =	sld [smem:$0x3FDB];
	_ =	sdelay $0x1  }
0xa0: {  	s20 =	simm.s32 $_scs_section_size  }
0xa1: {  	s7 =	simm.s32 $_size__tile_overlayer_lowered;
	s8 =	simm.s32 $_tile_overlayer_lowered  }
0xa2: {  	s23 =	simm.s32 $0x1BFF;
	s22 =	sshll.u32 s8, $0x1;
	s5 =	sadd.s32 s20, s19  }
0xa3: {  	s9 =	simm.s32 $0x0;
	s21 =	sshll.u32 s7, $0x1;
	s7 =	sadd.s32 s22, s5  }
0xa4: {  	[timem:s9], [sflag:s23] =	dma.local [hbm:s7], s21  }
0xa5: {  	_ =	swait.ge [sflag:s23], s21  }
0xa6: {  	s6 =	ssub.s32 $0x0, s21;
	[sflag:s23] =	ssyncset.done $0x0  }
0xa7: {  	[sflag:s23] =	ssyncadd.s32 s6;
	_ =	sdelay $0x1  }
0xa8: {  	s24 =	simm.s32 $0x1B8B  }
0xa9: {  	_ =	swait.ge [sflag:s24], $0x1  }
0xaa: {  	[sflag:s24] =	ssyncset.done $0x0  }
0xab: {  	s25 =	simm.s32 $0x1B8E;
	[sflag:s24] =	ssyncadd.s32 $0xFFFFFFFF  }
0xac: {  	s26 =	simm.s32 $execute0_lowered;
	[smem:$0x3FD2] =	sst s25  }
0xad: {  	s6 =	sshll.u32 s26, $0x1;
	_ =	strace $0x80000046;
	[dreg:$0x1] =	wrdreg $0xFFFFFFFF  }
0xae: {  	s28 =	simm.s32 $_size_execute0_lowered;
	s5 =	sadd.s32 s5, s6;
	[dreg:$0x0] =	wrdreg $0x0  }
0xaf: {  	s6 =	sshll.u32 s28, $0x1;
	[dreg:$0x2] =	wrdreg s5  }
0xb0: {  	[dreg:$0x3] =	wrdreg s6  }
0xb1: {  	[dreg:$0x4] =	wrdreg $0xC0  }
0xb2: {  	_ =	task [dreg:s9], $0x5FFFF  }
0xb3: {  	[dreg:$0x1] =	wrdreg $0xFFFFFFFF  }
0xb4: {  	[dreg:$0x0] =	wrdreg $0x60  }
0xb5: {  	[dreg:$0x2] =	wrdreg s16  }
0xb6: {  	[dreg:$0x3] =	wrdreg s4  }
0xb7: {  	[dreg:$0x4] =	wrdreg s17  }
0xb8: {  	[dreg:$0x5] =	wrdreg $0x9  }
0xb9: {  	_ =	task.clear_ibuf [dreg:s9], $0x6FFFF;
	_ =	strace $0x90000046  }
0xba: {  	s29 =	simm.s32 $0x9;
	_ =	strace $0x80000048  }
0xbb: {  	_ =	swait.ge [sflag:s29], $0x1  }
0xbc: {  	[sflag:s29] =	ssyncadd.s32 $0xFFFFFFFF  }
0xbd: {  	_ =	strace $0x90000048  }
0xbe: {  	_ =	sfence  }
0xbf: {  	s30 =	sld [smem:$0x0];
	_ =	sdelay $0x2  }
0xc0: {  	s31 =	sshll.u32 s1, $0xD;
	s1 =	sshrl.u32 s1, $0x2  }
0xc1: {  	s3 =	sand.u32 $0x4000, s31;
	s1 =	sadd.s32 s1, s30  }
0xc2: {  	s0 =	sor.u32 s3, s0;
	s1 =	sshll.u32 s1, $0x11  }
0xc3: {  	s0 =	sor.u32 s1, s0  }
0xc4: {  	s0 =	sadd.s32 $0x8F2B, s0  }
0xc5: {  	[sflag:s0] =	ssyncadd.remote.s32 $0x1  }
0xc6: {  	_ =	sfence.sel $0xFFFF  }
0xc7: {  	[dreg:$0x0] =	wrdreg $0xFFFFFFFF;
	(pc) =	sbr.abs _section_cstart, $3  }
0xc8: {  	[dreg:$0x1] =	wrdreg $0xFFFFFFFF  }
0xc9: {  	_ =	task.clear_ibuf [dreg:s9], $0x2FFFF;
	_ =	strace $0x9FFFFFFF  }
0xca: {  	(tm) =	ssettm $0x7FFFFFFF  }
0xcb: {  	_ =	shalt  }
tec
execute0_lowered:
.L_overlay_start_1:
0x0: {  	(tag) =	ssettag $0x1  }
0x1: {  	s0 =	srdreg.scid;
	s8 =	stileid.u32  }
0x2: {  	s1 =	sand.u32 $0x1, s0;
	s15 =	sshll.u32 s8, $0x1  }
0x3: {  	s0 =	sor.u32 s1, s15  }
0x4: {  	[smem:$0x7EB] =	sst s1;
	s1 =	smul.u32 $0xE, s0  }
0x5: {  	_ = 	snop  }
0x6: {  	s14 =	smin.u32 s1, $0x1A6  }
0x7: {  	p1 =	seq.s32 s8, $0x0;
	p5 =	seq.s32 s0, $0x0;
	s2 =	sshll.u32 s14, $0x10  }
0x8: {  	s4 =	ssub.s32 $0xF, s14;
	s19 =	ssub.s32 $0xE, s14;
	s16 =	sadd.s32 $0xFFF10000, s2  }
0x9: {  	s30 =	sor.u32 $0x1, s14;
	s23 =	ssub.s32 $0xD, s14;
	s1 =	sshra.s32 s16, $0x10  }
0xa: {  	s12 =	ssub.s32 $0xB, s14;
	s4 =	sand.u32 $0xFFFF, s4;
	s1 =	smul.u32 $0x4925, s1  }
0xb: {  	s5 =	sadd.s32 $0xFFF20000, s2;
	p4 =	slt.u32 s30, $0x9;
	s6 =	sadd.s32 $0xFFF30000, s2  }
0xc: {  	s5 =	sshra.s32 s5, $0x10;
	s3 =	sshrl.u32 s1, $0x1F;
	s1 =	sshra.s32 s1, $0x11  }
0xd: {  	s24 =	sadd.s32 $0xFFF40000, s2;
	s17 =	smul.u32 $0x4925, s5;
	s1 =	sadd.s32 s3, s1  }
0xe: {  	s6 =	sshra.s32 s6, $0x10;
	s25 =	sshra.s32 s24, $0x10;
	s3 =	smul.u32 $0xFFFFFFF9, s1  }
0xf: {  	s16 =	sadd.s32 $0xFFF60000, s2;
	s5 =	simm.s32 $0x1;
	s21 =	smul.u32 $0x4925, s6  }
0x10: {  	s6 =	simm.s32 $0x1;
	s18 =	sshrl.u32 s17, $0x1F;
	s3 =	sand.u32 $0xFFFF, s3  }
0x11: {  	s22 =	sshrl.u32 s21, $0x1F;
	s1 =	sadd.s32 $0x3, s1;
	p0 =	sne.s32 s3, s4  }
0x12: {  	s1 =	sand.u32 $0xFFFF, s1;
	s3 =	simm.s32 $0x0;
	p2 =	por !p1, !p0  }
0x13: {  	s4 =	simm.s32 $0x1;
	p0 =	seq.s32 s0, $0x1F;
	p2 =	por !p2, !p2  }
0x14: {  	s3 =	simm.s32 @!p5 $0x2;
	s0 =	sshra.s32 s17, $0x11;
	s4 =	simm.s32 @!p2 $0x0  }
0x15: {  	s0 =	sadd.s32 s18, s0;
	s15 =	ssub.s32 s1, s4;
	s1 =	simm.s32 @!p0 $0x0  }
0x16: {  	s4 =	sand.u32 $0xFFFE, s19;
	s15 =	simm.s32 @p0 $0x3D;
	s1 =	simm.s32 @p0 $0x1  }
0x17: {  	[smem:$0x7B4] =	sst s1;
	s15 =	smov.u32 @p1 s3;
	s3 =	simm.s32 $0xFFFFFFFC  }
0x18: {  	s1 =	smul.u32 $0xFFFFFFF9, s0;
	s0 =	sadd.s32 $0x3, s0;
	p2 =	seq.s32 s15, $0x1  }
0x19: {  	p3 =	seq.s32 s15, $0x0;
	s20 =	smul.u32 $0xFFFFFFF9, s15;
	s0 =	sand.u32 $0xFFFF, s0  }
0x1a: {  	s3 =	simm.s32 @!p2 $0xFFFFFFF7;
	p2 =	slt.u32 s15, $0x3;
	s1 =	sand.u32 $0xFFFF, s1  }
0x1b: {  	s3 =	simm.s32 @p3 $0x0;
	p6 =	sne.s32 s1, s4;
	s4 =	simm.s32 $0x1  }
0x1c: {  	s1 =	sadd.s32 $0x6, s20;
	p3 =	slt.u32 s30, $0xF;
	p1 =	por !p1, !p6  }
0x1d: {  	s4 =	simm.s32 @!p4 $0x2;
	s1 =	smov.u32 @p2 s3;
	p1 =	por !p1, !p1  }
0x1e: {  	s3 =	sand.u32 $0xFFFF, s23;
	s23 =	ssub.s32 $0xA, s14;
	s5 =	simm.s32 @!p1 $0x0  }
0x1f: {  	p1 =	slt.u32 s30, $0x1A5;
	s17 =	ssub.s32 s0, s5;
	s0 =	sshra.s32 s21, $0x11  }
0x20: {  	s4 =	simm.s32 @p5 $0x0;
	s17 =	simm.s32 @!p1 $0x3D;
	s0 =	sadd.s32 s22, s0  }
0x21: {  	s5 =	simm.s32 $0xFFFFFFFC;
	s17 =	smov.u32 @p3 s4;
	s4 =	smul.u32 $0xFFFFFFF9, s0  }
0x22: {  	s0 =	sadd.s32 $0x3, s0;
	p1 =	seq.s32 s17, $0x1;
	p3 =	seq.s32 s17, $0x0  }
0x23: {  	s7 =	smul.u32 $0xFFFFFFF9, s17;
	p2 =	slt.u32 s17, $0x3;
	s5 =	simm.s32 @!p1 $0xFFFFFFF7  }
0x24: {  	s0 =	sand.u32 $0xFFFF, s0;
	s4 =	sand.u32 $0xFFFF, s4;
	s5 =	simm.s32 @p3 $0x0  }
0x25: {  	p6 =	sne.s32 s4, s3;
	s3 =	smul.u32 $0x4925, s25;
	s4 =	sadd.s32 $0x6, s7  }
0x26: {  	s7 =	ssub.s32 $0xC, s14;
	p1 =	por !p5, !p6;
	p6 =	seq.s32 s8, $0xF  }
0x27: {  	s4 =	smov.u32 @p2 s5;
	s5 =	sand.u32 $0xFFFE, s7;
	p1 =	por !p1, !p1  }
0x28: {  	s26 =	sshrl.u32 s3, $0x1F;
	s3 =	sshra.s32 s3, $0x11;
	s6 =	simm.s32 @!p1 $0x0  }
0x29: {  	s8 =	sadd.s32 $0xFFF50000, s2;
	s3 =	sadd.s32 s26, s3;
	s20 =	ssub.s32 s0, s6  }
0x2a: {  	s6 =	smul.u32 $0xFFFFFFF9, s3;
	s3 =	sadd.s32 $0x3, s3;
	s20 =	simm.s32 @p6 $0x3D  }
0x2b: {  	s7 =	sand.u32 $0xFFFF, s12;
	s3 =	sand.u32 $0xFFFF, s3;
	s20 =	simm.s32 @p5 $0x0  }
0x2c: {  	s0 =	sand.u32 $0xFFFF, s6;
	s6 =	simm.s32 $0x1;
	p2 =	seq.s32 s20, $0x0  }
0x2d: {  	p3 =	seq.s32 s20, $0x1;
	p1 =	sne.s32 s0, s5;
	s0 =	simm.s32 $0xFFFFFFFC  }
0x2e: {  	s5 =	sshra.s32 s8, $0x10;
	s10 =	smul.u32 $0xFFFFFFF9, s20;
	s8 =	simm.s32 $0xFFFFFFFC  }
0x2f: {  	p4 =	por !p5, !p1;
	s0 =	simm.s32 @!p3 $0xFFFFFFF7;
	s5 =	smul.u32 $0x4925, s5  }
0x30: {  	p3 =	por !p4, !p4;
	s0 =	simm.s32 @p2 $0x0;
	p2 =	slt.u32 s20, $0x3  }
0x31: {  	s6 =	simm.s32 @!p3 $0x0;
	s9 =	sshrl.u32 s5, $0x1F;
	s5 =	sshra.s32 s5, $0x11  }
0x32: {  	s11 =	ssub.s32 s3, s6;
	s3 =	sadd.s32 s9, s5;
	s6 =	sadd.s32 $0x6, s10  }
0x33: {  	s10 =	sadd.s32 $0xFFF80000, s2;
	s11 =	simm.s32 @p6 $0x3D;
	s5 =	smul.u32 $0xFFFFFFF9, s3  }
0x34: {  	s6 =	smov.u32 @p2 s0;
	s3 =	sadd.s32 $0x3, s3;
	s11 =	simm.s32 @p5 $0x0  }
0x35: {  	s3 =	sand.u32 $0xFFFF, s3;
	p3 =	seq.s32 s11, $0x1;
	s5 =	sand.u32 $0xFFFF, s5  }
0x36: {  	p4 =	seq.s32 s11, $0x0;
	s13 =	smul.u32 $0xFFFFFFF9, s11;
	s8 =	simm.s32 @!p3 $0xFFFFFFF7  }
0x37: {  	p1 =	sne.s32 s5, s7;
	s7 =	simm.s32 $0x1;
	s5 =	sshra.s32 s16, $0x10  }
0x38: {  	s8 =	simm.s32 @p4 $0x0;
	p3 =	por !p5, !p1;
	s12 =	smul.u32 $0x4925, s5  }
0x39: {  	s5 =	sadd.s32 $0x6, s13;
	s13 =	sadd.s32 $0xFFF70000, s2;
	p2 =	por !p3, !p3  }
0x3a: {  	s13 =	sshra.s32 s13, $0x10;
	s7 =	simm.s32 @!p2 $0x0;
	p2 =	slt.u32 s11, $0x3  }
0x3b: {  	s18 =	sshrl.u32 s12, $0x1F;
	s19 =	sshra.s32 s12, $0x11;
	s12 =	sand.u32 $0xFFFE, s23  }
0x3c: {  	s24 =	smul.u32 $0x4925, s13;
	s13 =	sshra.s32 s10, $0x10;
	s16 =	ssub.s32 s3, s7  }
0x3d: {  	s5 =	smov.u32 @p2 s8;
	s0 =	sadd.s32 s18, s19;
	s3 =	simm.s32 $0xFFFFFFFC  }
0x3e: {  	s8 =	simm.s32 $0x1;
	s18 =	ssub.s32 $0x9, s14;
	s19 =	smul.u32 $0x4925, s13  }
0x3f: {  	s16 =	simm.s32 @p6 $0x3D;
	s21 =	smul.u32 $0xFFFFFFF9, s0;
	s0 =	sadd.s32 $0x3, s0  }
0x40: {  	s25 =	sshrl.u32 s24, $0x1F;
	s18 =	sand.u32 $0xFFFF, s18;
	s16 =	simm.s32 @p5 $0x1  }
0x41: {  	s0 =	sand.u32 $0xFFFF, s0;
	p2 =	seq.s32 s16, $0x1;
	s7 =	sand.u32 $0xFFFF, s21  }
0x42: {  	s22 =	smul.u32 $0xFFFFFFF9, s16;
	s3 =	simm.s32 @!p2 $0xFFFFFFF7;
	p4 =	sne.s32 s7, s12  }
0x43: {  	p2 =	slt.u32 s16, $0x3;
	s7 =	sshra.s32 s24, $0x11;
	s24 =	sadd.s32 $0xFFFA0000, s2  }
0x44: {  	s9 =	sadd.s32 $0x6, s22;
	p3 =	por !p5, !p4;
	s7 =	sadd.s32 s25, s7  }
0x45: {  	s22 =	ssub.s32 $0x8, s14;
	p3 =	por !p3, !p3;
	s26 =	smul.u32 $0xFFFFFFF9, s7  }
0x46: {  	s9 =	smov.u32 @p2 s3;
	s7 =	sadd.s32 $0x3, s7;
	s8 =	simm.s32 @!p3 $0x0  }
0x47: {  	s7 =	sand.u32 $0xFFFF, s7;
	s12 =	sand.u32 $0xFFFF, s26;
	s13 =	ssub.s32 s0, s8  }
0x48: {  	s26 =	sadd.s32 $0xFFFB0000, s2;
	p1 =	sne.s32 s12, s18;
	s12 =	sshrl.u32 s19, $0x1F  }
0x49: {  	s18 =	sshra.s32 s19, $0x11;
	s19 =	sadd.s32 $0xFFF90000, s2;
	p2 =	por !p5, !p1  }
0x4a: {  	s3 =	sadd.s32 s12, s18;
	s0 =	sshra.s32 s19, $0x10;
	s12 =	simm.s32 $0x1  }
0x4b: {  	s18 =	sand.u32 $0xFFFE, s22;
	s19 =	sshra.s32 s26, $0x10;
	s0 =	smul.u32 $0x4925, s0  }
0x4c: {  	s26 =	ssub.s32 $0x6, s14;
	p2 =	por !p2, !p2;
	s21 =	smul.u32 $0xFFFFFFF9, s3  }
0x4d: {  	s19 =	smul.u32 $0x4925, s19;
	s23 =	sshrl.u32 s0, $0x1F;
	s0 =	sshra.s32 s0, $0x11  }
0x4e: {  	s12 =	simm.s32 @!p2 $0x0;
	s8 =	sand.u32 $0xFFFF, s21;
	s0 =	sadd.s32 s23, s0  }
0x4f: {  	p2 =	sne.s32 s8, s18;
	s8 =	sshra.s32 s24, $0x10;
	s25 =	smul.u32 $0xFFFFFFF9, s0  }
0x50: {  	s21 =	ssub.s32 $0x7, s14;
	s22 =	sshra.s32 s19, $0x11;
	s8 =	smul.u32 $0x4925, s8  }
0x51: {  	s21 =	sand.u32 $0xFFFF, s21;
	p2 =	por !p5, !p2;
	s0 =	sadd.s32 $0x3, s0  }
0x52: {  	s0 =	sand.u32 $0xFFFF, s0;
	s18 =	sand.u32 $0xFFFF, s25;
	s10 =	sshrl.u32 s8, $0x1F  }
0x53: {  	s8 =	sshra.s32 s8, $0x11;
	s25 =	sadd.s32 $0xFFFC0000, s2;
	p3 =	sne.s32 s18, s21  }
0x54: {  	s24 =	sadd.s32 s10, s8;
	s21 =	sshrl.u32 s19, $0x1F;
	s8 =	sshra.s32 s25, $0x10  }
0x55: {  	s18 =	sand.u32 $0xFFFE, s26;
	s25 =	ssub.s32 $0x5, s14;
	s23 =	smul.u32 $0xFFFFFFF9, s24  }
0x56: {  	s28 =	sadd.s32 s21, s22;
	s8 =	smul.u32 $0x4925, s8;
	p3 =	por !p5, !p3  }
0x57: {  	s10 =	smul.u32 $0xFFFFFFF9, s28;
	s19 =	sand.u32 $0xFFFF, s23;
	s23 =	ssub.s32 s7, s12  }
0x58: {  	s26 =	sshrl.u32 s8, $0x1F;
	s8 =	sshra.s32 s8, $0x11;
	s12 =	sand.u32 $0xFFFF, s25  }
0x59: {  	p1 =	sne.s32 s19, s18;
	s22 =	sand.u32 $0xFFFF, s10;
	s29 =	sadd.s32 s26, s8  }
0x5a: {  	s10 =	sadd.s32 $0xFFFD0000, s2;
	s19 =	ssub.s32 $0x4, s14;
	s2 =	sadd.s32 $0xFFFE0000, s2  }
0x5b: {  	s7 =	simm.s32 @!p1 $0x0;
	s18 =	smul.u32 $0xFFFFFFF9, s29;
	s8 =	sshra.s32 s10, $0x10  }
0x5c: {  	s2 =	sshra.s32 s2, $0x10;
	s10 =	ssub.s32 $0x3, s14;
	s7 =	simm.s32 @p1 $0x1  }
0x5d: {  	p1 =	sne.s32 s22, s12;
	s8 =	smul.u32 $0x4925, s8;
	s12 =	sand.u32 $0xFFFE, s19  }
0x5e: {  	s2 =	smul.u32 $0x4925, s2;
	[smem:$0x7B2] =	sst s7;
	s7 =	simm.s32 @!p1 $0x0  }
0x5f: {  	s7 =	simm.s32 @p1 $0x1;
	s21 =	sshrl.u32 s8, $0x1F;
	s8 =	sshra.s32 s8, $0x11  }
0x60: {  	s25 =	sshrl.u32 s2, $0x1F;
	s2 =	sshra.s32 s2, $0x11;
	[smem:$0x7B3] =	sst s7  }
0x61: {  	s7 =	sand.u32 $0xFFFF, s18;
	s26 =	sadd.s32 s21, s8;
	s8 =	simm.s32 $0x3E  }
0x62: {  	s19 =	sadd.s32 s25, s2;
	s2 =	sand.u32 $0xFFFF, s10;
	s18 =	ssub.s32 $0x2, s14  }
0x63: {  	p1 =	sne.s32 s7, s12;
	s22 =	smul.u32 $0xFFFFFFF9, s26;
	s8 =	simm.s32 @!p0 $0x3D  }
0x64: {  	s12 =	smul.u32 $0xFFFFFFF9, s19;
	s7 =	simm.s32 @!p1 $0x0;
	s13 =	smov.u32 @p6 s8  }
0x65: {  	s23 =	smov.u32 @p6 s8;
	s8 =	sand.u32 $0xFFFE, s18;
	s18 =	smax.u32 s15, $0x3  }
0x66: {  	s7 =	simm.s32 @p1 $0x1;
	s13 =	simm.s32 @p5 $0x1;
	s21 =	sand.u32 $0xFFFF, s12  }
0x67: {  	s23 =	simm.s32 @p5 $0x1;
	s12 =	sadd.s32 $0xFFFFFFFD, s15;
	[smem:$0x7B5] =	sst s7  }
0x68: {  	s7 =	sand.u32 $0xFFFF, s22;
	p1 =	seq.s32 s13, $0x3E;
	p4 =	sne.s32 s21, s8  }
0x69: {  	s22 =	smul.u32 $0xFFFFFFF9, s13;
	p0 =	sne.s32 s7, s2;
	s8 =	simm.s32 @!p4 $0x0  }
0x6a: {  	s7 =	simm.s32 $0xFFFFFFFC;
	s2 =	simm.s32 @!p0 $0x0;
	s8 =	simm.s32 @p4 $0x1  }
0x6b: {  	s2 =	simm.s32 @p0 $0x1;
	p0 =	seq.s32 s13, $0x1;
	[smem:$0x7B7] =	sst s8  }
0x6c: {  	s8 =	sadd.s32 $0x6, s22;
	[smem:$0x7B6] =	sst s2;
	s2 =	simm.s32 $0xFFFFFE55  }
0x6d: {  	s7 =	simm.s32 @!p0 $0xFFFFFFF7;
	p0 =	slt.u32 s13, $0x3E;
	s2 =	simm.s32 @!p1 $0xFFFFFE50  }
0x6e: {  	s25 =	smul.u32 $0xFFFFFFF9, s23;
	s2 =	smov.u32 @p0 s8;
	p0 =	slt.u32 s13, $0x3  }
0x6f: {  	s2 =	smov.u32 @p0 s7;
	s7 =	simm.s32 $0xFFFFFE55;
	p0 =	seq.s32 s23, $0x3E  }
0x70: {  	s8 =	sadd.s32 $0x6, s25;
	s7 =	simm.s32 @!p0 $0xFFFFFE50;
	p0 =	slt.u32 s23, $0x3E  }
0x71: {  	s7 =	smov.u32 @p0 s8;
	s8 =	simm.s32 $0xFFFFFFFC;
	p0 =	seq.s32 s23, $0x1  }
0x72: {  	s21 =	sadd.s32 $0xFFFFFFFD, s20;
	s8 =	simm.s32 @!p0 $0xFFFFFFF7;
	p0 =	slt.u32 s23, $0x3  }
0x73: {  	s7 =	smov.u32 @p0 s8;
	p0 =	sgt.s32 s12, $0x0;
	s8 =	sadd.s32 $0xFFFFFFFD, s17  }
0x74: {  	s17 =	ssub.s32 s17, s15;
	s12 =	simm.s32 @!p0 $0x0;
	p0 =	sgt.s32 s8, $0x0  }
0x75: {  	s17 =	smul.u32 $0x6000, s17;
	s8 =	simm.s32 @!p0 $0x0;
	p0 =	sgt.s32 s21, $0x0  }
0x76: {  	s22 =	sadd.s32 s14, s12;
	s12 =	ssub.s32 $0x3, s18;
	s21 =	simm.s32 @!p0 $0x0  }
0x77: {  	s22 =	sadd.s32 s12, s22;
	s8 =	sadd.s32 s30, s8;
	p0 =	por !p2, !p2  }
0x78: {  	s25 =	sadd.s32 s21, s14;
	s1 =	sadd.s32 s1, s22;
	s8 =	sadd.s32 s12, s8  }
0x79: {  	s22 =	sadd.s32 $0x3, s3;
	s3 =	simm.s32 $0x1;
	[smem:$0x7B8] =	sst s1  }
0x7a: {  	s10 =	sadd.s32 s12, s25;
	s1 =	sadd.s32 s4, s8;
	s3 =	simm.s32 @!p0 $0x0  }
0x7b: {  	s4 =	sadd.s32 $0xFFFFFFFD, s11;
	[smem:$0x7B9] =	sst s1;
	s21 =	sadd.s32 s6, s10  }
0x7c: {  	s1 =	sand.u32 $0xFFFF, s22;
	p0 =	sgt.s32 s4, $0x0;
	[smem:$0x7BA] =	sst s21  }
0x7d: {  	s31 =	ssub.s32 s1, s3;
	s3 =	sadd.s32 $0xFFFFFFFD, s16;
	s4 =	simm.s32 @!p0 $0x0  }
0x7e: {  	s1 =	simm.s32 $0xFFFFFE55;
	s21 =	sld [smem:$0x7B2];
	s31 =	simm.s32 @p6 $0x3E  }
0x7f: {  	p0 =	sgt.s32 s3, $0x0;
	s4 =	sadd.s32 s4, s14;
	s31 =	simm.s32 @p5 $0x1  }
0x80: {  	s3 =	simm.s32 @!p0 $0x0;
	s4 =	sadd.s32 s12, s4;
	p0 =	seq.s32 s31, $0x3E  }
0x81: {  	s25 =	smul.u32 $0xFFFFFFF9, s31;
	s3 =	sadd.s32 s3, s14;
	s4 =	sadd.s32 s5, s4  }
0x82: {  	p1 =	seq.s32 s31, $0x1;
	s5 =	sadd.s32 $0xFFFFFFFD, s13;
	p4 =	seq.s32 s21, $0x1  }
0x83: {  	s21 =	sld [smem:$0x7B4];
	s1 =	simm.s32 @!p0 $0xFFFFFE50;
	s3 =	sadd.s32 s12, s3  }
0x84: {  	p0 =	slt.u32 s31, $0x3E;
	[smem:$0x7BB] =	sst s4;
	s4 =	simm.s32 $0x1  }
0x85: {  	s6 =	sadd.s32 $0x6, s25;
	s3 =	sadd.s32 s9, s3;
	s25 =	sadd.s32 $0x3, s24  }
0x86: {  	[smem:$0x7BC] =	sst s3;
	s1 =	smov.u32 @p0 s6;
	s3 =	simm.s32 $0xFFFFFFFC  }
0x87: {  	p0 =	por !p3, !p3;
	s3 =	simm.s32 @!p1 $0xFFFFFFF7;
	p1 =	slt.u32 s31, $0x3  }
0x88: {  	s4 =	simm.s32 @!p0 $0x0;
	p0 =	sgt.s32 s5, $0x0;
	s1 =	smov.u32 @p1 s3  }
0x89: {  	s6 =	ssub.s32 s0, s4;
	s5 =	simm.s32 @!p0 $0x0;
	s3 =	sadd.s32 $0xFFFFFFFD, s23  }
0x8a: {  	s4 =	simm.s32 $0xFFFFFE55;
	s8 =	sadd.s32 s5, s14;
	s6 =	simm.s32 @p6 $0x3E  }
0x8b: {  	p0 =	sgt.s32 s3, $0x0;
	s5 =	simm.s32 $0x1;
	s0 =	sadd.s32 s12, s8  }
0x8c: {  	s6 =	simm.s32 @p5 $0x1;
	s3 =	simm.s32 @!p0 $0x0;
	s8 =	sld [smem:$0x7B3]  }
0x8d: {  	s22 =	sadd.s32 s2, s0;
	s9 =	smul.u32 $0xFFFFFFF9, s6;
	s10 =	sadd.s32 s3, s14  }
0x8e: {  	p0 =	seq.s32 s6, $0x3E;
	p1 =	slt.u32 s6, $0x3E;
	s3 =	simm.s32 $0xFFFFFFFC  }
0x8f: {  	s4 =	simm.s32 @!p0 $0xFFFFFE50;
	s2 =	sadd.s32 s12, s10;
	p0 =	seq.s32 s6, $0x1  }
0x90: {  	s0 =	sadd.s32 $0x6, s9;
	s2 =	sadd.s32 s7, s2;
	s3 =	simm.s32 @!p0 $0xFFFFFFF7  }
0x91: {  	p0 =	slt.u32 s6, $0x3;
	s9 =	sadd.s32 $0x3, s28;
	[smem:$0x7C1] =	sst s2  }
0x92: {  	s4 =	smov.u32 @p1 s0;
	s0 =	sadd.s32 $0xFFFFFFFD, s31;
	s2 =	sadd.s32 $0xFFFFFFFD, s6  }
0x93: {  	s4 =	smov.u32 @p0 s3;
	p0 =	sgt.s32 s0, $0x0;
	p1 =	sgt.s32 s2, $0x0  }
0x94: {  	s3 =	sand.u32 $0xFFFF, s25;
	s0 =	simm.s32 @!p0 $0x0;
	s2 =	simm.s32 @!p1 $0x0  }
0x95: {  	p0 =	por !p5, !p4;
	p1 =	seq.s32 s8, $0x1;
	s8 =	simm.s32 $0xFFFFFE55  }
0x96: {  	p0 =	por !p0, !p0;
	s0 =	sadd.s32 s0, s14;
	s2 =	sadd.s32 s2, s14  }
0x97: {  	s5 =	simm.s32 @!p0 $0x0;
	s0 =	sadd.s32 s12, s0;
	s7 =	sadd.s32 s12, s2  }
0x98: {  	p0 =	por !p5, !p1;
	s2 =	simm.s32 $0xFFFFFE55;
	s5 =	ssub.s32 s3, s5  }
0x99: {  	s24 =	sadd.s32 s1, s0;
	s25 =	sadd.s32 s4, s7;
	p0 =	por !p0, !p0  }
0x9a: {  	s1 =	simm.s32 $0x1;
	s4 =	sld [smem:$0x7B5];
	s5 =	simm.s32 @p6 $0x3E  }
0x9b: {  	s0 =	sand.u32 $0xFFFF, s9;
	s1 =	simm.s32 @!p0 $0x0;
	s5 =	simm.s32 @p5 $0x2  }
0x9c: {  	s7 =	simm.s32 $0x3F;
	s9 =	ssub.s32 s0, s1;
	p0 =	seq.s32 s5, $0x3E  }
0x9d: {  	s10 =	smul.u32 $0xFFFFFFF9, s5;
	s1 =	sadd.s32 $0xFFFFFFFD, s5;
	p2 =	seq.s32 s4, $0x1  }
0x9e: {  	s4 =	rddreg [dreg:$0x1];
	s2 =	simm.s32 @!p0 $0xFFFFFE50;
	p0 =	seq.s32 s21, $0x1  }
0x9f: {  	s7 =	simm.s32 @!p0 $0x3E;
	p0 =	slt.u32 s5, $0x3E;
	s0 =	sadd.s32 $0x6, s10  }
0xa0: {  	s10 =	sadd.s32 $0x3, s29;
	s2 =	smov.u32 @p0 s0;
	p0 =	sgt.s32 s1, $0x0  }
0xa1: {  	s9 =	smov.u32 @p6 s7;
	s1 =	simm.s32 @!p0 $0x0;
	p0 =	slt.u32 s5, $0x3  }
0xa2: {  	s9 =	simm.s32 @p5 $0x2;
	s5 =	ssub.s32 s5, s15;
	s1 =	sadd.s32 s1, s14  }
0xa3: {  	s2 =	simm.s32 @p0 $0xFFFFFFF7;
	s3 =	smul.u32 $0xFFFFFFF9, s9;
	p0 =	seq.s32 s9, $0x3E  }
0xa4: {  	s29 =	sadd.s32 $0xFFFFFFFD, s9;
	s5 =	smul.u32 $0x6000, s5;
	s0 =	sadd.s32 s12, s1  }
0xa5: {  	s8 =	simm.s32 @!p0 $0xFFFFFE50;
	p0 =	slt.u32 s9, $0x3E;
	s1 =	sadd.s32 $0x6, s3  }
0xa6: {  	s28 =	sadd.s32 s2, s0;
	s2 =	simm.s32 $0x1;
	s0 =	sand.u32 $0xFFFF, s10  }
0xa7: {  	s10 =	smul.u32 $0x700, s14;
	s8 =	smov.u32 @p0 s1;
	p0 =	por !p5, !p2  }
0xa8: {  	s5 =	sshra.s32 s5, $0x2;
	s1 =	simm.s32 $0x0;
	p0 =	por !p0, !p0  }
0xa9: {  	s5 =	sor.u32 $0x180, s5;
	[smem:$0x7FF] =	sst s1;
	s2 =	simm.s32 @!p0 $0x0  }
0xaa: {  	p0 =	sgt.s32 s29, $0x0;
	s0 =	ssub.s32 s0, s2;
	s2 =	rddreg [dreg:$0x0]  }
0xab: {  	s29 =	simm.s32 @!p0 $0x0;
	p0 =	slt.u32 s9, $0x3;
	s9 =	ssub.s32 s9, s15  }
0xac: {  	s0 =	smov.u32 @p6 s7;
	s21 =	sadd.s32 s29, s14;
	s29 =	rddreg [dreg:$0x2]  }
0xad: {  	s8 =	simm.s32 @p0 $0xFFFFFFF7;
	_ =	strace $0x80000047;
	[dreg:$0x11] =	wrdreg s5  }
0xae: {  	s5 =	smul.u32 $0x6000, s9;
	s7 =	sadd.s32 s12, s21;
	s0 =	simm.s32 @p5 $0x2  }
0xaf: {  	s21 =	sadd.s32 s8, s7;
	s3 =	smul.u32 $0xFFFFFFF9, s0  }
0xb0: {  	p0 =	seq.s32 s0, $0x3E;
	s8 =	simm.s32 $0xFFFFFE55;
	s5 =	sshra.s32 s5, $0x2  }
0xb1: {  	s8 =	simm.s32 @!p0 $0xFFFFFE50;
	p0 =	slt.u32 s0, $0x3E;
	s5 =	sor.u32 $0x180, s5  }
0xb2: {  	s7 =	sadd.s32 $0x6, s3;
	s3 =	sadd.s32 s29, s10;
	[dreg:$0x13] =	wrdreg s5  }
0xb3: {  	s8 =	smov.u32 @p0 s7;
	[dreg:$0x4] =	wrdreg s3;
	s3 =	ssub.s32 s20, s15  }
0xb4: {  	s7 =	ssub.s32 s11, s15;
	s20 =	sshra.s32 s17, $0x2;
	s3 =	smul.u32 $0x6000, s3  }
0xb5: {  	s11 =	sor.u32 $0x180, s20;
	s7 =	smul.u32 $0x6000, s7;
	s20 =	sadd.s32 $0xE00, s10  }
0xb6: {  	[dreg:$0x5] =	wrdreg s11;
	s17 =	sadd.s32 s29, s20;
	s3 =	sshra.s32 s3, $0x2  }
0xb7: {  	[dreg:$0x6] =	wrdreg s17;
	s7 =	sshra.s32 s7, $0x2;
	s3 =	sor.u32 $0x180, s3  }
0xb8: {  	s11 =	sor.u32 $0x180, s7;
	[dreg:$0x7] =	wrdreg s3  }
0xb9: {  	s17 =	sadd.s32 $0x1C00, s10;
	[dreg:$0x8] =	wrdreg s11  }
0xba: {  	s3 =	ssub.s32 s16, s15;
	s16 =	sadd.s32 s29, s17;
	s11 =	sld [smem:$0x7B6]  }
0xbb: {  	[dreg:$0x9] =	wrdreg s16;
	s3 =	smul.u32 $0x6000, s3;
	s16 =	ssub.s32 s13, s15  }
0xbc: {  	s13 =	sadd.s32 $0x3, s26;
	s7 =	smul.u32 $0x6000, s16;
	s16 =	ssub.s32 s23, s15  }
0xbd: {  	s23 =	ssub.s32 s31, s15;
	p3 =	seq.s32 s11, $0x1;
	s11 =	sand.u32 $0xFFFF, s13  }
0xbe: {  	s3 =	sshra.s32 s3, $0x2;
	s13 =	simm.s32 $0x1;
	s26 =	smul.u32 $0x6000, s23  }
0xbf: {  	p0 =	por !p5, !p3;
	s3 =	sor.u32 $0x180, s3;
	s7 =	sshra.s32 s7, $0x2  }
0xc0: {  	p0 =	por !p0, !p0;
	[dreg:$0xa] =	wrdreg s3;
	s3 =	smul.u32 $0x6000, s16  }
0xc1: {  	s7 =	sor.u32 $0x180, s7;
	s26 =	sshra.s32 s26, $0x2;
	s13 =	simm.s32 @!p0 $0x0  }
0xc2: {  	[dreg:$0xb] =	wrdreg s7;
	s11 =	ssub.s32 s11, s13;
	s13 =	sadd.s32 $0x2A00, s10  }
0xc3: {  	s16 =	sor.u32 $0x180, s26;
	s3 =	sshra.s32 s3, $0x2;
	s23 =	sadd.s32 s29, s13  }
0xc4: {  	s3 =	sor.u32 $0x180, s3;
	[dreg:$0xc] =	wrdreg s23;
	s23 =	ssub.s32 s6, s15  }
0xc5: {  	[dreg:$0xd] =	wrdreg s3;
	s3 =	smul.u32 $0x6000, s23;
	s23 =	sadd.s32 $0x3800, s10  }
0xc6: {  	[dreg:$0xe] =	wrdreg s16;
	s26 =	sadd.s32 s29, s23  }
0xc7: {  	s11 =	simm.s32 @p6 $0x3F;
	[dreg:$0xf] =	wrdreg s26  }
0xc8: {  	s11 =	simm.s32 @p5 $0x2;
	s26 =	sld [smem:$0x7B7]  }
0xc9: {  	s6 =	simm.s32 $0xFFFFFE55;
	p0 =	seq.s32 s11, $0x3E;
	s7 =	smul.u32 $0xFFFFFFF9, s11  }
0xca: {  	s6 =	simm.s32 @!p0 $0xFFFFFE50;
	p0 =	slt.u32 s11, $0x3E;
	s3 =	sshra.s32 s3, $0x2  }
0xcb: {  	s7 =	sadd.s32 $0x6, s7;
	s3 =	sor.u32 $0x180, s3;
	p4 =	seq.s32 s26, $0x1  }
0xcc: {  	s6 =	smov.u32 @p0 s7;
	s7 =	simm.s32 $0x1;
	p1 =	por !p5, !p4  }
0xcd: {  	[dreg:$0x10] =	wrdreg s3;
	s26 =	sadd.s32 $0x3, s19;
	p0 =	por !p1, !p1  }
0xce: {  	s19 =	sadd.s32 $0x4600, s10;
	s3 =	sand.u32 $0xFFFF, s26;
	s7 =	simm.s32 @!p0 $0x0  }
0xcf: {  	s16 =	sadd.s32 s29, s19;
	s7 =	ssub.s32 s3, s7;
	s3 =	sadd.s32 $0xFFFFFFFD, s0  }
0xd0: {  	[dreg:$0x12] =	wrdreg s16;
	p0 =	sgt.s32 s3, $0x0;
	s7 =	simm.s32 @p6 $0x3F  }
0xd1: {  	s3 =	simm.s32 @!p0 $0x0;
	p0 =	slt.u32 s0, $0x3;
	s0 =	ssub.s32 s0, s15  }
0xd2: {  	s7 =	simm.s32 @p5 $0x2;
	s3 =	sadd.s32 s3, s14;
	s8 =	simm.s32 @p0 $0xFFFFFFF7  }
0xd3: {  	s26 =	smul.u32 $0x6000, s0;
	s16 =	ssub.s32 s7, s15;
	p0 =	slt.u32 s11, $0x3  }
0xd4: {  	p2 =	slt.u32 s7, $0x3E;
	s3 =	sadd.s32 s12, s3;
	s6 =	simm.s32 @p0 $0xFFFFFFF7  }
0xd5: {  	s0 =	sadd.s32 s8, s3;
	s5 =	sshra.s32 s26, $0x2;
	s8 =	ssub.s32 s11, s15  }
0xd6: {  	s3 =	sadd.s32 $0x5400, s10;
	s9 =	sor.u32 $0x180, s5;
	s5 =	smul.u32 $0x6000, s8  }
0xd7: {  	s26 =	sadd.s32 s29, s3;
	s8 =	smul.u32 $0x6000, s16;
	[dreg:$0x14] =	wrdreg s9  }
0xd8: {  	p0 =	slt.u32 s7, $0x3;
	s0 =	smul.u32 $0x6000, s0;
	[dreg:$0x15] =	wrdreg s26  }
0xd9: {  	s9 =	sadd.s32 $0xFFFFFFFD, s11;
	s11 =	sld [smem:$0x7B8];
	s5 =	sshra.s32 s5, $0x2  }
0xda: {  	p1 =	sgt.s32 s9, $0x0;
	s8 =	sshra.s32 s8, $0x2;
	s0 =	sadd.s32 $0x42000, s0  }
0xdb: {  	s5 =	sor.u32 $0x180, s5;
	s8 =	sor.u32 $0x180, s8;
	s9 =	simm.s32 @!p1 $0x0  }
0xdc: {  	p1 =	seq.s32 s7, $0x3E;
	s0 =	sshra.s32 s0, $0x2;
	[dreg:$0x16] =	wrdreg s5  }
0xdd: {  	s5 =	sadd.s32 $0x180, s29;
	[dreg:$0x17] =	wrdreg s8;
	s0 =	sadd.s32 $0x6180, s0  }
0xde: {  	s16 =	smul.u32 $0x6000, s11;
	s26 =	sadd.s32 s10, s5;
	[smem:$0x7CD] =	sst s0  }
0xdf: {  	s10 =	sadd.s32 s9, s14;
	s20 =	sadd.s32 s20, s5;
	[dreg:$0x18] =	wrdreg s26  }
0xe0: {  	s11 =	sshra.s32 s16, $0x2;
	s8 =	sadd.s32 s12, s10;
	s16 =	smul.u32 $0x3800, s30  }
0xe1: {  	s10 =	simm.s32 $0xFFFFFE55;
	s26 =	smul.u32 $0xFFFFFFF9, s7;
	[dreg:$0x1c] =	wrdreg s20  }
0xe2: {  	s20 =	sld [smem:$0x7BC];
	s9 =	sadd.s32 $0x6180, s11;
	s6 =	sadd.s32 s6, s8  }
0xe3: {  	s11 =	sadd.s32 $0xFFFFFFFD, s7;
	[dreg:$0x19] =	wrdreg s9;
	s8 =	sshrl.u32 s16, $0x3  }
0xe4: {  	s10 =	simm.s32 @!p1 $0xFFFFFE50;
	s16 =	sld [smem:$0x7B9];
	s7 =	sadd.s32 s29, s8  }
0xe5: {  	p1 =	sgt.s32 s11, $0x0;
	s8 =	sadd.s32 $0x6, s26;
	s26 =	sadd.s32 $0x180, s7  }
0xe6: {  	s11 =	simm.s32 @!p1 $0x0;
	[dreg:$0x1a] =	wrdreg s26  }
0xe7: {  	s11 =	sadd.s32 s11, s14;
	s14 =	smul.u32 $0x3800, s14;
	s26 =	sld [smem:$0x7BA]  }
0xe8: {  	s10 =	smov.u32 @p2 s8;
	s9 =	smul.u32 $0x6000, s16;
	s16 =	sld [smem:$0x7BB]  }
0xe9: {  	s11 =	sadd.s32 s12, s11;
	s12 =	smul.u32 $0x6000, s22;
	s22 =	sadd.s32 s17, s5  }
0xea: {  	s10 =	simm.s32 @p0 $0xFFFFFFF7;
	[smem:$0x7BD] =	sst s22;
	s9 =	sshra.s32 s9, $0x2  }
0xeb: {  	s22 =	sld [smem:$0x7C1];
	s8 =	smul.u32 $0x6000, s26;
	s9 =	sadd.s32 $0x6180, s9  }
0xec: {  	s12 =	sadd.s32 $0x1E000, s12;
	[dreg:$0x1b] =	wrdreg s9;
	s9 =	smul.u32 $0x6000, s16  }
0xed: {  	s26 =	sadd.s32 $0xA800, s14;
	s12 =	sshra.s32 s12, $0x2;
	s8 =	sadd.s32 $0xC000, s8  }
0xee: {  	s26 =	sshrl.u32 s26, $0x3;
	s8 =	sshra.s32 s8, $0x2;
	s9 =	sadd.s32 $0x12000, s9  }
0xef: {  	s16 =	smul.u32 $0x6000, s20;
	s8 =	sadd.s32 $0x6180, s8;
	s9 =	sshra.s32 s9, $0x2  }
0xf0: {  	[dreg:$0x1d] =	wrdreg s8;
	s8 =	sadd.s32 s29, s26;
	s9 =	sadd.s32 $0x6180, s9  }
0xf1: {  	s20 =	sadd.s32 $0x18000, s16;
	s26 =	sadd.s32 $0x180, s8;
	[dreg:$0x1f] =	wrdreg s9  }
0xf2: {  	s9 =	sshra.s32 s20, $0x2;
	s20 =	sadd.s32 $0x6180, s12;
	[dreg:$0x1e] =	wrdreg s26  }
0xf3: {  	s26 =	sadd.s32 $0x11800, s14;
	s9 =	sadd.s32 $0x6180, s9;
	[smem:$0x7C0] =	sst s20  }
0xf4: {  	s20 =	sadd.s32 s13, s5;
	s17 =	sshrl.u32 s26, $0x3;
	[smem:$0x7BE] =	sst s9  }
0xf5: {  	s26 =	smul.u32 $0x6000, s22;
	[smem:$0x7C2] =	sst s20;
	s22 =	sadd.s32 $0x18800, s14  }
0xf6: {  	s20 =	smul.u32 $0x6000, s25;
	s25 =	sadd.s32 $0x26800, s14;
	s9 =	sadd.s32 s29, s17  }
0xf7: {  	s17 =	sadd.s32 s10, s11;
	s10 =	sshrl.u32 s22, $0x3;
	s22 =	smul.u32 $0x6000, s28  }
0xf8: {  	s13 =	sshrl.u32 s25, $0x3;
	s16 =	sadd.s32 $0x180, s9;
	s10 =	sadd.s32 s29, s10  }
0xf9: {  	s12 =	sadd.s32 $0x24000, s26;
	s20 =	sadd.s32 $0x30000, s20;
	[smem:$0x7BF] =	sst s16  }
0xfa: {  	s16 =	smul.u32 $0x6000, s24;
	s24 =	sadd.s32 $0x1F800, s14;
	s14 =	sadd.s32 $0x2D800, s14  }
0xfb: {  	s26 =	sshra.s32 s12, $0x2;
	s12 =	sadd.s32 s29, s13;
	s20 =	sshra.s32 s20, $0x2  }
0xfc: {  	s11 =	sshrl.u32 s24, $0x3;
	s14 =	sshrl.u32 s14, $0x3;
	s25 =	sadd.s32 $0x6180, s26  }
0xfd: {  	s26 =	sadd.s32 $0x180, s10;
	s24 =	sadd.s32 $0x36000, s22;
	[smem:$0x7C3] =	sst s25  }
0xfe: {  	s22 =	sadd.s32 s3, s5;
	s13 =	sadd.s32 s29, s14;
	[smem:$0x7C4] =	sst s26  }
0xff: {  	s14 =	smul.u32 $0x6000, s21;
	s21 =	sadd.s32 s23, s5;
	[smem:$0x7CE] =	sst s22  }
0x100: {  	s23 =	sadd.s32 $0x6180, s20;
	[smem:$0x7C6] =	sst s21  }
0x101: {  	s11 =	sadd.s32 s29, s11;
	s22 =	simm.s32 $0x3180;
	[smem:$0x7C7] =	sst s23  }
0x102: {  	s20 =	sshra.s32 s24, $0x2;
	s25 =	sadd.s32 $0x180, s11;
	[smem:$0x7D9] =	sst s22  }
0x103: {  	s6 =	smul.u32 $0x6000, s6;
	s26 =	sadd.s32 $0x6180, s20;
	[smem:$0x7C8] =	sst s25  }
0x104: {  	s20 =	sadd.s32 s19, s5;
	[smem:$0x7C9] =	sst s26  }
0x105: {  	s6 =	sadd.s32 $0x48000, s6;
	s21 =	sadd.s32 $0x180, s12;
	[smem:$0x7CA] =	sst s20  }
0x106: {  	s23 =	sshra.s32 s6, $0x2;
	s6 =	simm.s32 $0x980;
	[smem:$0x7CC] =	sst s21  }
0x107: {  	s16 =	sadd.s32 $0x2A000, s16;
	s19 =	simm.s32 $0x2180;
	[smem:$0x7D2] =	sst s6  }
0x108: {  	s16 =	sshra.s32 s16, $0x2;
	s22 =	simm.s32 $0x8580;
	[smem:$0x7D6] =	sst s19  }
0x109: {  	s16 =	sadd.s32 $0x6180, s16;
	[smem:$0x7E7] =	sst s22  }
0x10a: {  	s17 =	smul.u32 $0x6000, s17;
	s24 =	sadd.s32 $0x6180, s23;
	[smem:$0x7C5] =	sst s16  }
0x10b: {  	s26 =	sadd.s32 $0x180, s13;
	[smem:$0x7CF] =	sst s24  }
0x10c: {  	s25 =	sadd.s32 $0x4E000, s17;
	s17 =	simm.s32 $0x1980;
	[smem:$0x7D0] =	sst s26  }
0x10d: {  	s20 =	simm.s32 $0x2580;
	[smem:$0x7D5] =	sst s17  }
0x10e: {  	s21 =	simm.s32 $0x2D80;
	[smem:$0x7D7] =	sst s20  }
0x10f: {  	s23 =	simm.s32 $0x3980;
	[smem:$0x7D8] =	sst s21  }
0x110: {  	s6 =	simm.s32 $0x5D80;
	[smem:$0x7DA] =	sst s23  }
0x111: {  	s19 =	simm.s32 $0x7580;
	[smem:$0x7E0] =	sst s6  }
0x112: {  	s22 =	simm.s32 $0xC980;
	[smem:$0x7E4] =	sst s19  }
0x113: {  	s16 =	simm.s32 $0x1580;
	[smem:$0x7F3] =	sst s22  }
0x114: {  	s24 =	simm.s32 $0x3D80;
	[smem:$0x7D4] =	sst s16  }
0x115: {  	s3 =	sshra.s32 s25, $0x2;
	s25 =	simm.s32 $0x4580;
	[smem:$0x7DB] =	sst s24  }
0x116: {  	s26 =	simm.s32 $0x4980;
	[smem:$0x7DC] =	sst s25  }
0x117: {  	s17 =	simm.s32 $0x6D80;
	[smem:$0x7DD] =	sst s26  }
0x118: {  	s20 =	simm.s32 $0x7980;
	[smem:$0x7E3] =	sst s17  }
0x119: {  	s21 =	simm.s32 $0x8180;
	[smem:$0x7E5] =	sst s20  }
0x11a: {  	s23 =	simm.s32 $0x8D80;
	[smem:$0x7E6] =	sst s21  }
0x11b: {  	s14 =	sadd.s32 $0x3C000, s14;
	s6 =	simm.s32 $0xA580;
	[smem:$0x7E8] =	sst s23  }
0x11c: {  	s14 =	sshra.s32 s14, $0x2;
	s19 =	simm.s32 $0xB580;
	[smem:$0x7ED] =	sst s6  }
0x11d: {  	s14 =	sadd.s32 $0x6180, s14;
	[smem:$0x7F0] =	sst s19  }
0x11e: {  	s5 =	sadd.s32 $0x6180, s3;
	[smem:$0x7CB] =	sst s14  }
0x11f: {  	s3 =	simm.s32 $0x5180;
	[smem:$0x7D1] =	sst s5  }
0x120: {  	s16 =	simm.s32 $0x6980;
	[smem:$0x7DE] =	sst s3  }
0x121: {  	s24 =	simm.s32 $0x9180;
	[smem:$0x7E2] =	sst s16  }
0x122: {  	s25 =	simm.s32 $0x9980;
	[smem:$0x7E9] =	sst s24  }
0x123: {  	s26 =	simm.s32 $0x9D80;
	[smem:$0x7EA] =	sst s25  }
0x124: {  	s17 =	simm.s32 $0xB180;
	[smem:$0x7EC] =	sst s26  }
0x125: {  	s20 =	simm.s32 $0xBD80;
	[smem:$0x7EF] =	sst s17  }
0x126: {  	s31 =	simm.s32 $0x1C00;
	s21 =	simm.s32 $0xC180;
	[smem:$0x7F1] =	sst s20  }
0x127: {  	s30 =	simm.s32 $0xC00;
	s14 =	simm.s32 $0xD80;
	[smem:$0x7F2] =	sst s21  }
0x128: {  	s28 =	simm.s32 $0x14580;
	s5 =	simm.s32 $0x5580;
	[smem:$0x7D3] =	sst s14  }
0x129: {  	s29 =	simm.s32 $0x14D80;
	s22 =	smin.u32 s18, $0x3C;
	[smem:$0x7DF] =	sst s5  }
0x12a: {  	s6 =	simm.s32 $0x1;
	s16 =	simm.s32 $0xA980;
	s5 =	sld [smem:$0x7EB]  }
0x12b: {  	s23 =	smin.u32 s15, $0x3C;
	s24 =	simm.s32 $0xCD80;
	[smem:$0x7EE] =	sst s16  }
0x12c: {  	s19 =	sadd.s32 $0xFFFFFFFE, s18;
	s25 =	simm.s32 $0xD580;
	[smem:$0x7F4] =	sst s24  }
0x12d: {  	s17 =	sadd.s32 $0x3, s23;
	s26 =	simm.s32 $0xD980;
	[smem:$0x7F5] =	sst s25  }
0x12e: {  	s20 =	sadd.s32 $0xFFFFFFFF, s18;
	s21 =	simm.s32 $0xE180;
	[smem:$0x7F6] =	sst s26  }
0x12f: {  	s23 =	simm.s32 $0xE580;
	s14 =	simm.s32 $0x6180;
	[smem:$0x7F7] =	sst s21  }
0x130: {  	v16 =	vlaneseq.u32;
	s16 =	sadd.s32 $0x2, s15;
	s21 =	sadd.s32 $0x3, s22;
	[smem:$0x7F8] =	sst s23  }
0x131: {  	v13 =	vmul.u32 $0x40, v16;
	s24 =	simm.s32 $0xED80;
	s25 =	smin.u32 s18, $0x3B;
	[smem:$0x7E1] =	sst s14  }
0x132: {  	s26 =	simm.s32 $0xF180;
	s22 =	simm.s32 $0xF980;
	[smem:$0x7F9] =	sst s24  }
0x133: {  	v3 =	vadd.s32 s17, v13;
	s17 =	simm.s32 $0x180;
	v6 =	vadd.s32 s20, v13;
	s20 =	simm.s32 $0x11D80;
	[smem:$0x7FA] =	sst s26  }
0x134: {  	s23 =	sadd.s32 $0x4, s25;
	s24 =	smin.u32 s18, $0x3A;
	[smem:$0x7FB] =	sst s22  }
0x135: {  	s25 =	simm.s32 $0xFD80;
	s26 =	smin.u32 s18, $0x39;
	s22 =	sadd.s32 $0x1, s18  }
0x136: {  	v10 =	vadd.s32 s21, v13;
	s21 =	simm.s32 $0x12180;
	s24 =	sadd.s32 $0x5, s24;
	[smem:$0x7FC] =	sst s25  }
0x137: {  	vm0 =	vmmov $0xffff;
	vm1 =	vmmov $0xff;
	s0 =	sadd.s32 $0x6, s26;
	s25 =	sadd.s32 $0x2, s18;
	s26 =	simm.s32 $0x10580  }
0x138: {  	v15 =	vshrl.u32 v16, $0x3;
	v8 =	vadd.s32 s22, v13;
	s22 =	simm.s32 $0x12980;
	v11 =	vadd.s32 s23, v13;
	s23 =	simm.s32 $0x12D80;
	s3 =	ssub.s32 $0x2, s5  }
0x139: {  	v14 =	vand.u32 $0x7, v16;
	v16 =	vor.u32 $0x8, v16;
	v0 =	vadd.s32 s15, v13;
	s5 =	sadd.s32 $0x1, s15;
	s15 =	sadd.s32 $0x100, s4;
	[smem:$0x7FD] =	sst s26  }
0x13a: {  	v15 =	vmul.u32 $0x8, v15;
	v9 =	vadd.s32 s25, v13;
	v12 =	vadd.s32 s24, v13;
	s24 =	simm.s32 $0x13580;
	s25 =	simm.s32 $0x13980;
	s14 =	sshrl.u32 s3, $0x1  }
0x13b: {  	v7 =	vor.u32 s18, v13;
	v5 =	vadd.s32 s19, v13;
	v2 =	vadd.s32 s16, v13;
	s26 =	simm.s32 $0x14180;
	s3 =	ssub.s32 s3, s14;
	s14 =	sadd.s32 $0xFFFFFFFD, s18  }
0x13c: {  	v1 =	vadd.s32 s5, v13;
	s5 =	sadd.s32 $0x100, s2;
	v4 =	vadd.s32 s14, v13;
	s16 =	smax.u32 s3, $0x1;
	v13 =	vadd.s32 s0, v13;
	s3 =	simm.s32 $0x2  }
.LBB2_1:
0x13d: {  	[tilespmem:$0x0] =	vst v0  }
0x13e: {  	v17 =	vld [tilespmem:$0x0];
	_ =	sdelay $0x2  }
0x13f: {  	[tilespmem:$0x10] =	vst v1  }
0x140: {  	[tilespmem:$0x20] =	vst v2  }
0x141: {  	[tilespmem:$0x30] =	vst v3;
	v18 =	vshrl.u32 v17, $0x3  }
0x142: {  	[tilespmem:$0x80] =	vst v4;
	v18 =	vmul.u32 $0x18, v18  }
0x143: {  	[tilespmem:$0x90] =	vst v5;
	v17 =	vand.u32 $0x7, v17  }
0x144: {  	[tilespmem:$0xA0] =	vst v6;
	v17 =	vor.u32 v17, v18  }
0x145: {  	[tilespmem:$0xB0] =	vst v7;
	v18 =	vperm.xlane v17, v14  }
0x146: {  	[tilespmem:$0xC0] =	vst v8  }
0x147: {  	[tilespmem:$0x100] =	vst v9;
	v18 =	vadd.s32 v15, v18  }
0x148: {  	[tilespmem:$0x110] =	vst v10  }
0x149: {  	[tilespmem:$0x120] =	vst v11;
	v17 =	vperm.xlane v17, v16  }
0x14a: {  	[tilespmem:$0x130] =	vst v12  }
0x14b: {  	[tilespmem:$0x140] =	vst v13;
	s0 =	sld [smem:$0x7D2];
	v17 =	vadd.s32 v15, v17  }
0x14c: {  	[tilespmem:s17], [sflag:$0x1] =	stream.indirect_vreg.gather [hbm4b:s2+s1], $0x80, v18, vm0, $0xb8;
	[tilespmem:$0x15180] =	vst v63  }
0x14d: {  	s14 =	sld [smem:$0x7D3]  }
0x14e: {  	[tilespmem:s0], [sflag:$0x1] =	stream.indirect_vreg.gather [hbm4b:s5+s1], $0x80, v18, vm1, $0xb8;
	[tilespmem:$0x15180] =	vst v63  }
0x14f: {  	s19 =	sld [smem:$0x7D4]  }
0x150: {  	[tilespmem:s14], [sflag:$0x1] =	stream.indirect_vreg.gather [hbm4b:s2+s1], $0x80, v17, vm0, $0xb8;
	[tilespmem:$0x15180] =	vst v63  }
0x151: {  	_ = 	snop  }
0x152: {  	[tilespmem:s19], [sflag:$0x1] =	stream.indirect_vreg.gather [hbm4b:s5+s1], $0x80, v17, vm1, $0xb8;
	[tilespmem:$0x15180] =	vst v63  }
0x153: {  	v17 =	vld [tilespmem:$0x10];
	_ =	sdelay $0x4  }
0x154: {  	v18 =	vshrl.u32 v17, $0x3  }
0x155: {  	v18 =	vmul.u32 $0x18, v18  }
0x156: {  	v17 =	vand.u32 $0x7, v17  }
0x157: {  	v17 =	vor.u32 v17, v18  }
0x158: {  	v18 =	vperm.xlane v17, v14;
	_ =	sdelay $0x1  }
0x159: {  	v18 =	vadd.s32 v15, v18;
	_ =	sdelay $0x1  }
0x15a: {  	s18 =	sld [smem:$0x7D5];
	v17 =	vperm.xlane v17, v16;
	_ =	sdelay $0x1  }
0x15b: {  	s19 =	sld [smem:$0x7D6];
	v17 =	vadd.s32 v15, v17  }
0x15c: {  	[tilespmem:s18], [sflag:$0x1] =	stream.indirect_vreg.gather [hbm4b:s2+s1], $0x80, v18, vm0, $0xb8;
	[tilespmem:$0x15180] =	vst v63  }
0x15d: {  	s18 =	sld [smem:$0x7D7]  }
0x15e: {  	[tilespmem:s19], [sflag:$0x1] =	stream.indirect_vreg.gather [hbm4b:s5+s1], $0x80, v18, vm1, $0xb8;
	[tilespmem:$0x15180] =	vst v63  }
0x15f: {  	s19 =	sld [smem:$0x7D8]  }
0x160: {  	[tilespmem:s18], [sflag:$0x1] =	stream.indirect_vreg.gather [hbm4b:s2+s1], $0x80, v17, vm0, $0xb8;
	[tilespmem:$0x15180] =	vst v63  }
0x161: {  	_ = 	snop  }
0x162: {  	[tilespmem:s19], [sflag:$0x1] =	stream.indirect_vreg.gather [hbm4b:s5+s1], $0x80, v17, vm1, $0xb8;
	[tilespmem:$0x15180] =	vst v63  }
0x163: {  	v17 =	vld [tilespmem:$0x20];
	_ =	sdelay $0x4  }
0x164: {  	v18 =	vshrl.u32 v17, $0x3  }
0x165: {  	v18 =	vmul.u32 $0x18, v18  }
0x166: {  	v17 =	vand.u32 $0x7, v17  }
0x167: {  	v17 =	vor.u32 v17, v18  }
0x168: {  	v18 =	vperm.xlane v17, v14;
	_ =	sdelay $0x1  }
0x169: {  	v18 =	vadd.s32 v15, v18;
	_ =	sdelay $0x1  }
0x16a: {  	s18 =	sld [smem:$0x7D9];
	v17 =	vperm.xlane v17, v16;
	_ =	sdelay $0x1  }
0x16b: {  	s19 =	sld [smem:$0x7DA];
	v17 =	vadd.s32 v15, v17  }
0x16c: {  	[tilespmem:s18], [sflag:$0x1] =	stream.indirect_vreg.gather [hbm4b:s2+s1], $0x80, v18, vm0, $0xb8;
	[tilespmem:$0x15180] =	vst v63  }
0x16d: {  	s18 =	sld [smem:$0x7DB]  }
0x16e: {  	[tilespmem:s19], [sflag:$0x1] =	stream.indirect_vreg.gather [hbm4b:s5+s1], $0x80, v18, vm1, $0xb8;
	[tilespmem:$0x15180] =	vst v63  }
0x16f: {  	s19 =	sld [smem:$0x7DC]  }
0x170: {  	[tilespmem:s18], [sflag:$0x1] =	stream.indirect_vreg.gather [hbm4b:s2+s1], $0x80, v17, vm0, $0xb8;
	[tilespmem:$0x15180] =	vst v63  }
0x171: {  	_ = 	snop  }
0x172: {  	[tilespmem:s19], [sflag:$0x1] =	stream.indirect_vreg.gather [hbm4b:s5+s1], $0x80, v17, vm1, $0xb8;
	[tilespmem:$0x15180] =	vst v63  }
0x173: {  	v17 =	vld [tilespmem:$0x30];
	_ =	sdelay $0x4  }
0x174: {  	v18 =	vshrl.u32 v17, $0x3  }
0x175: {  	v18 =	vmul.u32 $0x18, v18  }
0x176: {  	v17 =	vand.u32 $0x7, v17  }
0x177: {  	v17 =	vor.u32 v17, v18  }
0x178: {  	v18 =	vperm.xlane v17, v14;
	_ =	sdelay $0x1  }
0x179: {  	v18 =	vadd.s32 v15, v18;
	_ =	sdelay $0x1  }
0x17a: {  	s18 =	sld [smem:$0x7DD];
	v17 =	vperm.xlane v17, v16;
	_ =	sdelay $0x1  }
0x17b: {  	s19 =	sld [smem:$0x7DE];
	v17 =	vadd.s32 v15, v17  }
0x17c: {  	[tilespmem:s18], [sflag:$0x1] =	stream.indirect_vreg.gather [hbm4b:s2+s1], $0x80, v18, vm0, $0xb8;
	[tilespmem:$0x15180] =	vst v63  }
0x17d: {  	s18 =	sld [smem:$0x7DF]  }
0x17e: {  	[tilespmem:s19], [sflag:$0x1] =	stream.indirect_vreg.gather [hbm4b:s5+s1], $0x80, v18, vm1, $0xb8;
	[tilespmem:$0x15180] =	vst v63  }
0x17f: {  	s19 =	sld [smem:$0x7E0]  }
0x180: {  	[tilespmem:s18], [sflag:$0x1] =	stream.indirect_vreg.gather [hbm4b:s2+s1], $0x80, v17, vm0, $0xb8;
	[tilespmem:$0x15180] =	vst v63  }
0x181: {  	_ = 	snop  }
0x182: {  	[tilespmem:s19], [sflag:$0x1] =	stream.indirect_vreg.gather [hbm4b:s5+s1], $0x80, v17, vm1, $0xb8;
	[tilespmem:$0x15180] =	vst v63  }
0x183: {  	v17 =	vld [tilespmem:$0x80];
	_ =	sdelay $0x4  }
0x184: {  	v18 =	vshrl.u32 v17, $0x3  }
0x185: {  	v18 =	vmul.u32 $0x18, v18  }
0x186: {  	v17 =	vand.u32 $0x7, v17  }
0x187: {  	v17 =	vor.u32 v17, v18  }
0x188: {  	v18 =	vperm.xlane v17, v14;
	_ =	sdelay $0x1  }
0x189: {  	v18 =	vadd.s32 v15, v18;
	_ =	sdelay $0x1  }
0x18a: {  	s18 =	sld [smem:$0x7E1];
	v17 =	vperm.xlane v17, v16;
	_ =	sdelay $0x1  }
0x18b: {  	s19 =	sld [smem:$0x7E2];
	v17 =	vadd.s32 v15, v17  }
0x18c: {  	[tilespmem:s18], [sflag:$0x2] =	stream.indirect_vreg.gather [hbm4b:s4+s1], $0x80, v18, vm0, $0xb8;
	[tilespmem:$0x15180] =	vst v63  }
0x18d: {  	s18 =	sld [smem:$0x7E3]  }
0x18e: {  	[tilespmem:s19], [sflag:$0x2] =	stream.indirect_vreg.gather [hbm4b:s15+s1], $0x80, v18, vm1, $0xb8;
	[tilespmem:$0x15180] =	vst v63  }
0x18f: {  	s19 =	sld [smem:$0x7E4]  }
0x190: {  	[tilespmem:s18], [sflag:$0x2] =	stream.indirect_vreg.gather [hbm4b:s4+s1], $0x80, v17, vm0, $0xb8;
	[tilespmem:$0x15180] =	vst v63  }
0x191: {  	_ = 	snop  }
0x192: {  	[tilespmem:s19], [sflag:$0x2] =	stream.indirect_vreg.gather [hbm4b:s15+s1], $0x80, v17, vm1, $0xb8;
	[tilespmem:$0x15180] =	vst v63  }
0x193: {  	v17 =	vld [tilespmem:$0x90];
	_ =	sdelay $0x4  }
0x194: {  	v18 =	vshrl.u32 v17, $0x3  }
0x195: {  	v18 =	vmul.u32 $0x18, v18  }
0x196: {  	v17 =	vand.u32 $0x7, v17  }
0x197: {  	v17 =	vor.u32 v17, v18  }
0x198: {  	v18 =	vperm.xlane v17, v14;
	_ =	sdelay $0x1  }
0x199: {  	v18 =	vadd.s32 v15, v18;
	_ =	sdelay $0x1  }
0x19a: {  	s18 =	sld [smem:$0x7E5];
	v17 =	vperm.xlane v17, v16;
	_ =	sdelay $0x1  }
0x19b: {  	s19 =	sld [smem:$0x7E6];
	v17 =	vadd.s32 v15, v17  }
0x19c: {  	[tilespmem:s18], [sflag:$0x2] =	stream.indirect_vreg.gather [hbm4b:s4+s1], $0x80, v18, vm0, $0xb8;
	[tilespmem:$0x15180] =	vst v63  }
0x19d: {  	s18 =	sld [smem:$0x7E7]  }
0x19e: {  	[tilespmem:s19], [sflag:$0x2] =	stream.indirect_vreg.gather [hbm4b:s15+s1], $0x80, v18, vm1, $0xb8;
	[tilespmem:$0x15180] =	vst v63  }
0x19f: {  	s19 =	sld [smem:$0x7E8]  }
0x1a0: {  	[tilespmem:s18], [sflag:$0x2] =	stream.indirect_vreg.gather [hbm4b:s4+s1], $0x80, v17, vm0, $0xb8;
	[tilespmem:$0x15180] =	vst v63  }
0x1a1: {  	_ = 	snop  }
0x1a2: {  	[tilespmem:s19], [sflag:$0x2] =	stream.indirect_vreg.gather [hbm4b:s15+s1], $0x80, v17, vm1, $0xb8;
	[tilespmem:$0x15180] =	vst v63  }
0x1a3: {  	v17 =	vld [tilespmem:$0xA0];
	_ =	sdelay $0x4  }
0x1a4: {  	v18 =	vshrl.u32 v17, $0x3  }
0x1a5: {  	v18 =	vmul.u32 $0x18, v18  }
0x1a6: {  	v17 =	vand.u32 $0x7, v17  }
0x1a7: {  	v17 =	vor.u32 v17, v18  }
0x1a8: {  	v18 =	vperm.xlane v17, v14;
	_ =	sdelay $0x1  }
0x1a9: {  	v18 =	vadd.s32 v15, v18;
	_ =	sdelay $0x1  }
0x1aa: {  	s18 =	sld [smem:$0x7E9];
	v17 =	vperm.xlane v17, v16;
	_ =	sdelay $0x1  }
0x1ab: {  	s19 =	sld [smem:$0x7EA];
	v17 =	vadd.s32 v15, v17  }
0x1ac: {  	[tilespmem:s18], [sflag:$0x2] =	stream.indirect_vreg.gather [hbm4b:s4+s1], $0x80, v18, vm0, $0xb8;
	[tilespmem:$0x15180] =	vst v63  }
0x1ad: {  	s18 =	sld [smem:$0x7EC]  }
0x1ae: {  	[tilespmem:s19], [sflag:$0x2] =	stream.indirect_vreg.gather [hbm4b:s15+s1], $0x80, v18, vm1, $0xb8;
	[tilespmem:$0x15180] =	vst v63  }
0x1af: {  	s19 =	sld [smem:$0x7ED]  }
0x1b0: {  	[tilespmem:s18], [sflag:$0x2] =	stream.indirect_vreg.gather [hbm4b:s4+s1], $0x80, v17, vm0, $0xb8;
	[tilespmem:$0x15180] =	vst v63  }
0x1b1: {  	_ = 	snop  }
0x1b2: {  	[tilespmem:s19], [sflag:$0x2] =	stream.indirect_vreg.gather [hbm4b:s15+s1], $0x80, v17, vm1, $0xb8;
	[tilespmem:$0x15180] =	vst v63  }
0x1b3: {  	v17 =	vld [tilespmem:$0xB0];
	_ =	sdelay $0x4  }
0x1b4: {  	v18 =	vshrl.u32 v17, $0x3  }
0x1b5: {  	v18 =	vmul.u32 $0x18, v18  }
0x1b6: {  	v17 =	vand.u32 $0x7, v17  }
0x1b7: {  	v17 =	vor.u32 v17, v18  }
0x1b8: {  	v18 =	vperm.xlane v17, v14;
	_ =	sdelay $0x1  }
0x1b9: {  	v18 =	vadd.s32 v15, v18;
	_ =	sdelay $0x1  }
0x1ba: {  	s18 =	sld [smem:$0x7EE];
	v17 =	vperm.xlane v17, v16;
	_ =	sdelay $0x1  }
0x1bb: {  	s19 =	sld [smem:$0x7EF];
	v17 =	vadd.s32 v15, v17  }
0x1bc: {  	[tilespmem:s18], [sflag:$0x2] =	stream.indirect_vreg.gather [hbm4b:s4+s1], $0x80, v18, vm0, $0xb8;
	[tilespmem:$0x15180] =	vst v63  }
0x1bd: {  	s18 =	sld [smem:$0x7F0]  }
0x1be: {  	[tilespmem:s19], [sflag:$0x2] =	stream.indirect_vreg.gather [hbm4b:s15+s1], $0x80, v18, vm1, $0xb8;
	[tilespmem:$0x15180] =	vst v63  }
0x1bf: {  	s19 =	sld [smem:$0x7F1]  }
0x1c0: {  	[tilespmem:s18], [sflag:$0x2] =	stream.indirect_vreg.gather [hbm4b:s4+s1], $0x80, v17, vm0, $0xb8;
	[tilespmem:$0x15180] =	vst v63  }
0x1c1: {  	_ = 	snop  }
0x1c2: {  	[tilespmem:s19], [sflag:$0x2] =	stream.indirect_vreg.gather [hbm4b:s15+s1], $0x80, v17, vm1, $0xb8;
	[tilespmem:$0x15180] =	vst v63  }
0x1c3: {  	v17 =	vld [tilespmem:$0xC0];
	_ =	sdelay $0x4  }
0x1c4: {  	v18 =	vshrl.u32 v17, $0x3  }
0x1c5: {  	v18 =	vmul.u32 $0x18, v18  }
0x1c6: {  	v17 =	vand.u32 $0x7, v17  }
0x1c7: {  	v17 =	vor.u32 v17, v18  }
0x1c8: {  	v18 =	vperm.xlane v17, v14;
	_ =	sdelay $0x1  }
0x1c9: {  	v18 =	vadd.s32 v15, v18;
	_ =	sdelay $0x1  }
0x1ca: {  	s18 =	sld [smem:$0x7F2];
	v17 =	vperm.xlane v17, v16;
	_ =	sdelay $0x1  }
0x1cb: {  	s19 =	sld [smem:$0x7F3];
	v17 =	vadd.s32 v15, v17  }
0x1cc: {  	[tilespmem:s18], [sflag:$0x2] =	stream.indirect_vreg.gather [hbm4b:s4+s1], $0x80, v18, vm0, $0xb8;
	[tilespmem:$0x15180] =	vst v63  }
0x1cd: {  	s18 =	sld [smem:$0x7F4]  }
0x1ce: {  	[tilespmem:s19], [sflag:$0x2] =	stream.indirect_vreg.gather [hbm4b:s15+s1], $0x80, v18, vm1, $0xb8;
	[tilespmem:$0x15180] =	vst v63  }
0x1cf: {  	s19 =	sld [smem:$0x7F5]  }
0x1d0: {  	[tilespmem:s18], [sflag:$0x2] =	stream.indirect_vreg.gather [hbm4b:s4+s1], $0x80, v17, vm0, $0xb8;
	[tilespmem:$0x15180] =	vst v63  }
0x1d1: {  	_ = 	snop  }
0x1d2: {  	[tilespmem:s19], [sflag:$0x2] =	stream.indirect_vreg.gather [hbm4b:s15+s1], $0x80, v17, vm1, $0xb8;
	[tilespmem:$0x15180] =	vst v63  }
0x1d3: {  	v17 =	vld [tilespmem:$0x100];
	_ =	sdelay $0x4  }
0x1d4: {  	v18 =	vshrl.u32 v17, $0x3  }
0x1d5: {  	v18 =	vmul.u32 $0x18, v18  }
0x1d6: {  	v17 =	vand.u32 $0x7, v17  }
0x1d7: {  	v17 =	vor.u32 v17, v18  }
0x1d8: {  	v18 =	vperm.xlane v17, v14;
	_ =	sdelay $0x1  }
0x1d9: {  	v18 =	vadd.s32 v15, v18;
	_ =	sdelay $0x1  }
0x1da: {  	s18 =	sld [smem:$0x7F6];
	v17 =	vperm.xlane v17, v16;
	_ =	sdelay $0x1  }
0x1db: {  	s19 =	sld [smem:$0x7F7];
	v17 =	vadd.s32 v15, v17  }
0x1dc: {  	[tilespmem:s18], [sflag:$0x2] =	stream.indirect_vreg.gather [hbm4b:s4+s1], $0x80, v18, vm0, $0xb8;
	[tilespmem:$0x15180] =	vst v63  }
0x1dd: {  	s18 =	sld [smem:$0x7F8]  }
0x1de: {  	[tilespmem:s19], [sflag:$0x2] =	stream.indirect_vreg.gather [hbm4b:s15+s1], $0x80, v18, vm1, $0xb8;
	[tilespmem:$0x15180] =	vst v63  }
0x1df: {  	s19 =	sld [smem:$0x7F9]  }
0x1e0: {  	[tilespmem:s18], [sflag:$0x2] =	stream.indirect_vreg.gather [hbm4b:s4+s1], $0x80, v17, vm0, $0xb8;
	[tilespmem:$0x15180] =	vst v63  }
0x1e1: {  	_ = 	snop  }
0x1e2: {  	[tilespmem:s19], [sflag:$0x2] =	stream.indirect_vreg.gather [hbm4b:s15+s1], $0x80, v17, vm1, $0xb8;
	[tilespmem:$0x15180] =	vst v63  }
0x1e3: {  	v17 =	vld [tilespmem:$0x110];
	_ =	sdelay $0x4  }
0x1e4: {  	v18 =	vshrl.u32 v17, $0x3  }
0x1e5: {  	v18 =	vmul.u32 $0x18, v18  }
0x1e6: {  	v17 =	vand.u32 $0x7, v17  }
0x1e7: {  	v17 =	vor.u32 v17, v18  }
0x1e8: {  	v18 =	vperm.xlane v17, v14;
	_ =	sdelay $0x1  }
0x1e9: {  	v18 =	vadd.s32 v15, v18;
	_ =	sdelay $0x1  }
0x1ea: {  	s14 =	sld [smem:$0x7FA];
	v17 =	vperm.xlane v17, v16;
	_ =	sdelay $0x1  }
0x1eb: {  	s18 =	sld [smem:$0x7FB];
	v17 =	vadd.s32 v15, v17  }
0x1ec: {  	[tilespmem:s14], [sflag:$0x2] =	stream.indirect_vreg.gather [hbm4b:s4+s1], $0x80, v18, vm0, $0xb8;
	[tilespmem:$0x15180] =	vst v63  }
0x1ed: {  	s19 =	sld [smem:$0x7FC]  }
0x1ee: {  	[tilespmem:s18], [sflag:$0x2] =	stream.indirect_vreg.gather [hbm4b:s15+s1], $0x80, v18, vm1, $0xb8;
	[tilespmem:$0x15180] =	vst v63  }
0x1ef: {  	s18 =	sld [smem:$0x7FD]  }
0x1f0: {  	[tilespmem:s19], [sflag:$0x2] =	stream.indirect_vreg.gather [hbm4b:s4+s1], $0x80, v17, vm0, $0xb8;
	[tilespmem:$0x15180] =	vst v63  }
0x1f1: {  	_ = 	snop  }
0x1f2: {  	[tilespmem:s18], [sflag:$0x2] =	stream.indirect_vreg.gather [hbm4b:s15+s1], $0x80, v17, vm1, $0xb8;
	[tilespmem:$0x15180] =	vst v63  }
0x1f3: {  	v17 =	vld [tilespmem:$0x120];
	_ =	sdelay $0x4  }
0x1f4: {  	v18 =	vshrl.u32 v17, $0x3  }
0x1f5: {  	v18 =	vmul.u32 $0x18, v18  }
0x1f6: {  	v17 =	vand.u32 $0x7, v17  }
0x1f7: {  	v17 =	vor.u32 v17, v18  }
0x1f8: {  	v18 =	vperm.xlane v17, v14;
	_ =	sdelay $0x1  }
0x1f9: {  	v18 =	vadd.s32 v15, v18;
	_ =	sdelay $0x1  }
0x1fa: {  	v17 =	vperm.xlane v17, v16;
	_ =	sdelay $0x1  }
0x1fb: {  	s19 =	simm.s32 $0x10980;
	v17 =	vadd.s32 v15, v17  }
0x1fc: {  	[tilespmem:s19], [sflag:$0x2] =	stream.indirect_vreg.gather [hbm4b:s4+s1], $0x80, v18, vm0, $0xb8;
	[tilespmem:$0x15180] =	vst v63  }
0x1fd: {  	s14 =	simm.s32 $0x11180  }
0x1fe: {  	[tilespmem:s14], [sflag:$0x2] =	stream.indirect_vreg.gather [hbm4b:s15+s1], $0x80, v18, vm1, $0xb8;
	[tilespmem:$0x15180] =	vst v63  }
0x1ff: {  	s18 =	simm.s32 $0x11580  }
0x200: {  	[tilespmem:s18], [sflag:$0x2] =	stream.indirect_vreg.gather [hbm4b:s4+s1], $0x80, v17, vm0, $0xb8;
	[tilespmem:$0x15180] =	vst v63  }
0x201: {  	_ = 	snop  }
0x202: {  	[tilespmem:s20], [sflag:$0x2] =	stream.indirect_vreg.gather [hbm4b:s15+s1], $0x80, v17, vm1, $0xb8;
	[tilespmem:$0x15180] =	vst v63  }
0x203: {  	v17 =	vld [tilespmem:$0x130];
	_ =	sdelay $0x4  }
0x204: {  	v18 =	vshrl.u32 v17, $0x3  }
0x205: {  	v18 =	vmul.u32 $0x18, v18  }
0x206: {  	v17 =	vand.u32 $0x7, v17  }
0x207: {  	v17 =	vor.u32 v17, v18  }
0x208: {  	v18 =	vperm.xlane v17, v14;
	_ =	sdelay $0x1  }
0x209: {  	v18 =	vadd.s32 v15, v18;
	_ =	sdelay $0x1  }
0x20a: {  	v17 =	vperm.xlane v17, v16;
	_ =	sdelay $0x1  }
0x20b: {  	v17 =	vadd.s32 v15, v17  }
0x20c: {  	[tilespmem:s21], [sflag:$0x2] =	stream.indirect_vreg.gather [hbm4b:s4+s1], $0x80, v18, vm0, $0xb8;
	[tilespmem:$0x15180] =	vst v63  }
0x20d: {  	_ = 	snop  }
0x20e: {  	[tilespmem:s22], [sflag:$0x2] =	stream.indirect_vreg.gather [hbm4b:s15+s1], $0x80, v18, vm1, $0xb8;
	[tilespmem:$0x15180] =	vst v63  }
0x20f: {  	_ = 	snop  }
0x210: {  	[tilespmem:s23], [sflag:$0x2] =	stream.indirect_vreg.gather [hbm4b:s4+s1], $0x80, v17, vm0, $0xb8;
	[tilespmem:$0x15180] =	vst v63  }
0x211: {  	_ = 	snop  }
0x212: {  	[tilespmem:s24], [sflag:$0x2] =	stream.indirect_vreg.gather [hbm4b:s15+s1], $0x80, v17, vm1, $0xb8;
	[tilespmem:$0x15180] =	vst v63  }
0x213: {  	v17 =	vld [tilespmem:$0x140];
	_ =	sdelay $0x4  }
0x214: {  	v18 =	vshrl.u32 v17, $0x3  }
0x215: {  	v18 =	vmul.u32 $0x18, v18  }
0x216: {  	v17 =	vand.u32 $0x7, v17  }
0x217: {  	v17 =	vor.u32 v17, v18  }
0x218: {  	v18 =	vperm.xlane v17, v14;
	_ =	sdelay $0x1  }
0x219: {  	v18 =	vadd.s32 v15, v18;
	_ =	sdelay $0x1  }
0x21a: {  	v17 =	vperm.xlane v17, v16;
	_ =	sdelay $0x1  }
0x21b: {  	v17 =	vadd.s32 v15, v17  }
0x21c: {  	[tilespmem:s25], [sflag:$0x2] =	stream.indirect_vreg.gather [hbm4b:s4+s1], $0x80, v18, vm0, $0xb8;
	[tilespmem:$0x15180] =	vst v63  }
0x21d: {  	_ = 	snop  }
0x21e: {  	[tilespmem:s26], [sflag:$0x2] =	stream.indirect_vreg.gather [hbm4b:s15+s1], $0x80, v18, vm1, $0xb8;
	[tilespmem:$0x15180] =	vst v63  }
0x21f: {  	_ = 	snop  }
0x220: {  	[tilespmem:s28], [sflag:$0x2] =	stream.indirect_vreg.gather [hbm4b:s4+s1], $0x80, v17, vm0, $0xb8;
	[tilespmem:$0x15180] =	vst v63  }
0x221: {  	_ = 	snop  }
0x222: {  	[tilespmem:s29], [sflag:$0x2] =	stream.indirect_vreg.gather [hbm4b:s15+s1], $0x80, v17, vm1, $0xb8;
	[tilespmem:$0x15180] =	vst v63  }
0x223: {  	_ =	swait.ge [sflag:s6], $0x6000  }
0x224: {  	s19 =	rddreg [dreg:$0x4]  }
0x225: {  	[sflag:s6] =	ssyncset.done $0x0;
	s14 =	rddreg [dreg:$0x5]  }
0x226: {  	s18 =	rddreg [dreg:$0x7];
	[sflag:s6] =	ssyncadd.s32 $0xFFFFA000  }
0x227: {  	[hbm4b:s19+s30] =	stream.strided.scatter [tilespmem:s17], [sflag:$0x1], $0x1800, s31, s30, $0x38;
	[tilespmem:$0x15180] =	vst v63  }
0x228: {  	s19 =	rddreg [dreg:$0x6]  }
0x229: {  	[hbm4b:s7+s30] =	stream.strided.scatter [tilespmem:s14], [sflag:$0x1], $0x1800, s31, s30, $0x38;
	[tilespmem:$0x15180] =	vst v63  }
0x22a: {  	s14 =	rddreg [dreg:$0x8]  }
0x22b: {  	[hbm4b:s19+s30] =	stream.strided.scatter [tilespmem:s18], [sflag:$0x1], $0x1800, s31, s30, $0x38;
	[tilespmem:$0x15180] =	vst v63  }
0x22c: {  	s18 =	rddreg [dreg:$0x9]  }
0x22d: {  	s19 =	rddreg [dreg:$0xa]  }
0x22e: {  	[hbm4b:s8+s30] =	stream.strided.scatter [tilespmem:s14], [sflag:$0x1], $0x1800, s31, s30, $0x38;
	[tilespmem:$0x15180] =	vst v63  }
0x22f: {  	s14 =	rddreg [dreg:$0xb]  }
0x230: {  	[hbm4b:s18+s30] =	stream.strided.scatter [tilespmem:s19], [sflag:$0x1], $0x1800, s31, s30, $0x38;
	[tilespmem:$0x15180] =	vst v63  }
0x231: {  	s18 =	rddreg [dreg:$0xc]  }
0x232: {  	s19 =	rddreg [dreg:$0xd]  }
0x233: {  	[hbm4b:s9+s30] =	stream.strided.scatter [tilespmem:s14], [sflag:$0x1], $0x1800, s31, s30, $0x38;
	[tilespmem:$0x15180] =	vst v63  }
0x234: {  	s14 =	rddreg [dreg:$0xe]  }
0x235: {  	[hbm4b:s18+s30] =	stream.strided.scatter [tilespmem:s19], [sflag:$0x1], $0x1800, s31, s30, $0x38;
	[tilespmem:$0x15180] =	vst v63  }
0x236: {  	s18 =	rddreg [dreg:$0xf]  }
0x237: {  	s19 =	rddreg [dreg:$0x10]  }
0x238: {  	[hbm4b:s10+s30] =	stream.strided.scatter [tilespmem:s14], [sflag:$0x1], $0x1800, s31, s30, $0x38;
	[tilespmem:$0x15180] =	vst v63  }
0x239: {  	s14 =	rddreg [dreg:$0x11]  }
0x23a: {  	[hbm4b:s18+s30] =	stream.strided.scatter [tilespmem:s19], [sflag:$0x1], $0x1800, s31, s30, $0x38;
	[tilespmem:$0x15180] =	vst v63  }
0x23b: {  	s18 =	rddreg [dreg:$0x12]  }
0x23c: {  	s19 =	rddreg [dreg:$0x13]  }
0x23d: {  	[hbm4b:s11+s30] =	stream.strided.scatter [tilespmem:s14], [sflag:$0x1], $0x1800, s31, s30, $0x38;
	[tilespmem:$0x15180] =	vst v63  }
0x23e: {  	s14 =	rddreg [dreg:$0x15]  }
0x23f: {  	[hbm4b:s18+s30] =	stream.strided.scatter [tilespmem:s19], [sflag:$0x1], $0x1800, s31, s30, $0x38;
	[tilespmem:$0x15180] =	vst v63  }
0x240: {  	s19 =	rddreg [dreg:$0x14]  }
0x241: {  	[hbm4b:s12+s30] =	stream.strided.scatter [tilespmem:s19], [sflag:$0x1], $0x1800, s31, s30, $0x38;
	[tilespmem:$0x15180] =	vst v63  }
0x242: {  	s18 =	rddreg [dreg:$0x16]  }
0x243: {  	[hbm4b:s14+s30] =	stream.strided.scatter [tilespmem:s18], [sflag:$0x1], $0x1800, s31, s30, $0x38;
	[tilespmem:$0x15180] =	vst v63  }
0x244: {  	s19 =	rddreg [dreg:$0x17]  }
0x245: {  	[hbm4b:s13+s30] =	stream.strided.scatter [tilespmem:s19], [sflag:$0x1], $0x1800, s31, s30, $0x38;
	[tilespmem:$0x15180] =	vst v63  }
0x246: {  	_ =	swait.ge [sflag:s3], $0x7800  }
0x247: {  	[sflag:s3] =	ssyncset.done $0x0  }
0x248: {  	[sflag:s3] =	ssyncadd.s32 $0xFFFF8800  }
0x249: {  	_ =	swait.ge [sflag:s3], $0x7800  }
0x24a: {  	s0 =	rddreg [dreg:$0x18]  }
0x24b: {  	s14 =	rddreg [dreg:$0x19]  }
0x24c: {  	[sflag:s3] =	ssyncset.done $0x0;
	s18 =	rddreg [dreg:$0x1a]  }
0x24d: {  	s19 =	rddreg [dreg:$0x1b];
	[sflag:s3] =	ssyncadd.s32 $0xFFFF8800  }
0x24e: {  	[hbm4b:s0+s30] =	stream.strided.scatter [tilespmem:s14], [sflag:$0x2], $0x1800, s31, s30, $0x38;
	[tilespmem:$0x15180] =	vst v63  }
0x24f: {  	s0 =	rddreg [dreg:$0x1c]  }
0x250: {  	s14 =	rddreg [dreg:$0x1d]  }
0x251: {  	[hbm4b:s18+s30] =	stream.strided.scatter [tilespmem:s19], [sflag:$0x2], $0x1800, s31, s30, $0x38;
	[tilespmem:$0x15180] =	vst v63  }
0x252: {  	s18 =	rddreg [dreg:$0x1e]  }
0x253: {  	s19 =	rddreg [dreg:$0x1f]  }
0x254: {  	[hbm4b:s0+s30] =	stream.strided.scatter [tilespmem:s14], [sflag:$0x2], $0x1800, s31, s30, $0x38;
	[tilespmem:$0x15180] =	vst v63  }
0x255: {  	s0 =	sld [smem:$0x7BD]  }
0x256: {  	s14 =	sld [smem:$0x7BE]  }
0x257: {  	[hbm4b:s18+s30] =	stream.strided.scatter [tilespmem:s19], [sflag:$0x2], $0x1800, s31, s30, $0x38;
	[tilespmem:$0x15180] =	vst v63  }
0x258: {  	s18 =	sld [smem:$0x7BF]  }
0x259: {  	s19 =	sld [smem:$0x7C0]  }
0x25a: {  	[hbm4b:s0+s30] =	stream.strided.scatter [tilespmem:s14], [sflag:$0x2], $0x1800, s31, s30, $0x38;
	[tilespmem:$0x15180] =	vst v63  }
0x25b: {  	s0 =	sld [smem:$0x7C2]  }
0x25c: {  	s14 =	sld [smem:$0x7C3]  }
0x25d: {  	[hbm4b:s18+s30] =	stream.strided.scatter [tilespmem:s19], [sflag:$0x2], $0x1800, s31, s30, $0x38;
	[tilespmem:$0x15180] =	vst v63  }
0x25e: {  	s18 =	sld [smem:$0x7C4]  }
0x25f: {  	s19 =	sld [smem:$0x7C5]  }
0x260: {  	[hbm4b:s0+s30] =	stream.strided.scatter [tilespmem:s14], [sflag:$0x2], $0x1800, s31, s30, $0x38;
	[tilespmem:$0x15180] =	vst v63  }
0x261: {  	s0 =	sld [smem:$0x7C6]  }
0x262: {  	s14 =	sld [smem:$0x7C7]  }
0x263: {  	[hbm4b:s18+s30] =	stream.strided.scatter [tilespmem:s19], [sflag:$0x2], $0x1800, s31, s30, $0x38;
	[tilespmem:$0x15180] =	vst v63  }
0x264: {  	s18 =	sld [smem:$0x7C8]  }
0x265: {  	s19 =	sld [smem:$0x7C9]  }
0x266: {  	[hbm4b:s0+s30] =	stream.strided.scatter [tilespmem:s14], [sflag:$0x2], $0x1800, s31, s30, $0x38;
	[tilespmem:$0x15180] =	vst v63  }
0x267: {  	s0 =	sld [smem:$0x7CA]  }
0x268: {  	s14 =	sld [smem:$0x7CB]  }
0x269: {  	[hbm4b:s18+s30] =	stream.strided.scatter [tilespmem:s19], [sflag:$0x2], $0x1800, s31, s30, $0x38;
	[tilespmem:$0x15180] =	vst v63  }
0x26a: {  	s18 =	sld [smem:$0x7CC]  }
0x26b: {  	s19 =	sld [smem:$0x7CD]  }
0x26c: {  	[hbm4b:s0+s30] =	stream.strided.scatter [tilespmem:s14], [sflag:$0x2], $0x1800, s31, s30, $0x38;
	[tilespmem:$0x15180] =	vst v63  }
0x26d: {  	s0 =	sld [smem:$0x7CE]  }
0x26e: {  	s14 =	sld [smem:$0x7CF]  }
0x26f: {  	[hbm4b:s18+s30] =	stream.strided.scatter [tilespmem:s19], [sflag:$0x2], $0x1800, s31, s30, $0x38;
	[tilespmem:$0x15180] =	vst v63  }
0x270: {  	s18 =	sld [smem:$0x7D0]  }
0x271: {  	s19 =	sld [smem:$0x7D1]  }
0x272: {  	[hbm4b:s0+s30] =	stream.strided.scatter [tilespmem:s14], [sflag:$0x2], $0x1800, s31, s30, $0x38;
	[tilespmem:$0x15180] =	vst v63  }
0x273: {  	_ = 	snop  }
0x274: {  	[hbm4b:s18+s30] =	stream.strided.scatter [tilespmem:s19], [sflag:$0x2], $0x1800, s31, s30, $0x38;
	[tilespmem:$0x15180] =	vst v63  }
0x275: {  	_ =	swait.ge [sflag:s6], $0x1800  }
0x276: {  	[sflag:s6] =	ssyncset.done $0x0  }
0x277: {  	[sflag:s6] =	ssyncadd.s32 $0xFFFFE800  }
0x278: {  	_ =	swait.ge [sflag:s6], $0x1800  }
0x279: {  	[sflag:s6] =	ssyncset.done $0x0  }
0x27a: {  	[sflag:s6] =	ssyncadd.s32 $0xFFFFE800  }
0x27b: {  	_ =	swait.ge [sflag:s6], $0x1800  }
0x27c: {  	[sflag:s6] =	ssyncset.done $0x0  }
0x27d: {  	[sflag:s6] =	ssyncadd.s32 $0xFFFFE800  }
0x27e: {  	_ =	swait.ge [sflag:s6], $0x1800  }
0x27f: {  	[sflag:s6] =	ssyncset.done $0x0  }
0x280: {  	[sflag:s6] =	ssyncadd.s32 $0xFFFFE800  }
0x281: {  	_ =	swait.ge [sflag:s6], $0x1800  }
0x282: {  	[sflag:s6] =	ssyncset.done $0x0  }
0x283: {  	[sflag:s6] =	ssyncadd.s32 $0xFFFFE800  }
0x284: {  	_ =	swait.ge [sflag:s6], $0x1800  }
0x285: {  	[sflag:s6] =	ssyncset.done $0x0  }
0x286: {  	[sflag:s6] =	ssyncadd.s32 $0xFFFFE800  }
0x287: {  	_ =	swait.ge [sflag:s6], $0x1800  }
0x288: {  	[sflag:s6] =	ssyncset.done $0x0  }
0x289: {  	[sflag:s6] =	ssyncadd.s32 $0xFFFFE800  }
0x28a: {  	_ =	swait.ge [sflag:s6], $0x1800  }
0x28b: {  	[sflag:s6] =	ssyncset.done $0x0  }
0x28c: {  	[sflag:s6] =	ssyncadd.s32 $0xFFFFE800  }
0x28d: {  	_ =	swait.ge [sflag:s6], $0x1800  }
0x28e: {  	[sflag:s6] =	ssyncset.done $0x0  }
0x28f: {  	[sflag:s6] =	ssyncadd.s32 $0xFFFFE800  }
0x290: {  	_ =	swait.ge [sflag:s6], $0x1800  }
0x291: {  	[sflag:s6] =	ssyncset.done $0x0  }
0x292: {  	[sflag:s6] =	ssyncadd.s32 $0xFFFFE800  }
0x293: {  	_ =	swait.ge [sflag:s6], $0x1800  }
0x294: {  	[sflag:s6] =	ssyncset.done $0x0  }
0x295: {  	[sflag:s6] =	ssyncadd.s32 $0xFFFFE800  }
0x296: {  	_ =	swait.ge [sflag:s6], $0x1800  }
0x297: {  	[sflag:s6] =	ssyncset.done $0x0  }
0x298: {  	[sflag:s6] =	ssyncadd.s32 $0xFFFFE800  }
0x299: {  	_ =	swait.ge [sflag:s6], $0x1800  }
0x29a: {  	[sflag:s6] =	ssyncset.done $0x0  }
0x29b: {  	[sflag:s6] =	ssyncadd.s32 $0xFFFFE800  }
0x29c: {  	_ =	swait.ge [sflag:s6], $0x1800  }
0x29d: {  	[sflag:s6] =	ssyncset.done $0x0  }
0x29e: {  	[sflag:s6] =	ssyncadd.s32 $0xFFFFE800  }
0x29f: {  	_ =	swait.ge [sflag:s3], $0x1800  }
0x2a0: {  	[sflag:s3] =	ssyncset.done $0x0  }
0x2a1: {  	[sflag:s3] =	ssyncadd.s32 $0xFFFFE800  }
0x2a2: {  	_ =	swait.ge [sflag:s3], $0x1800  }
0x2a3: {  	[sflag:s3] =	ssyncset.done $0x0  }
0x2a4: {  	[sflag:s3] =	ssyncadd.s32 $0xFFFFE800  }
0x2a5: {  	_ =	swait.ge [sflag:s3], $0x1800  }
0x2a6: {  	[sflag:s3] =	ssyncset.done $0x0  }
0x2a7: {  	[sflag:s3] =	ssyncadd.s32 $0xFFFFE800  }
0x2a8: {  	_ =	swait.ge [sflag:s3], $0x1800  }
0x2a9: {  	[sflag:s3] =	ssyncset.done $0x0  }
0x2aa: {  	[sflag:s3] =	ssyncadd.s32 $0xFFFFE800  }
0x2ab: {  	_ =	swait.ge [sflag:s3], $0x1800  }
0x2ac: {  	[sflag:s3] =	ssyncset.done $0x0  }
0x2ad: {  	[sflag:s3] =	ssyncadd.s32 $0xFFFFE800  }
0x2ae: {  	_ =	swait.ge [sflag:s3], $0x1800  }
0x2af: {  	[sflag:s3] =	ssyncset.done $0x0  }
0x2b0: {  	[sflag:s3] =	ssyncadd.s32 $0xFFFFE800  }
0x2b1: {  	_ =	swait.ge [sflag:s3], $0x1800  }
0x2b2: {  	[sflag:s3] =	ssyncset.done $0x0  }
0x2b3: {  	[sflag:s3] =	ssyncadd.s32 $0xFFFFE800  }
0x2b4: {  	_ =	swait.ge [sflag:s3], $0x1800  }
0x2b5: {  	[sflag:s3] =	ssyncset.done $0x0  }
0x2b6: {  	[sflag:s3] =	ssyncadd.s32 $0xFFFFE800  }
0x2b7: {  	_ =	swait.ge [sflag:s3], $0x1800  }
0x2b8: {  	[sflag:s3] =	ssyncset.done $0x0  }
0x2b9: {  	[sflag:s3] =	ssyncadd.s32 $0xFFFFE800  }
0x2ba: {  	_ =	swait.ge [sflag:s3], $0x1800  }
0x2bb: {  	[sflag:s3] =	ssyncset.done $0x0  }
0x2bc: {  	[sflag:s3] =	ssyncadd.s32 $0xFFFFE800  }
0x2bd: {  	_ =	swait.ge [sflag:s3], $0x1800  }
0x2be: {  	[sflag:s3] =	ssyncset.done $0x0  }
0x2bf: {  	[sflag:s3] =	ssyncadd.s32 $0xFFFFE800  }
0x2c0: {  	_ =	swait.ge [sflag:s3], $0x1800  }
0x2c1: {  	[sflag:s3] =	ssyncset.done $0x0  }
0x2c2: {  	[sflag:s3] =	ssyncadd.s32 $0xFFFFE800  }
0x2c3: {  	p0 =	sne.s32 s16, $0x1;
	_ =	swait.ge [sflag:s3], $0x1800  }
.Ltmp0:
0x2c4: {  	[sflag:s3] =	ssyncset.done $0x0;
	(pc) =	sbr.rel @p0 .LBB2_1-.Ltmp0, $4  }
0x2c5: {  	[sflag:s3] =	ssyncadd.s32 $0xFFFFE800  }
0x2c6: {  	_ =	swait.ge [sflag:s3], $0x1800  }
0x2c7: {  	[sflag:s3] =	ssyncset.done $0x0  }
0x2c8: {  	s16 =	sadd.s32 $0xFFFFFFFF, s16;
	[sflag:s3] =	ssyncadd.s32 $0xFFFFE800  }
0x2c9: {  	_ =	sfence.sel $0x180000  }
0x2ca: {  	[bflag:$0x0] =	sbarrier.arrive $0xFFFF  }
0x2cb: {  	_ =	strace $0x90000047  }
0x2cc: {  	s0 =	stileid.u32;
	[bflag:$0x2] =	sbarrier.arrive $0xFFFF  }
0x2cd: {  	p0 =	sne.s32 s0, $0x0;
	s0 =	rddreg [dreg:$0x3]  }
0x2ce: {  	s0 =	sadd.s32 @!p0 $0x100000, s0  }
0x2cf: {  	[sflag:s0] =	ssyncadd.tile.s32 @!p0 $0x1;
	_ =	shalt  }
.Lfunc_end2:
_tile_overlayer_lowered:
.L_overlay_start_2:
0x2d0: {  	(tag) =	ssettag $0x2  }
0x2d1: {  	s0 =	rddreg [dreg:$0x0];
	s2 =	stileid.u32  }
0x2d2: {  	s1 =	rddreg [dreg:$0x1];
	p0 =	sne.s32 s2, $0x0  }
0x2d3: {  	s3 =	rddreg [dreg:$0x2];
	[bflag:$0x3] =	sbarrier.arrive $0xFFFF;
	s2 =	simm.s32 @!p0 $0x1C03  }
0x2d4: {  	[timem:s3], [sflag:s2] =	dma.local @!p0 [hbm:s0], s1  }
0x2d5: {  	s0 =	simm.s32 @!p0 $0x3  }
0x2d6: {  	_ =	swait.ge @!p0 [sflag:s0], s1  }
0x2d7: {  	s1 =	ssub.s32 @!p0 $0x0, s1;
	[sflag:s0] =	ssyncset.done @!p0 $0x0  }
0x2d8: {  	[sflag:s0] =	ssyncadd.s32 @!p0 s1  }
0x2d9: {  	[bflag:$0x3] =	sbarrier.arrive $0xFFFF  }
0x2da: {  	_ =	shalt  }

</sc_bundles>
